<compile_context>
chip_gen: v7x
topology: tpu7x:2x2x1
jax: 0.10.2.dev20260603
libtpu: 0.0.44.dev20260713+nightly
codegen_flags: <defaults>
</compile_context>

<pallas_src>
import functools

import jax
import jax.numpy as jnp
from jax import lax
from jax.experimental import pallas as pl
from jax.experimental.pallas import tpu as pltpu
from jax.experimental.pallas import tpu_sc as plsc

N, E, NG = 10000, 320000, 128
DX, DE = 128, 16
H, DOUT = 76, 64
HP = 128
NP = 10240
NC, NS, NW = 2, 16, 32
CH = 128
EPW = 10240
EP = NW * EPW
NCHUNK = EPW // CH

BN = 1024
BE = 4096

_SC_MESH = plsc.VectorSubcoreMesh(core_axis_name="c", subcore_axis_name="s")



def _node_init_body(x_ref, wex_ref, bex_ref, wni_ref, bni_ref, h_ref):
    hx = jax.nn.relu(jnp.dot(x_ref[...], wex_ref[...],
                             preferred_element_type=jnp.float32) + bex_ref[...])
    h_ref[...] = jax.nn.relu(jnp.dot(hx, wni_ref[...],
                                     preferred_element_type=jnp.float32) + bni_ref[...])


def _node_init(xp, Wex, bex, Wni_p, bni_p):
    grid = NP // BN
    return pl.pallas_call(
        _node_init_body,
        grid=(grid,),
        in_specs=[
            pl.BlockSpec((BN, DX), lambda i: (i, 0)),
            pl.BlockSpec((DX, DX), lambda i: (0, 0)),
            pl.BlockSpec((1, DX), lambda i: (0, 0)),
            pl.BlockSpec((DX, HP), lambda i: (0, 0)),
            pl.BlockSpec((1, HP), lambda i: (0, 0)),
        ],
        out_specs=pl.BlockSpec((BN, HP), lambda i: (i, 0)),
        out_shape=jax.ShapeDtypeStruct((NP, HP), jnp.float32),
    )(xp, Wex, bex, Wni_p, bni_p)


def _edge_init_body(ea_ref, wee_ref, bee_ref, wei_ref, bei_ref, e_ref):
    he = jax.nn.relu(jnp.dot(ea_ref[...], wee_ref[...],
                             preferred_element_type=jnp.float32) + bee_ref[...])
    e_ref[...] = jax.nn.relu(jnp.dot(he, wei_ref[...],
                                     preferred_element_type=jnp.float32) + bei_ref[...])


def _edge_init(eap, Wee, bee, Wei_p, bei_p):
    grid = EP // BE
    return pl.pallas_call(
        _edge_init_body,
        grid=(grid,),
        in_specs=[
            pl.BlockSpec((BE, DE), lambda i: (i, 0)),
            pl.BlockSpec((DE, DX), lambda i: (0, 0)),
            pl.BlockSpec((1, DX), lambda i: (0, 0)),
            pl.BlockSpec((DX, HP), lambda i: (0, 0)),
            pl.BlockSpec((1, HP), lambda i: (0, 0)),
        ],
        out_specs=pl.BlockSpec((BE, HP), lambda i: (i, 0)),
        out_shape=jax.ShapeDtypeStruct((EP, HP), jnp.float32),
    )(eap, Wee, bee, Wei_p, bei_p)


def _edge_update_body(e_ref, a_ref, b_ref, w3_ref, o_ref):
    acc = jnp.dot(e_ref[...], w3_ref[...], preferred_element_type=jnp.float32)
    o_ref[...] = jax.nn.relu(acc + a_ref[...] + b_ref[...])


def _edge_out_body(e_ref, a_ref, b_ref, w3_ref, weo_ref, o_ref):
    acc = jnp.dot(e_ref[...], w3_ref[...], preferred_element_type=jnp.float32)
    out = jax.nn.relu(acc + a_ref[...] + b_ref[...])
    col = lax.broadcasted_iota(jnp.int32, out.shape, 1)
    out = jnp.where(col == H, 1.0, out)
    o_ref[...] = jnp.dot(out, weo_ref[...], preferred_element_type=jnp.float32)


def _edge_update(e, A, B, W3):
    grid = EP // BE
    return pl.pallas_call(
        _edge_update_body,
        grid=(grid,),
        in_specs=[
            pl.BlockSpec((BE, HP), lambda i: (i, 0)),
            pl.BlockSpec((BE, HP), lambda i: (i, 0)),
            pl.BlockSpec((BE, HP), lambda i: (i, 0)),
            pl.BlockSpec((HP, HP), lambda i: (0, 0)),
        ],
        out_specs=pl.BlockSpec((BE, HP), lambda i: (i, 0)),
        out_shape=jax.ShapeDtypeStruct((EP, HP), jnp.float32),
    )(e, A, B, W3)


def _edge_out(e, A, B, W3, Weo_aug):
    grid = EP // BE
    return pl.pallas_call(
        _edge_out_body,
        grid=(grid,),
        in_specs=[
            pl.BlockSpec((BE, HP), lambda i: (i, 0)),
            pl.BlockSpec((BE, HP), lambda i: (i, 0)),
            pl.BlockSpec((BE, HP), lambda i: (i, 0)),
            pl.BlockSpec((HP, HP), lambda i: (0, 0)),
            pl.BlockSpec((HP, HP), lambda i: (0, 0)),
        ],
        out_specs=pl.BlockSpec((BE, HP), lambda i: (i, 0)),
        out_shape=jax.ShapeDtypeStruct((EP, HP), jnp.float32),
    )(e, A, B, W3, Weo_aug)


def _node_up_body(h_ref, m0_ref, m1_ref, wna_ref, wnb_ref, bn_ref,
                  wea_ref, bep_ref, web_ref, hn_ref, p1_ref, p2_ref):
    m = m0_ref[...] + m1_ref[...]
    hn = jax.nn.relu(
        jnp.dot(h_ref[...], wna_ref[...], preferred_element_type=jnp.float32)
        + jnp.dot(m, wnb_ref[...], preferred_element_type=jnp.float32)
        + bn_ref[...])
    hn_ref[...] = hn
    p1_ref[...] = jnp.dot(hn, wea_ref[...],
                          preferred_element_type=jnp.float32) + bep_ref[...]
    p2_ref[...] = jnp.dot(hn, web_ref[...], preferred_element_type=jnp.float32)


def _node_update_pp(h, m0, m1, WnA, WnB, bn_p, WeA, beP, WeB):
    grid = NP // BN
    blk = pl.BlockSpec((BN, HP), lambda i: (i, 0))
    wblk = pl.BlockSpec((HP, HP), lambda i: (0, 0))
    bblk = pl.BlockSpec((1, HP), lambda i: (0, 0))
    return pl.pallas_call(
        _node_up_body,
        grid=(grid,),
        in_specs=[blk, blk, blk, wblk, wblk, bblk, wblk, bblk, wblk],
        out_specs=[blk, blk, blk],
        out_shape=[jax.ShapeDtypeStruct((NP, HP), jnp.float32)] * 3,
    )(h, m0, m1, WnA, WnB, bn_p, WeA, beP, WeB)


def _pp_body(h_ref, wea_ref, bep_ref, web_ref, p1_ref, p2_ref):
    h = h_ref[...]
    p1_ref[...] = jnp.dot(h, wea_ref[...],
                          preferred_element_type=jnp.float32) + bep_ref[...]
    p2_ref[...] = jnp.dot(h, web_ref[...], preferred_element_type=jnp.float32)


def _pp(h, WeA, beP, WeB):
    grid = NP // BN
    return pl.pallas_call(
        _pp_body,
        grid=(grid,),
        in_specs=[
            pl.BlockSpec((BN, HP), lambda i: (i, 0)),
            pl.BlockSpec((HP, HP), lambda i: (0, 0)),
            pl.BlockSpec((1, HP), lambda i: (0, 0)),
            pl.BlockSpec((HP, HP), lambda i: (0, 0)),
        ],
        out_specs=[pl.BlockSpec((BN, HP), lambda i: (i, 0)),
                   pl.BlockSpec((BN, HP), lambda i: (i, 0))],
        out_shape=[jax.ShapeDtypeStruct((NP, HP), jnp.float32)] * 2,
    )(h, WeA, beP, WeB)


def _readout_body(s0_ref, s1_ref, batch_ref, wr1_ref, br1_ref,
                  wr2_ref, br2_ref, o_ref):
    s = s0_ref[...] + s1_ref[...]
    gids = lax.broadcasted_iota(jnp.int32, (NG, NP), 0)
    onehot = (gids == batch_ref[...]).astype(jnp.float32)
    pooled = jnp.dot(onehot, s, preferred_element_type=jnp.float32,
                     precision=lax.Precision.HIGHEST)
    r1 = jax.nn.relu(jnp.dot(pooled[:, :DOUT], wr1_ref[...],
                             preferred_element_type=jnp.float32) + br1_ref[...])
    o_ref[...] = jnp.dot(r1, wr2_ref[...],
                         preferred_element_type=jnp.float32) + br2_ref[...]


def _readout(s0, s1, batch_r, Wr1, br1, Wr2, br2):
    return pl.pallas_call(
        _readout_body,
        in_specs=[
            pl.BlockSpec((NP, HP), lambda: (0, 0)),
            pl.BlockSpec((NP, HP), lambda: (0, 0)),
            pl.BlockSpec((1, NP), lambda: (0, 0)),
            pl.BlockSpec((DOUT, 64), lambda: (0, 0)),
            pl.BlockSpec((1, 64), lambda: (0, 0)),
            pl.BlockSpec((64, 1), lambda: (0, 0)),
            pl.BlockSpec((1, 1), lambda: (0, 0)),
        ],
        out_specs=pl.BlockSpec((NG, 1), lambda: (0, 0)),
        out_shape=jax.ShapeDtypeStruct((NG, 1), jnp.float32),
    )(s0, s1, batch_r, Wr1, br1, Wr2, br2)



SB = 2
TOTCH = EP // CH
CF, CS = 120, 40
IDXPAD = 16 * CF + 16 * CS + (CF - CS)
IDXPAD = ((IDXPAD + 7) // 8) * 8


def _sc_gather2(P1, P2, src_f, dst_f):

    @functools.partial(
        pl.kernel,
        mesh=_SC_MESH,
        out_type=(jax.ShapeDtypeStruct((EP, HP), jnp.float32),
                  jax.ShapeDtypeStruct((EP, HP), jnp.float32)),
        scratch_types=[
            pltpu.VMEM((CF, CH), jnp.int32),
            pltpu.VMEM((CF, CH), jnp.int32),
            pltpu.VMEM((SB * CH, HP), jnp.float32),
            pltpu.VMEM((SB * CH, HP), jnp.float32),
            pltpu.SemaphoreType.DMA,
            pltpu.SemaphoreType.DMA,
        ],
    )
    def k(p1_hbm, p2_hbm, src_hbm, dst_hbm, a_hbm, b_hbm,
          si_v, di_v, stag_a, stag_b, sema, semb):
        cid = lax.axis_index("c")
        sid = lax.axis_index("s")
        nsb = jnp.where(cid == 1, CF // SB, CS // SB)
        chunk0 = jnp.where(cid == 1, sid * CF, NS * CF + sid * CS)
        pltpu.sync_copy(src_hbm.at[pl.ds(chunk0, CF)], si_v)
        pltpu.sync_copy(dst_hbm.at[pl.ds(chunk0, CF)], di_v)

        def fire(table, idxv, k_sb, stag, sem):
            for j in range(SB):
                pltpu.async_copy(table.at[idxv.at[k_sb * SB + j]],
                                 stag.at[pl.ds(j * CH, CH)], sem)

        def drain(stag, sem):
            pltpu.make_async_copy(a_hbm.at[pl.ds(0, SB * CH)], stag, sem).wait()

        def out_slice(k_sb):
            return pl.ds((chunk0 + k_sb * SB) * CH, SB * CH)

        fire(p1_hbm, si_v, 0, stag_a, sema)

        @pl.loop(0, CF // SB)
        def _(k_sb):
            @pl.when(k_sb < nsb)
            def _():
                fire(p2_hbm, di_v, k_sb, stag_b, semb)
                drain(stag_a, sema)
                pltpu.sync_copy(stag_a, a_hbm.at[out_slice(k_sb)])

                @pl.when(k_sb + 1 < nsb)
                def _():
                    fire(p1_hbm, si_v, k_sb + 1, stag_a, sema)

                drain(stag_b, semb)
                pltpu.sync_copy(stag_b, b_hbm.at[out_slice(k_sb)])

    return k(P1, P2, src_f, dst_f)


def _sc_scatter(e, idx_r, zeros_np):

    @functools.partial(
        pl.kernel,
        mesh=_SC_MESH,
        out_type=jax.ShapeDtypeStruct((NC, NP, HP), jnp.float32),
        scratch_types=[
            pltpu.VMEM((NCHUNK, CH), jnp.int32),
            pltpu.VMEM((CH, HP), jnp.float32),
            pltpu.VMEM((CH, HP), jnp.float32),
            pltpu.VMEM_SHARED((NP, HP), jnp.float32),
            pltpu.SemaphoreType.DMA,
            pltpu.SemaphoreType.DMA,
        ],
    )
    def k(e_hbm, idx_hbm, z_hbm, out_hbm, idx_v, buf0, buf1, acc_sh, sem0, sem1):
        cid = lax.axis_index("c")
        sid = lax.axis_index("s")
        wid = cid * NS + sid
        base = wid * EPW
        rows = NP // NS
        pltpu.sync_copy(z_hbm.at[pl.ds(sid * rows, rows)],
                        acc_sh.at[pl.ds(sid * rows, rows)])
        plsc.subcore_barrier()
        pltpu.sync_copy(idx_hbm.at[wid], idx_v)

        bufs, sems = (buf0, buf1), (sem0, sem1)

        def lstart(ci, b):
            pltpu.async_copy(e_hbm.at[pl.ds(base + ci * CH, CH)], bufs[b], sems[b])

        lstart(0, 0)

        @pl.loop(0, NCHUNK, step=2)
        def _(c):
            for b in range(2):
                cc = c + b

                @pl.when(cc + 1 < NCHUNK)
                def _():
                    lstart(cc + 1, 1 - b)

                pltpu.make_async_copy(e_hbm.at[pl.ds(0, CH)],
                                      bufs[b], sems[b]).wait()
                pltpu.sync_copy(bufs[b], acc_sh.at[idx_v.at[cc]], add=True)

        plsc.subcore_barrier()

        @pl.when(sid == 0)
        def _():
            pltpu.sync_copy(acc_sh, out_hbm.at[cid])

    return k(e, idx_r, zeros_np)



def kernel(x, edge_attr, edge_index, batch, Wex, bex, Wee, bee, Wni, bni,
           Wei, bei, We, be, Wn, bn, Weo, beo, Wr1, br1, Wr2, br2):
    f32 = jnp.float32
    pad_w = lambda w: jnp.pad(w, ((0, HP - w.shape[0]), (0, HP - w.shape[1])))
    pad_c = lambda w: jnp.pad(w, ((0, 0), (0, HP - w.shape[1])))
    pad_b = lambda b: jnp.pad(b, (0, HP - b.shape[0])).reshape(1, HP)

    xp = jnp.pad(x, ((0, NP - N), (0, 0)))
    eap = jnp.pad(edge_attr, ((0, EP - E), (0, 0)))
    src_p = jnp.pad(edge_index[0], (0, EP - E), constant_values=N)
    dst_p = jnp.pad(edge_index[1], (0, EP - E), constant_values=N)
    flat = lambda v: jnp.pad(v.reshape(TOTCH, CH), ((0, IDXPAD - TOTCH), (0, 0)),
                             constant_values=N)
    src_f, dst_f = flat(src_p), flat(dst_p)
    src_r = src_p.reshape(NW, NCHUNK, CH)
    dst_r = dst_p.reshape(NW, NCHUNK, CH)
    batch_r = jnp.pad(batch, (0, NP - N), constant_values=NG).reshape(1, NP)

    Wni_p, bni_p = pad_c(Wni), pad_b(bni)
    Wei_p, bei_p = pad_c(Wei), pad_b(bei)
    WeA = [pad_w(We[l][:H]) for l in range(3)]
    WeB = [pad_w(We[l][H:2 * H]) for l in range(3)]
    W3 = [pad_w(We[l][2 * H:]) for l in range(3)]
    beP = [pad_b(be[l]) for l in range(3)]
    WnA = [pad_w(Wn[l][:H]) for l in range(2)]
    WnB = [pad_w(Wn[l][H:]) for l in range(2)]
    bn_p = [pad_b(bn[l]) for l in range(2)]
    Weo_aug = jnp.zeros((HP, HP), f32)
    Weo_aug = Weo_aug.at[:H, :DOUT].set(Weo).at[H, :DOUT].set(beo)
    zeros_np = jnp.zeros((NP, HP), f32)

    h = _node_init(xp, Wex, bex.reshape(1, DX), Wni_p, bni_p)
    e = _edge_init(eap, Wee, bee.reshape(1, DX), Wei_p, bei_p)
    P1, P2 = _pp(h, WeA[0], beP[0], WeB[0])

    for l in range(3):
        A, B = _sc_gather2(P1, P2, src_f, dst_f)
        if l < 2:
            e = _edge_update(e, A, B, W3[l])
            parts = _sc_scatter(e, dst_r, zeros_np)
            h, P1, P2 = _node_update_pp(h, parts[0], parts[1], WnA[l], WnB[l],
                                        bn_p[l], WeA[l + 1], beP[l + 1], WeB[l + 1])
        else:
            e_out = _edge_out(e, A, B, W3[l], Weo_aug)
            parts = _sc_scatter(e_out, src_r, zeros_np)

    return _readout(parts[0], parts[1], batch_r,
                    Wr1, br1.reshape(1, 64), Wr2, br2.reshape(1, 1))

# --- scband reference (transcript-rebuilt; emitter-appended) ---
"""Pipeline reference for scband-model-encoder-32744830664832 (READ-ONLY COPY).

The authoritative reference and input builder live on the scoring server;
editing this copy changes nothing except your own understanding.
"""

import jax, jax.numpy as jnp
import numpy as np

N, E, NG = 10000, 320000, 128
DX, DE = 128, 16
DIN, H, DOUT = 128, 76, 64


def _w(k, shape):
    fan_in = shape[-2]
    return jax.random.normal(k, shape, dtype=jnp.float32) * (1.0 / np.sqrt(fan_in))


def setup_inputs(seed: int = 0):
    key = jax.random.key(seed)
    ks = jax.random.split(key, 20)
    inp = {
        "x": jax.random.normal(ks[0], (N, DX), dtype=jnp.float32),
        "edge_attr": jax.random.normal(ks[1], (E, DE), dtype=jnp.float32),
        "edge_index": jax.random.randint(ks[2], (2, E), 0, N, dtype=jnp.int32),
        "batch": jnp.sort(jax.random.randint(ks[3], (N,), 0, NG, dtype=jnp.int32)),
        "Wex": _w(ks[4], (DX, DIN)), "bex": jnp.zeros((DIN,), jnp.float32),
        "Wee": _w(ks[5], (DE, DIN)), "bee": jnp.zeros((DIN,), jnp.float32),
        "Wni": _w(ks[6], (DIN, H)), "bni": jnp.zeros((H,), jnp.float32),
        "Wei": _w(ks[7], (DIN, H)), "bei": jnp.zeros((H,), jnp.float32),
        "We": _w(ks[8], (3, 3 * H, H)), "be": jnp.zeros((3, H), jnp.float32),
        "Wn": _w(ks[9], (3, 2 * H, H)), "bn": jnp.zeros((3, H), jnp.float32),
        "Weo": _w(ks[10], (H, DOUT)), "beo": jnp.zeros((DOUT,), jnp.float32),
        "Wr1": _w(ks[11], (DOUT, 64)), "br1": jnp.zeros((64,), jnp.float32),
        "Wr2": _w(ks[12], (64, 1)), "br2": jnp.zeros((1,), jnp.float32),
    }
    return inp


def reference(x, edge_attr, edge_index, batch, Wex, bex, Wee, bee, Wni, bni, Wei, bei, We, be, Wn, bn, Weo, beo, Wr1, br1, Wr2, br2):
    # NodeEdgeFeatEncoder: project raw node/edge feats to hidden_dim=input_dim (dropout skipped: eval mode)
    hx = jax.nn.relu(x @ Wex + bex)
    he = jax.nn.relu(edge_attr @ Wee + bee)
    # EdgeMPNN: input projections to hidden_dim=76
    h = jax.nn.relu(hx @ Wni + bni)
    e = jax.nn.relu(he @ Wei + bei)
    src, dst = edge_index[0], edge_index[1]
    for l in range(3):
        # edge update from (h_src, h_dst, e), then message aggregation (scatter-add to dst), node update
        e = jax.nn.relu(jnp.concatenate([h[src], h[dst], e], axis=-1) @ We[l] + be[l])
        m = jax.ops.segment_sum(e, dst, num_segments=N)
        h = jax.nn.relu(jnp.concatenate([h, m], axis=-1) @ Wn[l] + bn[l])
    # edge output projection to edge_out_dim=64 (node branch unused: use_nodes=False)
    e_out = e @ Weo + beo
    # MLPEdgeReadout: pool edges per-graph (graph id of an edge = batch[src]) then MLP 64->64->out_dim
    edge_graph = batch[src]
    pooled = jax.ops.segment_sum(e_out, edge_graph, num_segments=NG)
    return jax.nn.relu(pooled @ Wr1 + br1) @ Wr2 + br2

if __name__ == "__main__":
    import jax
    _d = setup_inputs()
    print(jax.jit(kernel)(*tuple(_d.values())))

</pallas_src>

<mosaic_0001>
#map = affine_map<(d0, d1) -> (0, 0)>
#map1 = affine_map<(d0, d1) -> (0, 0, 0)>
module attributes {stable_mosaic.version = 14 : i64} {
  func.func @k(%arg0: i32, %arg1: i32, %arg2: memref<327680x128xf32, #tpu.memory_space<hbm>>, %arg3: memref<32x80x128xi32, #tpu.memory_space<hbm>>, %arg4: memref<10240x128xf32, #tpu.memory_space<hbm>>, %arg5: memref<2x10240x128xf32, #tpu.memory_space<hbm>>, %arg6: memref<80x128xi32, #tpu.memory_space<vmem>>, %arg7: memref<128x128xf32, #tpu.memory_space<vmem>>, %arg8: memref<128x128xf32, #tpu.memory_space<vmem>>, %arg9: memref<10240x128xf32, #tpu.memory_space<vmem_shared>>, %arg10: memref<!tpu.dma_semaphore, #tpu.memory_space<semaphore_mem>>, %arg11: memref<!tpu.dma_semaphore, #tpu.memory_space<semaphore_mem>>) attributes {dimension_semantics = [#tpu.dimension_semantics<core_parallel>, #tpu.dimension_semantics<subcore_parallel>], iteration_bounds = array<i64: 2, 16>, scalar_prefetch = 0 : i64, scratch_operands = 6 : i64, tpu.core_type = #tpu.core_type<sc_vector_subcore>, window_params = [{transform_indices = #map}, {transform_indices = #map1}, {transform_indices = #map}, {transform_indices = #map1}]} {
    %mul3A = arith.constant 16 : i32
    %mul3A_0 = arith.muli %arg0, %mul3A : i32
    %add3A = arith.addi %mul3A_0, %arg1 : i32
    %mul3A_1 = arith.constant 10240 : i32
    %mul3A_2 = arith.muli %add3A, %mul3A_1 : i32
    %mul3A_3 = arith.constant 640 : i32
    %mul3A_4 = arith.muli %arg1, %mul3A_3 : i32
    %mul3A_5 = arith.constant 640 : i32
    %mul3A_6 = arith.muli %arg1, %mul3A_5 : i32
    "tpu.region"() ({
      %run_scoped3A = tpu.sem_alloc : memref<!tpu.dma_semaphore, #tpu.memory_space<semaphore_mem>>
      %dma_start3A_19 = arith.constant 0 : i32
      %dma_start3A_20 = tpu.memref_slice %arg9[%mul3A_6, %dma_start3A_19] : memref<10240x128xf32, #tpu.memory_space<vmem_shared>> -> memref<640x128xf32, #tpu.memory_space<vmem_shared>>
      %dma_start3A_21 = arith.constant 0 : i32
      %dma_start3A_22 = tpu.memref_slice %arg4[%mul3A_4, %dma_start3A_21] : memref<10240x128xf32, #tpu.memory_space<hbm>> -> memref<640x128xf32, #tpu.memory_space<hbm>>
      tpu.enqueue_dma source(%dma_start3A_22 : memref<640x128xf32, #tpu.memory_space<hbm>>) target(%dma_start3A_20 : memref<640x128xf32, #tpu.memory_space<vmem_shared>>) target_semaphore(%run_scoped3A : memref<!tpu.dma_semaphore, #tpu.memory_space<semaphore_mem>>)
      %dma_wait3A = arith.constant 0 : i32
      %dma_wait3A_23 = tpu.memref_slice %arg9[%mul3A_6, %dma_wait3A] : memref<10240x128xf32, #tpu.memory_space<vmem_shared>> -> memref<640x128xf32, #tpu.memory_space<vmem_shared>>
      %dma_wait3A_24 = arith.constant 0 : i32
      %dma_wait3A_25 = tpu.memref_slice %arg4[%mul3A_4, %dma_wait3A_24] : memref<10240x128xf32, #tpu.memory_space<hbm>> -> memref<640x128xf32, #tpu.memory_space<hbm>>
      tpu.wait_dma2 semaphore(%run_scoped3A : memref<!tpu.dma_semaphore, #tpu.memory_space<semaphore_mem>>) src(%dma_wait3A_25 : memref<640x128xf32, #tpu.memory_space<hbm>>) dst(%dma_wait3A_23 : memref<640x128xf32, #tpu.memory_space<vmem_shared>>)
      tpu.yield
    }) : () -> ()
    %barrier3A = arith.constant 0 : index
    tpu.barrier barrier_id(%barrier3A)
    "tpu.region"() ({
      %run_scoped3A = tpu.sem_alloc : memref<!tpu.dma_semaphore, #tpu.memory_space<semaphore_mem>>
      %dma_start3A_19 = arith.constant 0 : i32
      %dma_start3A_20 = arith.constant 0 : i32
      %dma_start3A_21 = tpu.memref_slice %arg3[%add3A, %dma_start3A_19, %dma_start3A_20] : memref<32x80x128xi32, #tpu.memory_space<hbm>> -> memref<1x80x128xi32, #tpu.memory_space<hbm>>
      %dma_start3A_22 = tpu.memref_squeeze %dma_start3A_21 : memref<1x80x128xi32, #tpu.memory_space<hbm>> -> memref<80x128xi32, #tpu.memory_space<hbm>>
      %dma_start3A_23 = arith.constant 0 : i32
      %dma_start3A_24 = arith.constant 0 : i32
      %dma_start3A_25 = tpu.memref_slice %arg3[%add3A, %dma_start3A_23, %dma_start3A_24] : memref<32x80x128xi32, #tpu.memory_space<hbm>> -> memref<1x80x128xi32, #tpu.memory_space<hbm>>
      %dma_start3A_26 = tpu.memref_squeeze %dma_start3A_25 : memref<1x80x128xi32, #tpu.memory_space<hbm>> -> memref<80x128xi32, #tpu.memory_space<hbm>>
      tpu.enqueue_dma source(%dma_start3A_26 : memref<80x128xi32, #tpu.memory_space<hbm>>) target(%arg6 : memref<80x128xi32, #tpu.memory_space<vmem>>) target_semaphore(%run_scoped3A : memref<!tpu.dma_semaphore, #tpu.memory_space<semaphore_mem>>)
      %dma_wait3A = arith.constant 0 : i32
      %dma_wait3A_27 = arith.constant 0 : i32
      %dma_wait3A_28 = tpu.memref_slice %arg3[%add3A, %dma_wait3A, %dma_wait3A_27] : memref<32x80x128xi32, #tpu.memory_space<hbm>> -> memref<1x80x128xi32, #tpu.memory_space<hbm>>
      %dma_wait3A_29 = tpu.memref_squeeze %dma_wait3A_28 : memref<1x80x128xi32, #tpu.memory_space<hbm>> -> memref<80x128xi32, #tpu.memory_space<hbm>>
      %dma_wait3A_30 = arith.constant 0 : i32
      %dma_wait3A_31 = arith.constant 0 : i32
      %dma_wait3A_32 = tpu.memref_slice %arg3[%add3A, %dma_wait3A_30, %dma_wait3A_31] : memref<32x80x128xi32, #tpu.memory_space<hbm>> -> memref<1x80x128xi32, #tpu.memory_space<hbm>>
      %dma_wait3A_33 = tpu.memref_squeeze %dma_wait3A_32 : memref<1x80x128xi32, #tpu.memory_space<hbm>> -> memref<80x128xi32, #tpu.memory_space<hbm>>
      tpu.wait_dma2 semaphore(%run_scoped3A : memref<!tpu.dma_semaphore, #tpu.memory_space<semaphore_mem>>) src(%dma_wait3A_33 : memref<80x128xi32, #tpu.memory_space<hbm>>) dst(%arg6 : memref<80x128xi32, #tpu.memory_space<vmem>>)
      tpu.yield
    }) : () -> ()
    %add3A_7 = arith.constant 0 : i32
    %add3A_8 = arith.addi %mul3A_2, %add3A_7 : i32
    %dma_start3A = arith.constant 0 : i32
    %dma_start3A_9 = tpu.memref_slice %arg2[%add3A_8, %dma_start3A] : memref<327680x128xf32, #tpu.memory_space<hbm>> -> memref<128x128xf32, #tpu.memory_space<hbm>>
    %dma_start3A_10 = arith.constant 0 : i32
    %dma_start3A_11 = tpu.memref_slice %arg2[%add3A_8, %dma_start3A_10] : memref<327680x128xf32, #tpu.memory_space<hbm>> -> memref<128x128xf32, #tpu.memory_space<hbm>>
    tpu.enqueue_dma source(%dma_start3A_11 : memref<128x128xf32, #tpu.memory_space<hbm>>) target(%arg7 : memref<128x128xf32, #tpu.memory_space<vmem>>) target_semaphore(%arg10 : memref<!tpu.dma_semaphore, #tpu.memory_space<semaphore_mem>>)
    %scan3A = arith.constant 0 : i32
    %scan3A_12 = arith.constant 40 : i32
    %scan3A_13 = arith.addi %scan3A, %scan3A_12 : i32
    %scan3A_14 = arith.constant 1 : i32
    scf.for %scan3A_19 = %scan3A to %scan3A_13 step %scan3A_14  : i32 {
      %mul3A_20 = arith.constant 2 : i32
      %mul3A_21 = arith.muli %scan3A_19, %mul3A_20 : i32
      %add3A_22 = arith.constant 0 : i32
      %add3A_23 = arith.addi %add3A_22, %mul3A_21 : i32
      %add3A_24 = arith.constant 0 : i32
      %add3A_25 = arith.addi %add3A_23, %add3A_24 : i32
      %add3A_26 = arith.constant 1 : i32
      %add3A_27 = arith.addi %add3A_25, %add3A_26 : i32
      %lt3A = arith.constant 80 : i32
      %lt3A_28 = arith.cmpi slt, %add3A_27, %lt3A : i32
      %convert_element_type3A_29 = arith.extui %lt3A_28 : i1 to i32
      %cond3A_30 = arith.constant 0 : i32
      %cond3A_31 = arith.cmpi ne, %convert_element_type3A_29, %cond3A_30 : i32
      scf.if %cond3A_31 {
        %add3A_52 = arith.constant 1 : i32
        %add3A_53 = arith.addi %add3A_25, %add3A_52 : i32
        %mul3A_54 = arith.constant 128 : i32
        %mul3A_55 = arith.muli %add3A_53, %mul3A_54 : i32
        %add3A_56 = arith.addi %mul3A_2, %mul3A_55 : i32
        %dma_start3A_57 = arith.constant 0 : i32
        %dma_start3A_58 = tpu.memref_slice %arg2[%add3A_56, %dma_start3A_57] : memref<327680x128xf32, #tpu.memory_space<hbm>> -> memref<128x128xf32, #tpu.memory_space<hbm>>
        %dma_start3A_59 = arith.constant 0 : i32
        %dma_start3A_60 = tpu.memref_slice %arg2[%add3A_56, %dma_start3A_59] : memref<327680x128xf32, #tpu.memory_space<hbm>> -> memref<128x128xf32, #tpu.memory_space<hbm>>
        tpu.enqueue_dma source(%dma_start3A_60 : memref<128x128xf32, #tpu.memory_space<hbm>>) target(%arg8 : memref<128x128xf32, #tpu.memory_space<vmem>>) target_semaphore(%arg11 : memref<!tpu.dma_semaphore, #tpu.memory_space<semaphore_mem>>)
      } else {
      }
      %dma_wait3A = arith.constant 0 : i32
      %dma_wait3A_32 = arith.constant 0 : i32
      %dma_wait3A_33 = tpu.memref_slice %arg2[%dma_wait3A, %dma_wait3A_32] : memref<327680x128xf32, #tpu.memory_space<hbm>> -> memref<128x128xf32, #tpu.memory_space<hbm>>
      %dma_wait3A_34 = arith.constant 0 : i32
      %dma_wait3A_35 = arith.constant 0 : i32
      %dma_wait3A_36 = tpu.memref_slice %arg2[%dma_wait3A_34, %dma_wait3A_35] : memref<327680x128xf32, #tpu.memory_space<hbm>> -> memref<128x128xf32, #tpu.memory_space<hbm>>
      tpu.wait_dma2 semaphore(%arg10 : memref<!tpu.dma_semaphore, #tpu.memory_space<semaphore_mem>>) src(%dma_wait3A_36 : memref<128x128xf32, #tpu.memory_space<hbm>>) dst(%arg7 : memref<128x128xf32, #tpu.memory_space<vmem>>)
      "tpu.region"() ({
        %run_scoped3A = tpu.sem_alloc : memref<!tpu.dma_semaphore, #tpu.memory_space<semaphore_mem>>
        %dma_start3A_52 = arith.constant 0 : i32
        %dma_start3A_53 = tpu.memref_slice %arg6[%add3A_25, %dma_start3A_52] : memref<80x128xi32, #tpu.memory_space<vmem>> -> memref<1x128xi32, #tpu.memory_space<vmem>>
        %dma_start3A_54 = tpu.memref_squeeze %dma_start3A_53 : memref<1x128xi32, #tpu.memory_space<vmem>> -> memref<128xi32, #tpu.memory_space<vmem>>
        %dma_start3A_55 = arith.constant 0 : i32
        %dma_start3A_56 = arith.constant 0 : i32
        %dma_start3A_57 = tpu.memref_slice %arg9[%dma_start3A_55, %dma_start3A_56] : memref<10240x128xf32, #tpu.memory_space<vmem_shared>> -> memref<10240x128xf32, #tpu.memory_space<vmem_shared>>
        tpu.enqueue_indirect_dma source(%arg7 : memref<128x128xf32, #tpu.memory_space<vmem>>) target(%dma_start3A_57 : memref<10240x128xf32, #tpu.memory_space<vmem_shared>>) offsets(%dma_start3A_54 : memref<128xi32, #tpu.memory_space<vmem>>) semaphore(%run_scoped3A : memref<!tpu.dma_semaphore, #tpu.memory_space<semaphore_mem>>) {add = true}
        %dma_wait3A_58 = arith.constant 0 : i32
        %dma_wait3A_59 = tpu.memref_slice %arg6[%add3A_25, %dma_wait3A_58] : memref<80x128xi32, #tpu.memory_space<vmem>> -> memref<1x128xi32, #tpu.memory_space<vmem>>
        %dma_wait3A_60 = tpu.memref_squeeze %dma_wait3A_59 : memref<1x128xi32, #tpu.memory_space<vmem>> -> memref<128xi32, #tpu.memory_space<vmem>>
        %dma_wait3A_61 = arith.constant 0 : i32
        %dma_wait3A_62 = arith.constant 0 : i32
        %dma_wait3A_63 = tpu.memref_slice %arg9[%dma_wait3A_61, %dma_wait3A_62] : memref<10240x128xf32, #tpu.memory_space<vmem_shared>> -> memref<10240x128xf32, #tpu.memory_space<vmem_shared>>
        tpu.wait_indirect_dma semaphore(%run_scoped3A : memref<!tpu.dma_semaphore, #tpu.memory_space<semaphore_mem>>) src(%arg7 : memref<128x128xf32, #tpu.memory_space<vmem>>) dst(%dma_wait3A_63 : memref<10240x128xf32, #tpu.memory_space<vmem_shared>>)
        tpu.yield
      }) : () -> ()
      %add3A_37 = arith.constant 1 : i32
      %add3A_38 = arith.addi %add3A_23, %add3A_37 : i32
      %add3A_39 = arith.constant 1 : i32
      %add3A_40 = arith.addi %add3A_38, %add3A_39 : i32
      %lt3A_41 = arith.constant 80 : i32
      %lt3A_42 = arith.cmpi slt, %add3A_40, %lt3A_41 : i32
      %convert_element_type3A_43 = arith.extui %lt3A_42 : i1 to i32
      %cond3A_44 = arith.constant 0 : i32
      %cond3A_45 = arith.cmpi ne, %convert_element_type3A_43, %cond3A_44 : i32
      scf.if %cond3A_45 {
        %add3A_52 = arith.constant 1 : i32
        %add3A_53 = arith.addi %add3A_38, %add3A_52 : i32
        %mul3A_54 = arith.constant 128 : i32
        %mul3A_55 = arith.muli %add3A_53, %mul3A_54 : i32
        %add3A_56 = arith.addi %mul3A_2, %mul3A_55 : i32
        %dma_start3A_57 = arith.constant 0 : i32
        %dma_start3A_58 = tpu.memref_slice %arg2[%add3A_56, %dma_start3A_57] : memref<327680x128xf32, #tpu.memory_space<hbm>> -> memref<128x128xf32, #tpu.memory_space<hbm>>
        %dma_start3A_59 = arith.constant 0 : i32
        %dma_start3A_60 = tpu.memref_slice %arg2[%add3A_56, %dma_start3A_59] : memref<327680x128xf32, #tpu.memory_space<hbm>> -> memref<128x128xf32, #tpu.memory_space<hbm>>
        tpu.enqueue_dma source(%dma_start3A_60 : memref<128x128xf32, #tpu.memory_space<hbm>>) target(%arg7 : memref<128x128xf32, #tpu.memory_space<vmem>>) target_semaphore(%arg10 : memref<!tpu.dma_semaphore, #tpu.memory_space<semaphore_mem>>)
      } else {
      }
      %dma_wait3A_46 = arith.constant 0 : i32
      %dma_wait3A_47 = arith.constant 0 : i32
      %dma_wait3A_48 = tpu.memref_slice %arg2[%dma_wait3A_46, %dma_wait3A_47] : memref<327680x128xf32, #tpu.memory_space<hbm>> -> memref<128x128xf32, #tpu.memory_space<hbm>>
      %dma_wait3A_49 = arith.constant 0 : i32
      %dma_wait3A_50 = arith.constant 0 : i32
      %dma_wait3A_51 = tpu.memref_slice %arg2[%dma_wait3A_49, %dma_wait3A_50] : memref<327680x128xf32, #tpu.memory_space<hbm>> -> memref<128x128xf32, #tpu.memory_space<hbm>>
      tpu.wait_dma2 semaphore(%arg11 : memref<!tpu.dma_semaphore, #tpu.memory_space<semaphore_mem>>) src(%dma_wait3A_51 : memref<128x128xf32, #tpu.memory_space<hbm>>) dst(%arg8 : memref<128x128xf32, #tpu.memory_space<vmem>>)
      "tpu.region"() ({
        %run_scoped3A = tpu.sem_alloc : memref<!tpu.dma_semaphore, #tpu.memory_space<semaphore_mem>>
        %dma_start3A_52 = arith.constant 0 : i32
        %dma_start3A_53 = tpu.memref_slice %arg6[%add3A_38, %dma_start3A_52] : memref<80x128xi32, #tpu.memory_space<vmem>> -> memref<1x128xi32, #tpu.memory_space<vmem>>
        %dma_start3A_54 = tpu.memref_squeeze %dma_start3A_53 : memref<1x128xi32, #tpu.memory_space<vmem>> -> memref<128xi32, #tpu.memory_space<vmem>>
        %dma_start3A_55 = arith.constant 0 : i32
        %dma_start3A_56 = arith.constant 0 : i32
        %dma_start3A_57 = tpu.memref_slice %arg9[%dma_start3A_55, %dma_start3A_56] : memref<10240x128xf32, #tpu.memory_space<vmem_shared>> -> memref<10240x128xf32, #tpu.memory_space<vmem_shared>>
        tpu.enqueue_indirect_dma source(%arg8 : memref<128x128xf32, #tpu.memory_space<vmem>>) target(%dma_start3A_57 : memref<10240x128xf32, #tpu.memory_space<vmem_shared>>) offsets(%dma_start3A_54 : memref<128xi32, #tpu.memory_space<vmem>>) semaphore(%run_scoped3A : memref<!tpu.dma_semaphore, #tpu.memory_space<semaphore_mem>>) {add = true}
        %dma_wait3A_58 = arith.constant 0 : i32
        %dma_wait3A_59 = tpu.memref_slice %arg6[%add3A_38, %dma_wait3A_58] : memref<80x128xi32, #tpu.memory_space<vmem>> -> memref<1x128xi32, #tpu.memory_space<vmem>>
        %dma_wait3A_60 = tpu.memref_squeeze %dma_wait3A_59 : memref<1x128xi32, #tpu.memory_space<vmem>> -> memref<128xi32, #tpu.memory_space<vmem>>
        %dma_wait3A_61 = arith.constant 0 : i32
        %dma_wait3A_62 = arith.constant 0 : i32
        %dma_wait3A_63 = tpu.memref_slice %arg9[%dma_wait3A_61, %dma_wait3A_62] : memref<10240x128xf32, #tpu.memory_space<vmem_shared>> -> memref<10240x128xf32, #tpu.memory_space<vmem_shared>>
        tpu.wait_indirect_dma semaphore(%run_scoped3A : memref<!tpu.dma_semaphore, #tpu.memory_space<semaphore_mem>>) src(%arg8 : memref<128x128xf32, #tpu.memory_space<vmem>>) dst(%dma_wait3A_63 : memref<10240x128xf32, #tpu.memory_space<vmem_shared>>)
        tpu.yield
      }) : () -> ()
    }
    %scan3A_15 = arith.constant 40 : i32
    %barrier3A_16 = arith.constant 0 : index
    tpu.barrier barrier_id(%barrier3A_16)
    %eq3A = arith.constant 0 : i32
    %eq3A_17 = arith.cmpi eq, %arg1, %eq3A : i32
    %convert_element_type3A = arith.extui %eq3A_17 : i1 to i32
    %cond3A = arith.constant 0 : i32
    %cond3A_18 = arith.cmpi ne, %convert_element_type3A, %cond3A : i32
    scf.if %cond3A_18 {
      "tpu.region"() ({
        %run_scoped3A = tpu.sem_alloc : memref<!tpu.dma_semaphore, #tpu.memory_space<semaphore_mem>>
        %dma_start3A_19 = arith.constant 0 : i32
        %dma_start3A_20 = arith.constant 0 : i32
        %dma_start3A_21 = tpu.memref_slice %arg5[%arg0, %dma_start3A_19, %dma_start3A_20] : memref<2x10240x128xf32, #tpu.memory_space<hbm>> -> memref<1x10240x128xf32, #tpu.memory_space<hbm>>
        %dma_start3A_22 = tpu.memref_squeeze %dma_start3A_21 : memref<1x10240x128xf32, #tpu.memory_space<hbm>> -> memref<10240x128xf32, #tpu.memory_space<hbm>>
        tpu.enqueue_dma source(%arg9 : memref<10240x128xf32, #tpu.memory_space<vmem_shared>>) target(%dma_start3A_22 : memref<10240x128xf32, #tpu.memory_space<hbm>>) target_semaphore(%run_scoped3A : memref<!tpu.dma_semaphore, #tpu.memory_space<semaphore_mem>>)
        %dma_wait3A = arith.constant 0 : i32
        %dma_wait3A_23 = arith.constant 0 : i32
        %dma_wait3A_24 = tpu.memref_slice %arg5[%arg0, %dma_wait3A, %dma_wait3A_23] : memref<2x10240x128xf32, #tpu.memory_space<hbm>> -> memref<1x10240x128xf32, #tpu.memory_space<hbm>>
        %dma_wait3A_25 = tpu.memref_squeeze %dma_wait3A_24 : memref<1x10240x128xf32, #tpu.memory_space<hbm>> -> memref<10240x128xf32, #tpu.memory_space<hbm>>
        tpu.wait_dma2 semaphore(%run_scoped3A : memref<!tpu.dma_semaphore, #tpu.memory_space<semaphore_mem>>) src(%arg9 : memref<10240x128xf32, #tpu.memory_space<vmem_shared>>) dst(%dma_wait3A_25 : memref<10240x128xf32, #tpu.memory_space<hbm>>)
        tpu.yield
      }) : () -> ()
    } else {
    }
    return
  }
}

#map = affine_map<(d0, d1) -> (0, 0)>
module attributes {stable_mosaic.version = 14 : i64} {
  func.func @k(%arg0: i32, %arg1: i32, %arg2: memref<10240x128xf32, #tpu.memory_space<hbm>>, %arg3: memref<10240x128xf32, #tpu.memory_space<hbm>>, %arg4: memref<2640x128xi32, #tpu.memory_space<hbm>>, %arg5: memref<2640x128xi32, #tpu.memory_space<hbm>>, %arg6: memref<327680x128xf32, #tpu.memory_space<hbm>>, %arg7: memref<327680x128xf32, #tpu.memory_space<hbm>>, %arg8: memref<120x128xi32, #tpu.memory_space<vmem>>, %arg9: memref<120x128xi32, #tpu.memory_space<vmem>>, %arg10: memref<256x128xf32, #tpu.memory_space<vmem>>, %arg11: memref<256x128xf32, #tpu.memory_space<vmem>>, %arg12: memref<!tpu.dma_semaphore, #tpu.memory_space<semaphore_mem>>, %arg13: memref<!tpu.dma_semaphore, #tpu.memory_space<semaphore_mem>>) attributes {dimension_semantics = [#tpu.dimension_semantics<core_parallel>, #tpu.dimension_semantics<subcore_parallel>], iteration_bounds = array<i64: 2, 16>, scalar_prefetch = 0 : i64, scratch_operands = 6 : i64, tpu.core_type = #tpu.core_type<sc_vector_subcore>, window_params = [{transform_indices = #map}, {transform_indices = #map}, {transform_indices = #map}, {transform_indices = #map}, {transform_indices = #map}, {transform_indices = #map}]} {
    %eq3A = arith.constant 1 : i32
    %eq3A_0 = arith.cmpi eq, %arg0, %eq3A : i32
    %jit3A = arith.constant 60 : i32
    %jit3A_1 = arith.constant 20 : i32
    %select_n3A = arith.select %eq3A_0, %jit3A, %jit3A_1 : i32
    %eq3A_2 = arith.constant 1 : i32
    %eq3A_3 = arith.cmpi eq, %arg0, %eq3A_2 : i32
    %mul3A = arith.constant 120 : i32
    %mul3A_4 = arith.muli %arg1, %mul3A : i32
    %mul3A_5 = arith.constant 40 : i32
    %mul3A_6 = arith.muli %arg1, %mul3A_5 : i32
    %add3A = arith.constant 1920 : i32
    %add3A_7 = arith.addi %add3A, %mul3A_6 : i32
    %select_n3A_8 = arith.select %eq3A_3, %mul3A_4, %add3A_7 : i32
    "tpu.region"() ({
      %run_scoped3A = tpu.sem_alloc : memref<!tpu.dma_semaphore, #tpu.memory_space<semaphore_mem>>
      %dma_start3A_32 = arith.constant 0 : i32
      %dma_start3A_33 = tpu.memref_slice %arg4[%select_n3A_8, %dma_start3A_32] : memref<2640x128xi32, #tpu.memory_space<hbm>> -> memref<120x128xi32, #tpu.memory_space<hbm>>
      %dma_start3A_34 = arith.constant 0 : i32
      %dma_start3A_35 = tpu.memref_slice %arg4[%select_n3A_8, %dma_start3A_34] : memref<2640x128xi32, #tpu.memory_space<hbm>> -> memref<120x128xi32, #tpu.memory_space<hbm>>
      tpu.enqueue_dma source(%dma_start3A_35 : memref<120x128xi32, #tpu.memory_space<hbm>>) target(%arg8 : memref<120x128xi32, #tpu.memory_space<vmem>>) target_semaphore(%run_scoped3A : memref<!tpu.dma_semaphore, #tpu.memory_space<semaphore_mem>>)
      %dma_wait3A = arith.constant 0 : i32
      %dma_wait3A_36 = tpu.memref_slice %arg4[%select_n3A_8, %dma_wait3A] : memref<2640x128xi32, #tpu.memory_space<hbm>> -> memref<120x128xi32, #tpu.memory_space<hbm>>
      %dma_wait3A_37 = arith.constant 0 : i32
      %dma_wait3A_38 = tpu.memref_slice %arg4[%select_n3A_8, %dma_wait3A_37] : memref<2640x128xi32, #tpu.memory_space<hbm>> -> memref<120x128xi32, #tpu.memory_space<hbm>>
      tpu.wait_dma2 semaphore(%run_scoped3A : memref<!tpu.dma_semaphore, #tpu.memory_space<semaphore_mem>>) src(%dma_wait3A_38 : memref<120x128xi32, #tpu.memory_space<hbm>>) dst(%arg8 : memref<120x128xi32, #tpu.memory_space<vmem>>)
      tpu.yield
    }) : () -> ()
    "tpu.region"() ({
      %run_scoped3A = tpu.sem_alloc : memref<!tpu.dma_semaphore, #tpu.memory_space<semaphore_mem>>
      %dma_start3A_32 = arith.constant 0 : i32
      %dma_start3A_33 = tpu.memref_slice %arg5[%select_n3A_8, %dma_start3A_32] : memref<2640x128xi32, #tpu.memory_space<hbm>> -> memref<120x128xi32, #tpu.memory_space<hbm>>
      %dma_start3A_34 = arith.constant 0 : i32
      %dma_start3A_35 = tpu.memref_slice %arg5[%select_n3A_8, %dma_start3A_34] : memref<2640x128xi32, #tpu.memory_space<hbm>> -> memref<120x128xi32, #tpu.memory_space<hbm>>
      tpu.enqueue_dma source(%dma_start3A_35 : memref<120x128xi32, #tpu.memory_space<hbm>>) target(%arg9 : memref<120x128xi32, #tpu.memory_space<vmem>>) target_semaphore(%run_scoped3A : memref<!tpu.dma_semaphore, #tpu.memory_space<semaphore_mem>>)
      %dma_wait3A = arith.constant 0 : i32
      %dma_wait3A_36 = tpu.memref_slice %arg5[%select_n3A_8, %dma_wait3A] : memref<2640x128xi32, #tpu.memory_space<hbm>> -> memref<120x128xi32, #tpu.memory_space<hbm>>
      %dma_wait3A_37 = arith.constant 0 : i32
      %dma_wait3A_38 = tpu.memref_slice %arg5[%select_n3A_8, %dma_wait3A_37] : memref<2640x128xi32, #tpu.memory_space<hbm>> -> memref<120x128xi32, #tpu.memory_space<hbm>>
      tpu.wait_dma2 semaphore(%run_scoped3A : memref<!tpu.dma_semaphore, #tpu.memory_space<semaphore_mem>>) src(%dma_wait3A_38 : memref<120x128xi32, #tpu.memory_space<hbm>>) dst(%arg9 : memref<120x128xi32, #tpu.memory_space<vmem>>)
      tpu.yield
    }) : () -> ()
    %dma_start3A = arith.constant 0 : i32
    %dma_start3A_9 = arith.constant 0 : i32
    %dma_start3A_10 = arith.constant 0 : i32
    %dma_start3A_11 = tpu.memref_slice %arg10[%dma_start3A_9, %dma_start3A_10] : memref<256x128xf32, #tpu.memory_space<vmem>> -> memref<128x128xf32, #tpu.memory_space<vmem>>
    %dma_start3A_12 = arith.constant 0 : i32
    %dma_start3A_13 = tpu.memref_slice %arg8[%dma_start3A, %dma_start3A_12] : memref<120x128xi32, #tpu.memory_space<vmem>> -> memref<1x128xi32, #tpu.memory_space<vmem>>
    %dma_start3A_14 = tpu.memref_squeeze %dma_start3A_13 : memref<1x128xi32, #tpu.memory_space<vmem>> -> memref<128xi32, #tpu.memory_space<vmem>>
    %dma_start3A_15 = arith.constant 0 : i32
    %dma_start3A_16 = arith.constant 0 : i32
    %dma_start3A_17 = tpu.memref_slice %arg2[%dma_start3A_15, %dma_start3A_16] : memref<10240x128xf32, #tpu.memory_space<hbm>> -> memref<10240x128xf32, #tpu.memory_space<hbm>>
    tpu.enqueue_indirect_dma source(%dma_start3A_17 : memref<10240x128xf32, #tpu.memory_space<hbm>>) target(%dma_start3A_11 : memref<128x128xf32, #tpu.memory_space<vmem>>) offsets(%dma_start3A_14 : memref<128xi32, #tpu.memory_space<vmem>>) semaphore(%arg12 : memref<!tpu.dma_semaphore, #tpu.memory_space<semaphore_mem>>)
    %dma_start3A_18 = arith.constant 1 : i32
    %dma_start3A_19 = arith.constant 128 : i32
    %dma_start3A_20 = arith.constant 0 : i32
    %dma_start3A_21 = tpu.memref_slice %arg10[%dma_start3A_19, %dma_start3A_20] : memref<256x128xf32, #tpu.memory_space<vmem>> -> memref<128x128xf32, #tpu.memory_space<vmem>>
    %dma_start3A_22 = arith.constant 0 : i32
    %dma_start3A_23 = tpu.memref_slice %arg8[%dma_start3A_18, %dma_start3A_22] : memref<120x128xi32, #tpu.memory_space<vmem>> -> memref<1x128xi32, #tpu.memory_space<vmem>>
    %dma_start3A_24 = tpu.memref_squeeze %dma_start3A_23 : memref<1x128xi32, #tpu.memory_space<vmem>> -> memref<128xi32, #tpu.memory_space<vmem>>
    %dma_start3A_25 = arith.constant 0 : i32
    %dma_start3A_26 = arith.constant 0 : i32
    %dma_start3A_27 = tpu.memref_slice %arg2[%dma_start3A_25, %dma_start3A_26] : memref<10240x128xf32, #tpu.memory_space<hbm>> -> memref<10240x128xf32, #tpu.memory_space<hbm>>
    tpu.enqueue_indirect_dma source(%dma_start3A_27 : memref<10240x128xf32, #tpu.memory_space<hbm>>) target(%dma_start3A_21 : memref<128x128xf32, #tpu.memory_space<vmem>>) offsets(%dma_start3A_24 : memref<128xi32, #tpu.memory_space<vmem>>) semaphore(%arg12 : memref<!tpu.dma_semaphore, #tpu.memory_space<semaphore_mem>>)
    %scan3A = arith.constant 0 : i32
    %scan3A_28 = arith.constant 60 : i32
    %scan3A_29 = arith.addi %scan3A, %scan3A_28 : i32
    %scan3A_30 = arith.constant 1 : i32
    scf.for %scan3A_32 = %scan3A to %scan3A_29 step %scan3A_30  : i32 {
      %mul3A_33 = arith.constant 1 : i32
      %mul3A_34 = arith.muli %scan3A_32, %mul3A_33 : i32
      %add3A_35 = arith.constant 0 : i32
      %add3A_36 = arith.addi %add3A_35, %mul3A_34 : i32
      %lt3A = arith.cmpi slt, %add3A_36, %select_n3A : i32
      %convert_element_type3A = arith.extui %lt3A : i1 to i32
      %cond3A = arith.constant 0 : i32
      %cond3A_37 = arith.cmpi ne, %convert_element_type3A, %cond3A : i32
      scf.if %cond3A_37 {
        %mul3A_38 = arith.constant 2 : i32
        %mul3A_39 = arith.muli %add3A_36, %mul3A_38 : i32
        %add3A_40 = arith.constant 0 : i32
        %add3A_41 = arith.addi %mul3A_39, %add3A_40 : i32
        %dma_start3A_42 = arith.constant 0 : i32
        %dma_start3A_43 = arith.constant 0 : i32
        %dma_start3A_44 = tpu.memref_slice %arg11[%dma_start3A_42, %dma_start3A_43] : memref<256x128xf32, #tpu.memory_space<vmem>> -> memref<128x128xf32, #tpu.memory_space<vmem>>
        %dma_start3A_45 = arith.constant 0 : i32
        %dma_start3A_46 = tpu.memref_slice %arg9[%add3A_41, %dma_start3A_45] : memref<120x128xi32, #tpu.memory_space<vmem>> -> memref<1x128xi32, #tpu.memory_space<vmem>>
        %dma_start3A_47 = tpu.memref_squeeze %dma_start3A_46 : memref<1x128xi32, #tpu.memory_space<vmem>> -> memref<128xi32, #tpu.memory_space<vmem>>
        %dma_start3A_48 = arith.constant 0 : i32
        %dma_start3A_49 = arith.constant 0 : i32
        %dma_start3A_50 = tpu.memref_slice %arg3[%dma_start3A_48, %dma_start3A_49] : memref<10240x128xf32, #tpu.memory_space<hbm>> -> memref<10240x128xf32, #tpu.memory_space<hbm>>
        tpu.enqueue_indirect_dma source(%dma_start3A_50 : memref<10240x128xf32, #tpu.memory_space<hbm>>) target(%dma_start3A_44 : memref<128x128xf32, #tpu.memory_space<vmem>>) offsets(%dma_start3A_47 : memref<128xi32, #tpu.memory_space<vmem>>) semaphore(%arg13 : memref<!tpu.dma_semaphore, #tpu.memory_space<semaphore_mem>>)
        %mul3A_51 = arith.constant 2 : i32
        %mul3A_52 = arith.muli %add3A_36, %mul3A_51 : i32
        %add3A_53 = arith.constant 1 : i32
        %add3A_54 = arith.addi %mul3A_52, %add3A_53 : i32
        %dma_start3A_55 = arith.constant 128 : i32
        %dma_start3A_56 = arith.constant 0 : i32
        %dma_start3A_57 = tpu.memref_slice %arg11[%dma_start3A_55, %dma_start3A_56] : memref<256x128xf32, #tpu.memory_space<vmem>> -> memref<128x128xf32, #tpu.memory_space<vmem>>
        %dma_start3A_58 = arith.constant 0 : i32
        %dma_start3A_59 = tpu.memref_slice %arg9[%add3A_54, %dma_start3A_58] : memref<120x128xi32, #tpu.memory_space<vmem>> -> memref<1x128xi32, #tpu.memory_space<vmem>>
        %dma_start3A_60 = tpu.memref_squeeze %dma_start3A_59 : memref<1x128xi32, #tpu.memory_space<vmem>> -> memref<128xi32, #tpu.memory_space<vmem>>
        %dma_start3A_61 = arith.constant 0 : i32
        %dma_start3A_62 = arith.constant 0 : i32
        %dma_start3A_63 = tpu.memref_slice %arg3[%dma_start3A_61, %dma_start3A_62] : memref<10240x128xf32, #tpu.memory_space<hbm>> -> memref<10240x128xf32, #tpu.memory_space<hbm>>
        tpu.enqueue_indirect_dma source(%dma_start3A_63 : memref<10240x128xf32, #tpu.memory_space<hbm>>) target(%dma_start3A_57 : memref<128x128xf32, #tpu.memory_space<vmem>>) offsets(%dma_start3A_60 : memref<128xi32, #tpu.memory_space<vmem>>) semaphore(%arg13 : memref<!tpu.dma_semaphore, #tpu.memory_space<semaphore_mem>>)
        %dma_wait3A = arith.constant 0 : i32
        %dma_wait3A_64 = arith.constant 0 : i32
        %dma_wait3A_65 = tpu.memref_slice %arg6[%dma_wait3A, %dma_wait3A_64] : memref<327680x128xf32, #tpu.memory_space<hbm>> -> memref<256x128xf32, #tpu.memory_space<hbm>>
        %dma_wait3A_66 = arith.constant 0 : i32
        %dma_wait3A_67 = arith.constant 0 : i32
        %dma_wait3A_68 = tpu.memref_slice %arg6[%dma_wait3A_66, %dma_wait3A_67] : memref<327680x128xf32, #tpu.memory_space<hbm>> -> memref<256x128xf32, #tpu.memory_space<hbm>>
        tpu.wait_dma2 semaphore(%arg12 : memref<!tpu.dma_semaphore, #tpu.memory_space<semaphore_mem>>) src(%dma_wait3A_68 : memref<256x128xf32, #tpu.memory_space<hbm>>) dst(%arg10 : memref<256x128xf32, #tpu.memory_space<vmem>>)
        %mul3A_69 = arith.constant 2 : i32
        %mul3A_70 = arith.muli %add3A_36, %mul3A_69 : i32
        %add3A_71 = arith.addi %select_n3A_8, %mul3A_70 : i32
        %mul3A_72 = arith.constant 128 : i32
        %mul3A_73 = arith.muli %add3A_71, %mul3A_72 : i32
        "tpu.region"() ({
          %run_scoped3A = tpu.sem_alloc : memref<!tpu.dma_semaphore, #tpu.memory_space<semaphore_mem>>
          %dma_start3A_91 = arith.constant 0 : i32
          %dma_start3A_92 = tpu.memref_slice %arg6[%mul3A_73, %dma_start3A_91] : memref<327680x128xf32, #tpu.memory_space<hbm>> -> memref<256x128xf32, #tpu.memory_space<hbm>>
          %dma_start3A_93 = arith.constant 0 : i32
          %dma_start3A_94 = tpu.memref_slice %arg6[%mul3A_73, %dma_start3A_93] : memref<327680x128xf32, #tpu.memory_space<hbm>> -> memref<256x128xf32, #tpu.memory_space<hbm>>
          tpu.enqueue_dma source(%arg10 : memref<256x128xf32, #tpu.memory_space<vmem>>) target(%dma_start3A_94 : memref<256x128xf32, #tpu.memory_space<hbm>>) target_semaphore(%run_scoped3A : memref<!tpu.dma_semaphore, #tpu.memory_space<semaphore_mem>>)
          %dma_wait3A_95 = arith.constant 0 : i32
          %dma_wait3A_96 = tpu.memref_slice %arg6[%mul3A_73, %dma_wait3A_95] : memref<327680x128xf32, #tpu.memory_space<hbm>> -> memref<256x128xf32, #tpu.memory_space<hbm>>
          %dma_wait3A_97 = arith.constant 0 : i32
          %dma_wait3A_98 = tpu.memref_slice %arg6[%mul3A_73, %dma_wait3A_97] : memref<327680x128xf32, #tpu.memory_space<hbm>> -> memref<256x128xf32, #tpu.memory_space<hbm>>
          tpu.wait_dma2 semaphore(%run_scoped3A : memref<!tpu.dma_semaphore, #tpu.memory_space<semaphore_mem>>) src(%arg10 : memref<256x128xf32, #tpu.memory_space<vmem>>) dst(%dma_wait3A_98 : memref<256x128xf32, #tpu.memory_space<hbm>>)
          tpu.yield
        }) : () -> ()
        %add3A_74 = arith.constant 1 : i32
        %add3A_75 = arith.addi %add3A_36, %add3A_74 : i32
        %lt3A_76 = arith.cmpi slt, %add3A_75, %select_n3A : i32
        %convert_element_type3A_77 = arith.extui %lt3A_76 : i1 to i32
        %cond3A_78 = arith.constant 0 : i32
        %cond3A_79 = arith.cmpi ne, %convert_element_type3A_77, %cond3A_78 : i32
        scf.if %cond3A_79 {
          %add3A_91 = arith.constant 1 : i32
          %add3A_92 = arith.addi %add3A_36, %add3A_91 : i32
          %mul3A_93 = arith.constant 2 : i32
          %mul3A_94 = arith.muli %add3A_92, %mul3A_93 : i32
          %add3A_95 = arith.constant 0 : i32
          %add3A_96 = arith.addi %mul3A_94, %add3A_95 : i32
          %dma_start3A_97 = arith.constant 0 : i32
          %dma_start3A_98 = arith.constant 0 : i32
          %dma_start3A_99 = tpu.memref_slice %arg10[%dma_start3A_97, %dma_start3A_98] : memref<256x128xf32, #tpu.memory_space<vmem>> -> memref<128x128xf32, #tpu.memory_space<vmem>>
          %dma_start3A_100 = arith.constant 0 : i32
          %dma_start3A_101 = tpu.memref_slice %arg8[%add3A_96, %dma_start3A_100] : memref<120x128xi32, #tpu.memory_space<vmem>> -> memref<1x128xi32, #tpu.memory_space<vmem>>
          %dma_start3A_102 = tpu.memref_squeeze %dma_start3A_101 : memref<1x128xi32, #tpu.memory_space<vmem>> -> memref<128xi32, #tpu.memory_space<vmem>>
          %dma_start3A_103 = arith.constant 0 : i32
          %dma_start3A_104 = arith.constant 0 : i32
          %dma_start3A_105 = tpu.memref_slice %arg2[%dma_start3A_103, %dma_start3A_104] : memref<10240x128xf32, #tpu.memory_space<hbm>> -> memref<10240x128xf32, #tpu.memory_space<hbm>>
          tpu.enqueue_indirect_dma source(%dma_start3A_105 : memref<10240x128xf32, #tpu.memory_space<hbm>>) target(%dma_start3A_99 : memref<128x128xf32, #tpu.memory_space<vmem>>) offsets(%dma_start3A_102 : memref<128xi32, #tpu.memory_space<vmem>>) semaphore(%arg12 : memref<!tpu.dma_semaphore, #tpu.memory_space<semaphore_mem>>)
          %mul3A_106 = arith.constant 2 : i32
          %mul3A_107 = arith.muli %add3A_92, %mul3A_106 : i32
          %add3A_108 = arith.constant 1 : i32
          %add3A_109 = arith.addi %mul3A_107, %add3A_108 : i32
          %dma_start3A_110 = arith.constant 128 : i32
          %dma_start3A_111 = arith.constant 0 : i32
          %dma_start3A_112 = tpu.memref_slice %arg10[%dma_start3A_110, %dma_start3A_111] : memref<256x128xf32, #tpu.memory_space<vmem>> -> memref<128x128xf32, #tpu.memory_space<vmem>>
          %dma_start3A_113 = arith.constant 0 : i32
          %dma_start3A_114 = tpu.memref_slice %arg8[%add3A_109, %dma_start3A_113] : memref<120x128xi32, #tpu.memory_space<vmem>> -> memref<1x128xi32, #tpu.memory_space<vmem>>
          %dma_start3A_115 = tpu.memref_squeeze %dma_start3A_114 : memref<1x128xi32, #tpu.memory_space<vmem>> -> memref<128xi32, #tpu.memory_space<vmem>>
          %dma_start3A_116 = arith.constant 0 : i32
          %dma_start3A_117 = arith.constant 0 : i32
          %dma_start3A_118 = tpu.memref_slice %arg2[%dma_start3A_116, %dma_start3A_117] : memref<10240x128xf32, #tpu.memory_space<hbm>> -> memref<10240x128xf32, #tpu.memory_space<hbm>>
          tpu.enqueue_indirect_dma source(%dma_start3A_118 : memref<10240x128xf32, #tpu.memory_space<hbm>>) target(%dma_start3A_112 : memref<128x128xf32, #tpu.memory_space<vmem>>) offsets(%dma_start3A_115 : memref<128xi32, #tpu.memory_space<vmem>>) semaphore(%arg12 : memref<!tpu.dma_semaphore, #tpu.memory_space<semaphore_mem>>)
        } else {
        }
        %dma_wait3A_80 = arith.constant 0 : i32
        %dma_wait3A_81 = arith.constant 0 : i32
        %dma_wait3A_82 = tpu.memref_slice %arg6[%dma_wait3A_80, %dma_wait3A_81] : memref<327680x128xf32, #tpu.memory_space<hbm>> -> memref<256x128xf32, #tpu.memory_space<hbm>>
        %dma_wait3A_83 = arith.constant 0 : i32
        %dma_wait3A_84 = arith.constant 0 : i32
        %dma_wait3A_85 = tpu.memref_slice %arg6[%dma_wait3A_83, %dma_wait3A_84] : memref<327680x128xf32, #tpu.memory_space<hbm>> -> memref<256x128xf32, #tpu.memory_space<hbm>>
        tpu.wait_dma2 semaphore(%arg13 : memref<!tpu.dma_semaphore, #tpu.memory_space<semaphore_mem>>) src(%dma_wait3A_85 : memref<256x128xf32, #tpu.memory_space<hbm>>) dst(%arg11 : memref<256x128xf32, #tpu.memory_space<vmem>>)
        %mul3A_86 = arith.constant 2 : i32
        %mul3A_87 = arith.muli %add3A_36, %mul3A_86 : i32
        %add3A_88 = arith.addi %select_n3A_8, %mul3A_87 : i32
        %mul3A_89 = arith.constant 128 : i32
        %mul3A_90 = arith.muli %add3A_88, %mul3A_89 : i32
        "tpu.region"() ({
          %run_scoped3A = tpu.sem_alloc : memref<!tpu.dma_semaphore, #tpu.memory_space<semaphore_mem>>
          %dma_start3A_91 = arith.constant 0 : i32
          %dma_start3A_92 = tpu.memref_slice %arg7[%mul3A_90, %dma_start3A_91] : memref<327680x128xf32, #tpu.memory_space<hbm>> -> memref<256x128xf32, #tpu.memory_space<hbm>>
          %dma_start3A_93 = arith.constant 0 : i32
          %dma_start3A_94 = tpu.memref_slice %arg7[%mul3A_90, %dma_start3A_93] : memref<327680x128xf32, #tpu.memory_space<hbm>> -> memref<256x128xf32, #tpu.memory_space<hbm>>
          tpu.enqueue_dma source(%arg11 : memref<256x128xf32, #tpu.memory_space<vmem>>) target(%dma_start3A_94 : memref<256x128xf32, #tpu.memory_space<hbm>>) target_semaphore(%run_scoped3A : memref<!tpu.dma_semaphore, #tpu.memory_space<semaphore_mem>>)
          %dma_wait3A_95 = arith.constant 0 : i32
          %dma_wait3A_96 = tpu.memref_slice %arg7[%mul3A_90, %dma_wait3A_95] : memref<327680x128xf32, #tpu.memory_space<hbm>> -> memref<256x128xf32, #tpu.memory_space<hbm>>
          %dma_wait3A_97 = arith.constant 0 : i32
          %dma_wait3A_98 = tpu.memref_slice %arg7[%mul3A_90, %dma_wait3A_97] : memref<327680x128xf32, #tpu.memory_space<hbm>> -> memref<256x128xf32, #tpu.memory_space<hbm>>
          tpu.wait_dma2 semaphore(%run_scoped3A : memref<!tpu.dma_semaphore, #tpu.memory_space<semaphore_mem>>) src(%arg11 : memref<256x128xf32, #tpu.memory_space<vmem>>) dst(%dma_wait3A_98 : memref<256x128xf32, #tpu.memory_space<hbm>>)
          tpu.yield
        }) : () -> ()
      } else {
      }
    }
    %scan3A_31 = arith.constant 60 : i32
    return
  }
}

#map = affine_map<(d0, d1) -> (0, 0)>
#map1 = affine_map<(d0, d1) -> (0, 0, 0)>
module attributes {stable_mosaic.version = 14 : i64} {
  func.func @k(%arg0: i32, %arg1: i32, %arg2: memref<327680x128xf32, #tpu.memory_space<hbm>>, %arg3: memref<32x80x128xi32, #tpu.memory_space<hbm>>, %arg4: memref<10240x128xf32, #tpu.memory_space<hbm>>, %arg5: memref<2x10240x128xf32, #tpu.memory_space<hbm>>, %arg6: memref<80x128xi32, #tpu.memory_space<vmem>>, %arg7: memref<128x128xf32, #tpu.memory_space<vmem>>, %arg8: memref<128x128xf32, #tpu.memory_space<vmem>>, %arg9: memref<10240x128xf32, #tpu.memory_space<vmem_shared>>, %arg10: memref<!tpu.dma_semaphore, #tpu.memory_space<semaphore_mem>>, %arg11: memref<!tpu.dma_semaphore, #tpu.memory_space<semaphore_mem>>) attributes {dimension_semantics = [#tpu.dimension_semantics<core_parallel>, #tpu.dimension_semantics<subcore_parallel>], iteration_bounds = array<i64: 2, 16>, scalar_prefetch = 0 : i64, scratch_operands = 6 : i64, tpu.core_type = #tpu.core_type<sc_vector_subcore>, window_params = [{transform_indices = #map}, {transform_indices = #map1}, {transform_indices = #map}, {transform_indices = #map1}]} {
    %mul3A = arith.constant 16 : i32
    %mul3A_0 = arith.muli %arg0, %mul3A : i32
    %add3A = arith.addi %mul3A_0, %arg1 : i32
    %mul3A_1 = arith.constant 10240 : i32
    %mul3A_2 = arith.muli %add3A, %mul3A_1 : i32
    %mul3A_3 = arith.constant 640 : i32
    %mul3A_4 = arith.muli %arg1, %mul3A_3 : i32
    %mul3A_5 = arith.constant 640 : i32
    %mul3A_6 = arith.muli %arg1, %mul3A_5 : i32
    "tpu.region"() ({
      %run_scoped3A = tpu.sem_alloc : memref<!tpu.dma_semaphore, #tpu.memory_space<semaphore_mem>>
      %dma_start3A_19 = arith.constant 0 : i32
      %dma_start3A_20 = tpu.memref_slice %arg9[%mul3A_6, %dma_start3A_19] : memref<10240x128xf32, #tpu.memory_space<vmem_shared>> -> memref<640x128xf32, #tpu.memory_space<vmem_shared>>
      %dma_start3A_21 = arith.constant 0 : i32
      %dma_start3A_22 = tpu.memref_slice %arg4[%mul3A_4, %dma_start3A_21] : memref<10240x128xf32, #tpu.memory_space<hbm>> -> memref<640x128xf32, #tpu.memory_space<hbm>>
      tpu.enqueue_dma source(%dma_start3A_22 : memref<640x128xf32, #tpu.memory_space<hbm>>) target(%dma_start3A_20 : memref<640x128xf32, #tpu.memory_space<vmem_shared>>) target_semaphore(%run_scoped3A : memref<!tpu.dma_semaphore, #tpu.memory_space<semaphore_mem>>)
      %dma_wait3A = arith.constant 0 : i32
      %dma_wait3A_23 = tpu.memref_slice %arg9[%mul3A_6, %dma_wait3A] : memref<10240x128xf32, #tpu.memory_space<vmem_shared>> -> memref<640x128xf32, #tpu.memory_space<vmem_shared>>
      %dma_wait3A_24 = arith.constant 0 : i32
      %dma_wait3A_25 = tpu.memref_slice %arg4[%mul3A_4, %dma_wait3A_24] : memref<10240x128xf32, #tpu.memory_space<hbm>> -> memref<640x128xf32, #tpu.memory_space<hbm>>
      tpu.wait_dma2 semaphore(%run_scoped3A : memref<!tpu.dma_semaphore, #tpu.memory_space<semaphore_mem>>) src(%dma_wait3A_25 : memref<640x128xf32, #tpu.memory_space<hbm>>) dst(%dma_wait3A_23 : memref<640x128xf32, #tpu.memory_space<vmem_shared>>)
      tpu.yield
    }) : () -> ()
    %barrier3A = arith.constant 0 : index
    tpu.barrier barrier_id(%barrier3A)
    "tpu.region"() ({
      %run_scoped3A = tpu.sem_alloc : memref<!tpu.dma_semaphore, #tpu.memory_space<semaphore_mem>>
      %dma_start3A_19 = arith.constant 0 : i32
      %dma_start3A_20 = arith.constant 0 : i32
      %dma_start3A_21 = tpu.memref_slice %arg3[%add3A, %dma_start3A_19, %dma_start3A_20] : memref<32x80x128xi32, #tpu.memory_space<hbm>> -> memref<1x80x128xi32, #tpu.memory_space<hbm>>
      %dma_start3A_22 = tpu.memref_squeeze %dma_start3A_21 : memref<1x80x128xi32, #tpu.memory_space<hbm>> -> memref<80x128xi32, #tpu.memory_space<hbm>>
      %dma_start3A_23 = arith.constant 0 : i32
      %dma_start3A_24 = arith.constant 0 : i32
      %dma_start3A_25 = tpu.memref_slice %arg3[%add3A, %dma_start3A_23, %dma_start3A_24] : memref<32x80x128xi32, #tpu.memory_space<hbm>> -> memref<1x80x128xi32, #tpu.memory_space<hbm>>
      %dma_start3A_26 = tpu.memref_squeeze %dma_start3A_25 : memref<1x80x128xi32, #tpu.memory_space<hbm>> -> memref<80x128xi32, #tpu.memory_space<hbm>>
      tpu.enqueue_dma source(%dma_start3A_26 : memref<80x128xi32, #tpu.memory_space<hbm>>) target(%arg6 : memref<80x128xi32, #tpu.memory_space<vmem>>) target_semaphore(%run_scoped3A : memref<!tpu.dma_semaphore, #tpu.memory_space<semaphore_mem>>)
      %dma_wait3A = arith.constant 0 : i32
      %dma_wait3A_27 = arith.constant 0 : i32
      %dma_wait3A_28 = tpu.memref_slice %arg3[%add3A, %dma_wait3A, %dma_wait3A_27] : memref<32x80x128xi32, #tpu.memory_space<hbm>> -> memref<1x80x128xi32, #tpu.memory_space<hbm>>
      %dma_wait3A_29 = tpu.memref_squeeze %dma_wait3A_28 : memref<1x80x128xi32, #tpu.memory_space<hbm>> -> memref<80x128xi32, #tpu.memory_space<hbm>>
      %dma_wait3A_30 = arith.constant 0 : i32
      %dma_wait3A_31 = arith.constant 0 : i32
      %dma_wait3A_32 = tpu.memref_slice %arg3[%add3A, %dma_wait3A_30, %dma_wait3A_31] : memref<32x80x128xi32, #tpu.memory_space<hbm>> -> memref<1x80x128xi32, #tpu.memory_space<hbm>>
      %dma_wait3A_33 = tpu.memref_squeeze %dma_wait3A_32 : memref<1x80x128xi32, #tpu.memory_space<hbm>> -> memref<80x128xi32, #tpu.memory_space<hbm>>
      tpu.wait_dma2 semaphore(%run_scoped3A : memref<!tpu.dma_semaphore, #tpu.memory_space<semaphore_mem>>) src(%dma_wait3A_33 : memref<80x128xi32, #tpu.memory_space<hbm>>) dst(%arg6 : memref<80x128xi32, #tpu.memory_space<vmem>>)
      tpu.yield
    }) : () -> ()
    %add3A_7 = arith.constant 0 : i32
    %add3A_8 = arith.addi %mul3A_2, %add3A_7 : i32
    %dma_start3A = arith.constant 0 : i32
    %dma_start3A_9 = tpu.memref_slice %arg2[%add3A_8, %dma_start3A] : memref<327680x128xf32, #tpu.memory_space<hbm>> -> memref<128x128xf32, #tpu.memory_space<hbm>>
    %dma_start3A_10 = arith.constant 0 : i32
    %dma_start3A_11 = tpu.memref_slice %arg2[%add3A_8, %dma_start3A_10] : memref<327680x128xf32, #tpu.memory_space<hbm>> -> memref<128x128xf32, #tpu.memory_space<hbm>>
    tpu.enqueue_dma source(%dma_start3A_11 : memref<128x128xf32, #tpu.memory_space<hbm>>) target(%arg7 : memref<128x128xf32, #tpu.memory_space<vmem>>) target_semaphore(%arg10 : memref<!tpu.dma_semaphore, #tpu.memory_space<semaphore_mem>>)
    %scan3A = arith.constant 0 : i32
    %scan3A_12 = arith.constant 40 : i32
    %scan3A_13 = arith.addi %scan3A, %scan3A_12 : i32
    %scan3A_14 = arith.constant 1 : i32
    scf.for %scan3A_19 = %scan3A to %scan3A_13 step %scan3A_14  : i32 {
      %mul3A_20 = arith.constant 2 : i32
      %mul3A_21 = arith.muli %scan3A_19, %mul3A_20 : i32
      %add3A_22 = arith.constant 0 : i32
      %add3A_23 = arith.addi %add3A_22, %mul3A_21 : i32
      %add3A_24 = arith.constant 0 : i32
      %add3A_25 = arith.addi %add3A_23, %add3A_24 : i32
      %add3A_26 = arith.constant 1 : i32
      %add3A_27 = arith.addi %add3A_25, %add3A_26 : i32
      %lt3A = arith.constant 80 : i32
      %lt3A_28 = arith.cmpi slt, %add3A_27, %lt3A : i32
      %convert_element_type3A_29 = arith.extui %lt3A_28 : i1 to i32
      %cond3A_30 = arith.constant 0 : i32
      %cond3A_31 = arith.cmpi ne, %convert_element_type3A_29, %cond3A_30 : i32
      scf.if %cond3A_31 {
        %add3A_52 = arith.constant 1 : i32
        %add3A_53 = arith.addi %add3A_25, %add3A_52 : i32
        %mul3A_54 = arith.constant 128 : i32
        %mul3A_55 = arith.muli %add3A_53, %mul3A_54 : i32
        %add3A_56 = arith.addi %mul3A_2, %mul3A_55 : i32
        %dma_start3A_57 = arith.constant 0 : i32
        %dma_start3A_58 = tpu.memref_slice %arg2[%add3A_56, %dma_start3A_57] : memref<327680x128xf32, #tpu.memory_space<hbm>> -> memref<128x128xf32, #tpu.memory_space<hbm>>
        %dma_start3A_59 = arith.constant 0 : i32
        %dma_start3A_60 = tpu.memref_slice %arg2[%add3A_56, %dma_start3A_59] : memref<327680x128xf32, #tpu.memory_space<hbm>> -> memref<128x128xf32, #tpu.memory_space<hbm>>
        tpu.enqueue_dma source(%dma_start3A_60 : memref<128x128xf32, #tpu.memory_space<hbm>>) target(%arg8 : memref<128x128xf32, #tpu.memory_space<vmem>>) target_semaphore(%arg11 : memref<!tpu.dma_semaphore, #tpu.memory_space<semaphore_mem>>)
      } else {
      }
      %dma_wait3A = arith.constant 0 : i32
      %dma_wait3A_32 = arith.constant 0 : i32
      %dma_wait3A_33 = tpu.memref_slice %arg2[%dma_wait3A, %dma_wait3A_32] : memref<327680x128xf32, #tpu.memory_space<hbm>> -> memref<128x128xf32, #tpu.memory_space<hbm>>
      %dma_wait3A_34 = arith.constant 0 : i32
      %dma_wait3A_35 = arith.constant 0 : i32
      %dma_wait3A_36 = tpu.memref_slice %arg2[%dma_wait3A_34, %dma_wait3A_35] : memref<327680x128xf32, #tpu.memory_space<hbm>> -> memref<128x128xf32, #tpu.memory_space<hbm>>
      tpu.wait_dma2 semaphore(%arg10 : memref<!tpu.dma_semaphore, #tpu.memory_space<semaphore_mem>>) src(%dma_wait3A_36 : memref<128x128xf32, #tpu.memory_space<hbm>>) dst(%arg7 : memref<128x128xf32, #tpu.memory_space<vmem>>)
      "tpu.region"() ({
        %run_scoped3A = tpu.sem_alloc : memref<!tpu.dma_semaphore, #tpu.memory_space<semaphore_mem>>
        %dma_start3A_52 = arith.constant 0 : i32
        %dma_start3A_53 = tpu.memref_slice %arg6[%add3A_25, %dma_start3A_52] : memref<80x128xi32, #tpu.memory_space<vmem>> -> memref<1x128xi32, #tpu.memory_space<vmem>>
        %dma_start3A_54 = tpu.memref_squeeze %dma_start3A_53 : memref<1x128xi32, #tpu.memory_space<vmem>> -> memref<128xi32, #tpu.memory_space<vmem>>
        %dma_start3A_55 = arith.constant 0 : i32
        %dma_start3A_56 = arith.constant 0 : i32
        %dma_start3A_57 = tpu.memref_slice %arg9[%dma_start3A_55, %dma_start3A_56] : memref<10240x128xf32, #tpu.memory_space<vmem_shared>> -> memref<10240x128xf32, #tpu.memory_space<vmem_shared>>
        tpu.enqueue_indirect_dma source(%arg7 : memref<128x128xf32, #tpu.memory_space<vmem>>) target(%dma_start3A_57 : memref<10240x128xf32, #tpu.memory_space<vmem_shared>>) offsets(%dma_start3A_54 : memref<128xi32, #tpu.memory_space<vmem>>) semaphore(%run_scoped3A : memref<!tpu.dma_semaphore, #tpu.memory_space<semaphore_mem>>) {add = true}
        %dma_wait3A_58 = arith.constant 0 : i32
        %dma_wait3A_59 = tpu.memref_slice %arg6[%add3A_25, %dma_wait3A_58] : memref<80x128xi32, #tpu.memory_space<vmem>> -> memref<1x128xi32, #tpu.memory_space<vmem>>
        %dma_wait3A_60 = tpu.memref_squeeze %dma_wait3A_59 : memref<1x128xi32, #tpu.memory_space<vmem>> -> memref<128xi32, #tpu.memory_space<vmem>>
        %dma_wait3A_61 = arith.constant 0 : i32
        %dma_wait3A_62 = arith.constant 0 : i32
        %dma_wait3A_63 = tpu.memref_slice %arg9[%dma_wait3A_61, %dma_wait3A_62] : memref<10240x128xf32, #tpu.memory_space<vmem_shared>> -> memref<10240x128xf32, #tpu.memory_space<vmem_shared>>
        tpu.wait_indirect_dma semaphore(%run_scoped3A : memref<!tpu.dma_semaphore, #tpu.memory_space<semaphore_mem>>) src(%arg7 : memref<128x128xf32, #tpu.memory_space<vmem>>) dst(%dma_wait3A_63 : memref<10240x128xf32, #tpu.memory_space<vmem_shared>>)
        tpu.yield
      }) : () -> ()
      %add3A_37 = arith.constant 1 : i32
      %add3A_38 = arith.addi %add3A_23, %add3A_37 : i32
      %add3A_39 = arith.constant 1 : i32
      %add3A_40 = arith.addi %add3A_38, %add3A_39 : i32
      %lt3A_41 = arith.constant 80 : i32
      %lt3A_42 = arith.cmpi slt, %add3A_40, %lt3A_41 : i32
      %convert_element_type3A_43 = arith.extui %lt3A_42 : i1 to i32
      %cond3A_44 = arith.constant 0 : i32
      %cond3A_45 = arith.cmpi ne, %convert_element_type3A_43, %cond3A_44 : i32
      scf.if %cond3A_45 {
        %add3A_52 = arith.constant 1 : i32
        %add3A_53 = arith.addi %add3A_38, %add3A_52 : i32
        %mul3A_54 = arith.constant 128 : i32
        %mul3A_55 = arith.muli %add3A_53, %mul3A_54 : i32
        %add3A_56 = arith.addi %mul3A_2, %mul3A_55 : i32
        %dma_start3A_57 = arith.constant 0 : i32
        %dma_start3A_58 = tpu.memref_slice %arg2[%add3A_56, %dma_start3A_57] : memref<327680x128xf32, #tpu.memory_space<hbm>> -> memref<128x128xf32, #tpu.memory_space<hbm>>
        %dma_start3A_59 = arith.constant 0 : i32
        %dma_start3A_60 = tpu.memref_slice %arg2[%add3A_56, %dma_start3A_59] : memref<327680x128xf32, #tpu.memory_space<hbm>> -> memref<128x128xf32, #tpu.memory_space<hbm>>
        tpu.enqueue_dma source(%dma_start3A_60 : memref<128x128xf32, #tpu.memory_space<hbm>>) target(%arg7 : memref<128x128xf32, #tpu.memory_space<vmem>>) target_semaphore(%arg10 : memref<!tpu.dma_semaphore, #tpu.memory_space<semaphore_mem>>)
      } else {
      }
      %dma_wait3A_46 = arith.constant 0 : i32
      %dma_wait3A_47 = arith.constant 0 : i32
      %dma_wait3A_48 = tpu.memref_slice %arg2[%dma_wait3A_46, %dma_wait3A_47] : memref<327680x128xf32, #tpu.memory_space<hbm>> -> memref<128x128xf32, #tpu.memory_space<hbm>>
      %dma_wait3A_49 = arith.constant 0 : i32
      %dma_wait3A_50 = arith.constant 0 : i32
      %dma_wait3A_51 = tpu.memref_slice %arg2[%dma_wait3A_49, %dma_wait3A_50] : memref<327680x128xf32, #tpu.memory_space<hbm>> -> memref<128x128xf32, #tpu.memory_space<hbm>>
      tpu.wait_dma2 semaphore(%arg11 : memref<!tpu.dma_semaphore, #tpu.memory_space<semaphore_mem>>) src(%dma_wait3A_51 : memref<128x128xf32, #tpu.memory_space<hbm>>) dst(%arg8 : memref<128x128xf32, #tpu.memory_space<vmem>>)
      "tpu.region"() ({
        %run_scoped3A = tpu.sem_alloc : memref<!tpu.dma_semaphore, #tpu.memory_space<semaphore_mem>>
        %dma_start3A_52 = arith.constant 0 : i32
        %dma_start3A_53 = tpu.memref_slice %arg6[%add3A_38, %dma_start3A_52] : memref<80x128xi32, #tpu.memory_space<vmem>> -> memref<1x128xi32, #tpu.memory_space<vmem>>
        %dma_start3A_54 = tpu.memref_squeeze %dma_start3A_53 : memref<1x128xi32, #tpu.memory_space<vmem>> -> memref<128xi32, #tpu.memory_space<vmem>>
        %dma_start3A_55 = arith.constant 0 : i32
        %dma_start3A_56 = arith.constant 0 : i32
        %dma_start3A_57 = tpu.memref_slice %arg9[%dma_start3A_55, %dma_start3A_56] : memref<10240x128xf32, #tpu.memory_space<vmem_shared>> -> memref<10240x128xf32, #tpu.memory_space<vmem_shared>>
        tpu.enqueue_indirect_dma source(%arg8 : memref<128x128xf32, #tpu.memory_space<vmem>>) target(%dma_start3A_57 : memref<10240x128xf32, #tpu.memory_space<vmem_shared>>) offsets(%dma_start3A_54 : memref<128xi32, #tpu.memory_space<vmem>>) semaphore(%run_scoped3A : memref<!tpu.dma_semaphore, #tpu.memory_space<semaphore_mem>>) {add = true}
        %dma_wait3A_58 = arith.constant 0 : i32
        %dma_wait3A_59 = tpu.memref_slice %arg6[%add3A_38, %dma_wait3A_58] : memref<80x128xi32, #tpu.memory_space<vmem>> -> memref<1x128xi32, #tpu.memory_space<vmem>>
        %dma_wait3A_60 = tpu.memref_squeeze %dma_wait3A_59 : memref<1x128xi32, #tpu.memory_space<vmem>> -> memref<128xi32, #tpu.memory_space<vmem>>
        %dma_wait3A_61 = arith.constant 0 : i32
        %dma_wait3A_62 = arith.constant 0 : i32
        %dma_wait3A_63 = tpu.memref_slice %arg9[%dma_wait3A_61, %dma_wait3A_62] : memref<10240x128xf32, #tpu.memory_space<vmem_shared>> -> memref<10240x128xf32, #tpu.memory_space<vmem_shared>>
        tpu.wait_indirect_dma semaphore(%run_scoped3A : memref<!tpu.dma_semaphore, #tpu.memory_space<semaphore_mem>>) src(%arg8 : memref<128x128xf32, #tpu.memory_space<vmem>>) dst(%dma_wait3A_63 : memref<10240x128xf32, #tpu.memory_space<vmem_shared>>)
        tpu.yield
      }) : () -> ()
    }
    %scan3A_15 = arith.constant 40 : i32
    %barrier3A_16 = arith.constant 0 : index
    tpu.barrier barrier_id(%barrier3A_16)
    %eq3A = arith.constant 0 : i32
    %eq3A_17 = arith.cmpi eq, %arg1, %eq3A : i32
    %convert_element_type3A = arith.extui %eq3A_17 : i1 to i32
    %cond3A = arith.constant 0 : i32
    %cond3A_18 = arith.cmpi ne, %convert_element_type3A, %cond3A : i32
    scf.if %cond3A_18 {
      "tpu.region"() ({
        %run_scoped3A = tpu.sem_alloc : memref<!tpu.dma_semaphore, #tpu.memory_space<semaphore_mem>>
        %dma_start3A_19 = arith.constant 0 : i32
        %dma_start3A_20 = arith.constant 0 : i32
        %dma_start3A_21 = tpu.memref_slice %arg5[%arg0, %dma_start3A_19, %dma_start3A_20] : memref<2x10240x128xf32, #tpu.memory_space<hbm>> -> memref<1x10240x128xf32, #tpu.memory_space<hbm>>
        %dma_start3A_22 = tpu.memref_squeeze %dma_start3A_21 : memref<1x10240x128xf32, #tpu.memory_space<hbm>> -> memref<10240x128xf32, #tpu.memory_space<hbm>>
        tpu.enqueue_dma source(%arg9 : memref<10240x128xf32, #tpu.memory_space<vmem_shared>>) target(%dma_start3A_22 : memref<10240x128xf32, #tpu.memory_space<hbm>>) target_semaphore(%run_scoped3A : memref<!tpu.dma_semaphore, #tpu.memory_space<semaphore_mem>>)
        %dma_wait3A = arith.constant 0 : i32
        %dma_wait3A_23 = arith.constant 0 : i32
        %dma_wait3A_24 = tpu.memref_slice %arg5[%arg0, %dma_wait3A, %dma_wait3A_23] : memref<2x10240x128xf32, #tpu.memory_space<hbm>> -> memref<1x10240x128xf32, #tpu.memory_space<hbm>>
        %dma_wait3A_25 = tpu.memref_squeeze %dma_wait3A_24 : memref<1x10240x128xf32, #tpu.memory_space<hbm>> -> memref<10240x128xf32, #tpu.memory_space<hbm>>
        tpu.wait_dma2 semaphore(%run_scoped3A : memref<!tpu.dma_semaphore, #tpu.memory_space<semaphore_mem>>) src(%arg9 : memref<10240x128xf32, #tpu.memory_space<vmem_shared>>) dst(%dma_wait3A_25 : memref<10240x128xf32, #tpu.memory_space<hbm>>)
        tpu.yield
      }) : () -> ()
    } else {
    }
    return
  }
}

#map = affine_map<(d0, d1) -> (0, 0)>
module attributes {stable_mosaic.version = 14 : i64} {
  func.func @k(%arg0: i32, %arg1: i32, %arg2: memref<10240x128xf32, #tpu.memory_space<hbm>>, %arg3: memref<10240x128xf32, #tpu.memory_space<hbm>>, %arg4: memref<2640x128xi32, #tpu.memory_space<hbm>>, %arg5: memref<2640x128xi32, #tpu.memory_space<hbm>>, %arg6: memref<327680x128xf32, #tpu.memory_space<hbm>>, %arg7: memref<327680x128xf32, #tpu.memory_space<hbm>>, %arg8: memref<120x128xi32, #tpu.memory_space<vmem>>, %arg9: memref<120x128xi32, #tpu.memory_space<vmem>>, %arg10: memref<256x128xf32, #tpu.memory_space<vmem>>, %arg11: memref<256x128xf32, #tpu.memory_space<vmem>>, %arg12: memref<!tpu.dma_semaphore, #tpu.memory_space<semaphore_mem>>, %arg13: memref<!tpu.dma_semaphore, #tpu.memory_space<semaphore_mem>>) attributes {dimension_semantics = [#tpu.dimension_semantics<core_parallel>, #tpu.dimension_semantics<subcore_parallel>], iteration_bounds = array<i64: 2, 16>, scalar_prefetch = 0 : i64, scratch_operands = 6 : i64, tpu.core_type = #tpu.core_type<sc_vector_subcore>, window_params = [{transform_indices = #map}, {transform_indices = #map}, {transform_indices = #map}, {transform_indices = #map}, {transform_indices = #map}, {transform_indices = #map}]} {
    %eq3A = arith.constant 1 : i32
    %eq3A_0 = arith.cmpi eq, %arg0, %eq3A : i32
    %jit3A = arith.constant 60 : i32
    %jit3A_1 = arith.constant 20 : i32
    %select_n3A = arith.select %eq3A_0, %jit3A, %jit3A_1 : i32
    %eq3A_2 = arith.constant 1 : i32
    %eq3A_3 = arith.cmpi eq, %arg0, %eq3A_2 : i32
    %mul3A = arith.constant 120 : i32
    %mul3A_4 = arith.muli %arg1, %mul3A : i32
    %mul3A_5 = arith.constant 40 : i32
    %mul3A_6 = arith.muli %arg1, %mul3A_5 : i32
    %add3A = arith.constant 1920 : i32
    %add3A_7 = arith.addi %add3A, %mul3A_6 : i32
    %select_n3A_8 = arith.select %eq3A_3, %mul3A_4, %add3A_7 : i32
    "tpu.region"() ({
      %run_scoped3A = tpu.sem_alloc : memref<!tpu.dma_semaphore, #tpu.memory_space<semaphore_mem>>
      %dma_start3A_32 = arith.constant 0 : i32
      %dma_start3A_33 = tpu.memref_slice %arg4[%select_n3A_8, %dma_start3A_32] : memref<2640x128xi32, #tpu.memory_space<hbm>> -> memref<120x128xi32, #tpu.memory_space<hbm>>
      %dma_start3A_34 = arith.constant 0 : i32
      %dma_start3A_35 = tpu.memref_slice %arg4[%select_n3A_8, %dma_start3A_34] : memref<2640x128xi32, #tpu.memory_space<hbm>> -> memref<120x128xi32, #tpu.memory_space<hbm>>
      tpu.enqueue_dma source(%dma_start3A_35 : memref<120x128xi32, #tpu.memory_space<hbm>>) target(%arg8 : memref<120x128xi32, #tpu.memory_space<vmem>>) target_semaphore(%run_scoped3A : memref<!tpu.dma_semaphore, #tpu.memory_space<semaphore_mem>>)
      %dma_wait3A = arith.constant 0 : i32
      %dma_wait3A_36 = tpu.memref_slice %arg4[%select_n3A_8, %dma_wait3A] : memref<2640x128xi32, #tpu.memory_space<hbm>> -> memref<120x128xi32, #tpu.memory_space<hbm>>
      %dma_wait3A_37 = arith.constant 0 : i32
      %dma_wait3A_38 = tpu.memref_slice %arg4[%select_n3A_8, %dma_wait3A_37] : memref<2640x128xi32, #tpu.memory_space<hbm>> -> memref<120x128xi32, #tpu.memory_space<hbm>>
      tpu.wait_dma2 semaphore(%run_scoped3A : memref<!tpu.dma_semaphore, #tpu.memory_space<semaphore_mem>>) src(%dma_wait3A_38 : memref<120x128xi32, #tpu.memory_space<hbm>>) dst(%arg8 : memref<120x128xi32, #tpu.memory_space<vmem>>)
      tpu.yield
    }) : () -> ()
    "tpu.region"() ({
      %run_scoped3A = tpu.sem_alloc : memref<!tpu.dma_semaphore, #tpu.memory_space<semaphore_mem>>
      %dma_start3A_32 = arith.constant 0 : i32
      %dma_start3A_33 = tpu.memref_slice %arg5[%select_n3A_8, %dma_start3A_32] : memref<2640x128xi32, #tpu.memory_space<hbm>> -> memref<120x128xi32, #tpu.memory_space<hbm>>
      %dma_start3A_34 = arith.constant 0 : i32
      %dma_start3A_35 = tpu.memref_slice %arg5[%select_n3A_8, %dma_start3A_34] : memref<2640x128xi32, #tpu.memory_space<hbm>> -> memref<120x128xi32, #tpu.memory_space<hbm>>
      tpu.enqueue_dma source(%dma_start3A_35 : memref<120x128xi32, #tpu.memory_space<hbm>>) target(%arg9 : memref<120x128xi32, #tpu.memory_space<vmem>>) target_semaphore(%run_scoped3A : memref<!tpu.dma_semaphore, #tpu.memory_space<semaphore_mem>>)
      %dma_wait3A = arith.constant 0 : i32
      %dma_wait3A_36 = tpu.memref_slice %arg5[%select_n3A_8, %dma_wait3A] : memref<2640x128xi32, #tpu.memory_space<hbm>> -> memref<120x128xi32, #tpu.memory_space<hbm>>
      %dma_wait3A_37 = arith.constant 0 : i32
      %dma_wait3A_38 = tpu.memref_slice %arg5[%select_n3A_8, %dma_wait3A_37] : memref<2640x128xi32, #tpu.memory_space<hbm>> -> memref<120x128xi32, #tpu.memory_space<hbm>>
      tpu.wait_dma2 semaphore(%run_scoped3A : memref<!tpu.dma_semaphore, #tpu.memory_space<semaphore_mem>>) src(%dma_wait3A_38 : memref<120x128xi32, #tpu.memory_space<hbm>>) dst(%arg9 : memref<120x128xi32, #tpu.memory_space<vmem>>)
      tpu.yield
    }) : () -> ()
    %dma_start3A = arith.constant 0 : i32
    %dma_start3A_9 = arith.constant 0 : i32
    %dma_start3A_10 = arith.constant 0 : i32
    %dma_start3A_11 = tpu.memref_slice %arg10[%dma_start3A_9, %dma_start3A_10] : memref<256x128xf32, #tpu.memory_space<vmem>> -> memref<128x128xf32, #tpu.memory_space<vmem>>
    %dma_start3A_12 = arith.constant 0 : i32
    %dma_start3A_13 = tpu.memref_slice %arg8[%dma_start3A, %dma_start3A_12] : memref<120x128xi32, #tpu.memory_space<vmem>> -> memref<1x128xi32, #tpu.memory_space<vmem>>
    %dma_start3A_14 = tpu.memref_squeeze %dma_start3A_13 : memref<1x128xi32, #tpu.memory_space<vmem>> -> memref<128xi32, #tpu.memory_space<vmem>>
    %dma_start3A_15 = arith.constant 0 : i32
    %dma_start3A_16 = arith.constant 0 : i32
    %dma_start3A_17 = tpu.memref_slice %arg2[%dma_start3A_15, %dma_start3A_16] : memref<10240x128xf32, #tpu.memory_space<hbm>> -> memref<10240x128xf32, #tpu.memory_space<hbm>>
    tpu.enqueue_indirect_dma source(%dma_start3A_17 : memref<10240x128xf32, #tpu.memory_space<hbm>>) target(%dma_start3A_11 : memref<128x128xf32, #tpu.memory_space<vmem>>) offsets(%dma_start3A_14 : memref<128xi32, #tpu.memory_space<vmem>>) semaphore(%arg12 : memref<!tpu.dma_semaphore, #tpu.memory_space<semaphore_mem>>)
    %dma_start3A_18 = arith.constant 1 : i32
    %dma_start3A_19 = arith.constant 128 : i32
    %dma_start3A_20 = arith.constant 0 : i32
    %dma_start3A_21 = tpu.memref_slice %arg10[%dma_start3A_19, %dma_start3A_20] : memref<256x128xf32, #tpu.memory_space<vmem>> -> memref<128x128xf32, #tpu.memory_space<vmem>>
    %dma_start3A_22 = arith.constant 0 : i32
    %dma_start3A_23 = tpu.memref_slice %arg8[%dma_start3A_18, %dma_start3A_22] : memref<120x128xi32, #tpu.memory_space<vmem>> -> memref<1x128xi32, #tpu.memory_space<vmem>>
    %dma_start3A_24 = tpu.memref_squeeze %dma_start3A_23 : memref<1x128xi32, #tpu.memory_space<vmem>> -> memref<128xi32, #tpu.memory_space<vmem>>
    %dma_start3A_25 = arith.constant 0 : i32
    %dma_start3A_26 = arith.constant 0 : i32
    %dma_start3A_27 = tpu.memref_slice %arg2[%dma_start3A_25, %dma_start3A_26] : memref<10240x128xf32, #tpu.memory_space<hbm>> -> memref<10240x128xf32, #tpu.memory_space<hbm>>
    tpu.enqueue_indirect_dma source(%dma_start3A_27 : memref<10240x128xf32, #tpu.memory_space<hbm>>) target(%dma_start3A_21 : memref<128x128xf32, #tpu.memory_space<vmem>>) offsets(%dma_start3A_24 : memref<128xi32, #tpu.memory_space<vmem>>) semaphore(%arg12 : memref<!tpu.dma_semaphore, #tpu.memory_space<semaphore_mem>>)
    %scan3A = arith.constant 0 : i32
    %scan3A_28 = arith.constant 60 : i32
    %scan3A_29 = arith.addi %scan3A, %scan3A_28 : i32
    %scan3A_30 = arith.constant 1 : i32
    scf.for %scan3A_32 = %scan3A to %scan3A_29 step %scan3A_30  : i32 {
      %mul3A_33 = arith.constant 1 : i32
      %mul3A_34 = arith.muli %scan3A_32, %mul3A_33 : i32
      %add3A_35 = arith.constant 0 : i32
      %add3A_36 = arith.addi %add3A_35, %mul3A_34 : i32
      %lt3A = arith.cmpi slt, %add3A_36, %select_n3A : i32
      %convert_element_type3A = arith.extui %lt3A : i1 to i32
      %cond3A = arith.constant 0 : i32
      %cond3A_37 = arith.cmpi ne, %convert_element_type3A, %cond3A : i32
      scf.if %cond3A_37 {
        %mul3A_38 = arith.constant 2 : i32
        %mul3A_39 = arith.muli %add3A_36, %mul3A_38 : i32
        %add3A_40 = arith.constant 0 : i32
        %add3A_41 = arith.addi %mul3A_39, %add3A_40 : i32
        %dma_start3A_42 = arith.constant 0 : i32
        %dma_start3A_43 = arith.constant 0 : i32
        %dma_start3A_44 = tpu.memref_slice %arg11[%dma_start3A_42, %dma_start3A_43] : memref<256x128xf32, #tpu.memory_space<vmem>> -> memref<128x128xf32, #tpu.memory_space<vmem>>
        %dma_start3A_45 = arith.constant 0 : i32
        %dma_start3A_46 = tpu.memref_slice %arg9[%add3A_41, %dma_start3A_45] : memref<120x128xi32, #tpu.memory_space<vmem>> -> memref<1x128xi32, #tpu.memory_space<vmem>>
        %dma_start3A_47 = tpu.memref_squeeze %dma_start3A_46 : memref<1x128xi32, #tpu.memory_space<vmem>> -> memref<128xi32, #tpu.memory_space<vmem>>
        %dma_start3A_48 = arith.constant 0 : i32
        %dma_start3A_49 = arith.constant 0 : i32
        %dma_start3A_50 = tpu.memref_slice %arg3[%dma_start3A_48, %dma_start3A_49] : memref<10240x128xf32, #tpu.memory_space<hbm>> -> memref<10240x128xf32, #tpu.memory_space<hbm>>
        tpu.enqueue_indirect_dma source(%dma_start3A_50 : memref<10240x128xf32, #tpu.memory_space<hbm>>) target(%dma_start3A_44 : memref<128x128xf32, #tpu.memory_space<vmem>>) offsets(%dma_start3A_47 : memref<128xi32, #tpu.memory_space<vmem>>) semaphore(%arg13 : memref<!tpu.dma_semaphore, #tpu.memory_space<semaphore_mem>>)
        %mul3A_51 = arith.constant 2 : i32
        %mul3A_52 = arith.muli %add3A_36, %mul3A_51 : i32
        %add3A_53 = arith.constant 1 : i32
        %add3A_54 = arith.addi %mul3A_52, %add3A_53 : i32
        %dma_start3A_55 = arith.constant 128 : i32
        %dma_start3A_56 = arith.constant 0 : i32
        %dma_start3A_57 = tpu.memref_slice %arg11[%dma_start3A_55, %dma_start3A_56] : memref<256x128xf32, #tpu.memory_space<vmem>> -> memref<128x128xf32, #tpu.memory_space<vmem>>
        %dma_start3A_58 = arith.constant 0 : i32
        %dma_start3A_59 = tpu.memref_slice %arg9[%add3A_54, %dma_start3A_58] : memref<120x128xi32, #tpu.memory_space<vmem>> -> memref<1x128xi32, #tpu.memory_space<vmem>>
        %dma_start3A_60 = tpu.memref_squeeze %dma_start3A_59 : memref<1x128xi32, #tpu.memory_space<vmem>> -> memref<128xi32, #tpu.memory_space<vmem>>
        %dma_start3A_61 = arith.constant 0 : i32
        %dma_start3A_62 = arith.constant 0 : i32
        %dma_start3A_63 = tpu.memref_slice %arg3[%dma_start3A_61, %dma_start3A_62] : memref<10240x128xf32, #tpu.memory_space<hbm>> -> memref<10240x128xf32, #tpu.memory_space<hbm>>
        tpu.enqueue_indirect_dma source(%dma_start3A_63 : memref<10240x128xf32, #tpu.memory_space<hbm>>) target(%dma_start3A_57 : memref<128x128xf32, #tpu.memory_space<vmem>>) offsets(%dma_start3A_60 : memref<128xi32, #tpu.memory_space<vmem>>) semaphore(%arg13 : memref<!tpu.dma_semaphore, #tpu.memory_space<semaphore_mem>>)
        %dma_wait3A = arith.constant 0 : i32
        %dma_wait3A_64 = arith.constant 0 : i32
        %dma_wait3A_65 = tpu.memref_slice %arg6[%dma_wait3A, %dma_wait3A_64] : memref<327680x128xf32, #tpu.memory_space<hbm>> -> memref<256x128xf32, #tpu.memory_space<hbm>>
        %dma_wait3A_66 = arith.constant 0 : i32
        %dma_wait3A_67 = arith.constant 0 : i32
        %dma_wait3A_68 = tpu.memref_slice %arg6[%dma_wait3A_66, %dma_wait3A_67] : memref<327680x128xf32, #tpu.memory_space<hbm>> -> memref<256x128xf32, #tpu.memory_space<hbm>>
        tpu.wait_dma2 semaphore(%arg12 : memref<!tpu.dma_semaphore, #tpu.memory_space<semaphore_mem>>) src(%dma_wait3A_68 : memref<256x128xf32, #tpu.memory_space<hbm>>) dst(%arg10 : memref<256x128xf32, #tpu.memory_space<vmem>>)
        %mul3A_69 = arith.constant 2 : i32
        %mul3A_70 = arith.muli %add3A_36, %mul3A_69 : i32
        %add3A_71 = arith.addi %select_n3A_8, %mul3A_70 : i32
        %mul3A_72 = arith.constant 128 : i32
        %mul3A_73 = arith.muli %add3A_71, %mul3A_72 : i32
        "tpu.region"() ({
          %run_scoped3A = tpu.sem_alloc : memref<!tpu.dma_semaphore, #tpu.memory_space<semaphore_mem>>
          %dma_start3A_91 = arith.constant 0 : i32
          %dma_start3A_92 = tpu.memref_slice %arg6[%mul3A_73, %dma_start3A_91] : memref<327680x128xf32, #tpu.memory_space<hbm>> -> memref<256x128xf32, #tpu.memory_space<hbm>>
          %dma_start3A_93 = arith.constant 0 : i32
          %dma_start3A_94 = tpu.memref_slice %arg6[%mul3A_73, %dma_start3A_93] : memref<327680x128xf32, #tpu.memory_space<hbm>> -> memref<256x128xf32, #tpu.memory_space<hbm>>
          tpu.enqueue_dma source(%arg10 : memref<256x128xf32, #tpu.memory_space<vmem>>) target(%dma_start3A_94 : memref<256x128xf32, #tpu.memory_space<hbm>>) target_semaphore(%run_scoped3A : memref<!tpu.dma_semaphore, #tpu.memory_space<semaphore_mem>>)
          %dma_wait3A_95 = arith.constant 0 : i32
          %dma_wait3A_96 = tpu.memref_slice %arg6[%mul3A_73, %dma_wait3A_95] : memref<327680x128xf32, #tpu.memory_space<hbm>> -> memref<256x128xf32, #tpu.memory_space<hbm>>
          %dma_wait3A_97 = arith.constant 0 : i32
          %dma_wait3A_98 = tpu.memref_slice %arg6[%mul3A_73, %dma_wait3A_97] : memref<327680x128xf32, #tpu.memory_space<hbm>> -> memref<256x128xf32, #tpu.memory_space<hbm>>
          tpu.wait_dma2 semaphore(%run_scoped3A : memref<!tpu.dma_semaphore, #tpu.memory_space<semaphore_mem>>) src(%arg10 : memref<256x128xf32, #tpu.memory_space<vmem>>) dst(%dma_wait3A_98 : memref<256x128xf32, #tpu.memory_space<hbm>>)
          tpu.yield
        }) : () -> ()
        %add3A_74 = arith.constant 1 : i32
        %add3A_75 = arith.addi %add3A_36, %add3A_74 : i32
        %lt3A_76 = arith.cmpi slt, %add3A_75, %select_n3A : i32
        %convert_element_type3A_77 = arith.extui %lt3A_76 : i1 to i32
        %cond3A_78 = arith.constant 0 : i32
        %cond3A_79 = arith.cmpi ne, %convert_element_type3A_77, %cond3A_78 : i32
        scf.if %cond3A_79 {
          %add3A_91 = arith.constant 1 : i32
          %add3A_92 = arith.addi %add3A_36, %add3A_91 : i32
          %mul3A_93 = arith.constant 2 : i32
          %mul3A_94 = arith.muli %add3A_92, %mul3A_93 : i32
          %add3A_95 = arith.constant 0 : i32
          %add3A_96 = arith.addi %mul3A_94, %add3A_95 : i32
          %dma_start3A_97 = arith.constant 0 : i32
          %dma_start3A_98 = arith.constant 0 : i32
          %dma_start3A_99 = tpu.memref_slice %arg10[%dma_start3A_97, %dma_start3A_98] : memref<256x128xf32, #tpu.memory_space<vmem>> -> memref<128x128xf32, #tpu.memory_space<vmem>>
          %dma_start3A_100 = arith.constant 0 : i32
          %dma_start3A_101 = tpu.memref_slice %arg8[%add3A_96, %dma_start3A_100] : memref<120x128xi32, #tpu.memory_space<vmem>> -> memref<1x128xi32, #tpu.memory_space<vmem>>
          %dma_start3A_102 = tpu.memref_squeeze %dma_start3A_101 : memref<1x128xi32, #tpu.memory_space<vmem>> -> memref<128xi32, #tpu.memory_space<vmem>>
          %dma_start3A_103 = arith.constant 0 : i32
          %dma_start3A_104 = arith.constant 0 : i32
          %dma_start3A_105 = tpu.memref_slice %arg2[%dma_start3A_103, %dma_start3A_104] : memref<10240x128xf32, #tpu.memory_space<hbm>> -> memref<10240x128xf32, #tpu.memory_space<hbm>>
          tpu.enqueue_indirect_dma source(%dma_start3A_105 : memref<10240x128xf32, #tpu.memory_space<hbm>>) target(%dma_start3A_99 : memref<128x128xf32, #tpu.memory_space<vmem>>) offsets(%dma_start3A_102 : memref<128xi32, #tpu.memory_space<vmem>>) semaphore(%arg12 : memref<!tpu.dma_semaphore, #tpu.memory_space<semaphore_mem>>)
          %mul3A_106 = arith.constant 2 : i32
          %mul3A_107 = arith.muli %add3A_92, %mul3A_106 : i32
          %add3A_108 = arith.constant 1 : i32
          %add3A_109 = arith.addi %mul3A_107, %add3A_108 : i32
          %dma_start3A_110 = arith.constant 128 : i32
          %dma_start3A_111 = arith.constant 0 : i32
          %dma_start3A_112 = tpu.memref_slice %arg10[%dma_start3A_110, %dma_start3A_111] : memref<256x128xf32, #tpu.memory_space<vmem>> -> memref<128x128xf32, #tpu.memory_space<vmem>>
          %dma_start3A_113 = arith.constant 0 : i32
          %dma_start3A_114 = tpu.memref_slice %arg8[%add3A_109, %dma_start3A_113] : memref<120x128xi32, #tpu.memory_space<vmem>> -> memref<1x128xi32, #tpu.memory_space<vmem>>
          %dma_start3A_115 = tpu.memref_squeeze %dma_start3A_114 : memref<1x128xi32, #tpu.memory_space<vmem>> -> memref<128xi32, #tpu.memory_space<vmem>>
          %dma_start3A_116 = arith.constant 0 : i32
          %dma_start3A_117 = arith.constant 0 : i32
          %dma_start3A_118 = tpu.memref_slice %arg2[%dma_start3A_116, %dma_start3A_117] : memref<10240x128xf32, #tpu.memory_space<hbm>> -> memref<10240x128xf32, #tpu.memory_space<hbm>>
          tpu.enqueue_indirect_dma source(%dma_start3A_118 : memref<10240x128xf32, #tpu.memory_space<hbm>>) target(%dma_start3A_112 : memref<128x128xf32, #tpu.memory_space<vmem>>) offsets(%dma_start3A_115 : memref<128xi32, #tpu.memory_space<vmem>>) semaphore(%arg12 : memref<!tpu.dma_semaphore, #tpu.memory_space<semaphore_mem>>)
        } else {
        }
        %dma_wait3A_80 = arith.constant 0 : i32
        %dma_wait3A_81 = arith.constant 0 : i32
        %dma_wait3A_82 = tpu.memref_slice %arg6[%dma_wait3A_80, %dma_wait3A_81] : memref<327680x128xf32, #tpu.memory_space<hbm>> -> memref<256x128xf32, #tpu.memory_space<hbm>>
        %dma_wait3A_83 = arith.constant 0 : i32
        %dma_wait3A_84 = arith.constant 0 : i32
        %dma_wait3A_85 = tpu.memref_slice %arg6[%dma_wait3A_83, %dma_wait3A_84] : memref<327680x128xf32, #tpu.memory_space<hbm>> -> memref<256x128xf32, #tpu.memory_space<hbm>>
        tpu.wait_dma2 semaphore(%arg13 : memref<!tpu.dma_semaphore, #tpu.memory_space<semaphore_mem>>) src(%dma_wait3A_85 : memref<256x128xf32, #tpu.memory_space<hbm>>) dst(%arg11 : memref<256x128xf32, #tpu.memory_space<vmem>>)
        %mul3A_86 = arith.constant 2 : i32
        %mul3A_87 = arith.muli %add3A_36, %mul3A_86 : i32
        %add3A_88 = arith.addi %select_n3A_8, %mul3A_87 : i32
        %mul3A_89 = arith.constant 128 : i32
        %mul3A_90 = arith.muli %add3A_88, %mul3A_89 : i32
        "tpu.region"() ({
          %run_scoped3A = tpu.sem_alloc : memref<!tpu.dma_semaphore, #tpu.memory_space<semaphore_mem>>
          %dma_start3A_91 = arith.constant 0 : i32
          %dma_start3A_92 = tpu.memref_slice %arg7[%mul3A_90, %dma_start3A_91] : memref<327680x128xf32, #tpu.memory_space<hbm>> -> memref<256x128xf32, #tpu.memory_space<hbm>>
          %dma_start3A_93 = arith.constant 0 : i32
          %dma_start3A_94 = tpu.memref_slice %arg7[%mul3A_90, %dma_start3A_93] : memref<327680x128xf32, #tpu.memory_space<hbm>> -> memref<256x128xf32, #tpu.memory_space<hbm>>
          tpu.enqueue_dma source(%arg11 : memref<256x128xf32, #tpu.memory_space<vmem>>) target(%dma_start3A_94 : memref<256x128xf32, #tpu.memory_space<hbm>>) target_semaphore(%run_scoped3A : memref<!tpu.dma_semaphore, #tpu.memory_space<semaphore_mem>>)
          %dma_wait3A_95 = arith.constant 0 : i32
          %dma_wait3A_96 = tpu.memref_slice %arg7[%mul3A_90, %dma_wait3A_95] : memref<327680x128xf32, #tpu.memory_space<hbm>> -> memref<256x128xf32, #tpu.memory_space<hbm>>
          %dma_wait3A_97 = arith.constant 0 : i32
          %dma_wait3A_98 = tpu.memref_slice %arg7[%mul3A_90, %dma_wait3A_97] : memref<327680x128xf32, #tpu.memory_space<hbm>> -> memref<256x128xf32, #tpu.memory_space<hbm>>
          tpu.wait_dma2 semaphore(%run_scoped3A : memref<!tpu.dma_semaphore, #tpu.memory_space<semaphore_mem>>) src(%arg11 : memref<256x128xf32, #tpu.memory_space<vmem>>) dst(%dma_wait3A_98 : memref<256x128xf32, #tpu.memory_space<hbm>>)
          tpu.yield
        }) : () -> ()
      } else {
      }
    }
    %scan3A_31 = arith.constant 60 : i32
    return
  }
}

#map = affine_map<(d0, d1) -> (0, 0)>
module attributes {stable_mosaic.version = 14 : i64} {
  func.func @k(%arg0: i32, %arg1: i32, %arg2: memref<10240x128xf32, #tpu.memory_space<hbm>>, %arg3: memref<10240x128xf32, #tpu.memory_space<hbm>>, %arg4: memref<2640x128xi32, #tpu.memory_space<hbm>>, %arg5: memref<2640x128xi32, #tpu.memory_space<hbm>>, %arg6: memref<327680x128xf32, #tpu.memory_space<hbm>>, %arg7: memref<327680x128xf32, #tpu.memory_space<hbm>>, %arg8: memref<120x128xi32, #tpu.memory_space<vmem>>, %arg9: memref<120x128xi32, #tpu.memory_space<vmem>>, %arg10: memref<256x128xf32, #tpu.memory_space<vmem>>, %arg11: memref<256x128xf32, #tpu.memory_space<vmem>>, %arg12: memref<!tpu.dma_semaphore, #tpu.memory_space<semaphore_mem>>, %arg13: memref<!tpu.dma_semaphore, #tpu.memory_space<semaphore_mem>>) attributes {dimension_semantics = [#tpu.dimension_semantics<core_parallel>, #tpu.dimension_semantics<subcore_parallel>], iteration_bounds = array<i64: 2, 16>, scalar_prefetch = 0 : i64, scratch_operands = 6 : i64, tpu.core_type = #tpu.core_type<sc_vector_subcore>, window_params = [{transform_indices = #map}, {transform_indices = #map}, {transform_indices = #map}, {transform_indices = #map}, {transform_indices = #map}, {transform_indices = #map}]} {
    %eq3A = arith.constant 1 : i32
    %eq3A_0 = arith.cmpi eq, %arg0, %eq3A : i32
    %jit3A = arith.constant 60 : i32
    %jit3A_1 = arith.constant 20 : i32
    %select_n3A = arith.select %eq3A_0, %jit3A, %jit3A_1 : i32
    %eq3A_2 = arith.constant 1 : i32
    %eq3A_3 = arith.cmpi eq, %arg0, %eq3A_2 : i32
    %mul3A = arith.constant 120 : i32
    %mul3A_4 = arith.muli %arg1, %mul3A : i32
    %mul3A_5 = arith.constant 40 : i32
    %mul3A_6 = arith.muli %arg1, %mul3A_5 : i32
    %add3A = arith.constant 1920 : i32
    %add3A_7 = arith.addi %add3A, %mul3A_6 : i32
    %select_n3A_8 = arith.select %eq3A_3, %mul3A_4, %add3A_7 : i32
    "tpu.region"() ({
      %run_scoped3A = tpu.sem_alloc : memref<!tpu.dma_semaphore, #tpu.memory_space<semaphore_mem>>
      %dma_start3A_32 = arith.constant 0 : i32
      %dma_start3A_33 = tpu.memref_slice %arg4[%select_n3A_8, %dma_start3A_32] : memref<2640x128xi32, #tpu.memory_space<hbm>> -> memref<120x128xi32, #tpu.memory_space<hbm>>
      %dma_start3A_34 = arith.constant 0 : i32
      %dma_start3A_35 = tpu.memref_slice %arg4[%select_n3A_8, %dma_start3A_34] : memref<2640x128xi32, #tpu.memory_space<hbm>> -> memref<120x128xi32, #tpu.memory_space<hbm>>
      tpu.enqueue_dma source(%dma_start3A_35 : memref<120x128xi32, #tpu.memory_space<hbm>>) target(%arg8 : memref<120x128xi32, #tpu.memory_space<vmem>>) target_semaphore(%run_scoped3A : memref<!tpu.dma_semaphore, #tpu.memory_space<semaphore_mem>>)
      %dma_wait3A = arith.constant 0 : i32
      %dma_wait3A_36 = tpu.memref_slice %arg4[%select_n3A_8, %dma_wait3A] : memref<2640x128xi32, #tpu.memory_space<hbm>> -> memref<120x128xi32, #tpu.memory_space<hbm>>
      %dma_wait3A_37 = arith.constant 0 : i32
      %dma_wait3A_38 = tpu.memref_slice %arg4[%select_n3A_8, %dma_wait3A_37] : memref<2640x128xi32, #tpu.memory_space<hbm>> -> memref<120x128xi32, #tpu.memory_space<hbm>>
      tpu.wait_dma2 semaphore(%run_scoped3A : memref<!tpu.dma_semaphore, #tpu.memory_space<semaphore_mem>>) src(%dma_wait3A_38 : memref<120x128xi32, #tpu.memory_space<hbm>>) dst(%arg8 : memref<120x128xi32, #tpu.memory_space<vmem>>)
      tpu.yield
    }) : () -> ()
    "tpu.region"() ({
      %run_scoped3A = tpu.sem_alloc : memref<!tpu.dma_semaphore, #tpu.memory_space<semaphore_mem>>
      %dma_start3A_32 = arith.constant 0 : i32
      %dma_start3A_33 = tpu.memref_slice %arg5[%select_n3A_8, %dma_start3A_32] : memref<2640x128xi32, #tpu.memory_space<hbm>> -> memref<120x128xi32, #tpu.memory_space<hbm>>
      %dma_start3A_34 = arith.constant 0 : i32
      %dma_start3A_35 = tpu.memref_slice %arg5[%select_n3A_8, %dma_start3A_34] : memref<2640x128xi32, #tpu.memory_space<hbm>> -> memref<120x128xi32, #tpu.memory_space<hbm>>
      tpu.enqueue_dma source(%dma_start3A_35 : memref<120x128xi32, #tpu.memory_space<hbm>>) target(%arg9 : memref<120x128xi32, #tpu.memory_space<vmem>>) target_semaphore(%run_scoped3A : memref<!tpu.dma_semaphore, #tpu.memory_space<semaphore_mem>>)
      %dma_wait3A = arith.constant 0 : i32
      %dma_wait3A_36 = tpu.memref_slice %arg5[%select_n3A_8, %dma_wait3A] : memref<2640x128xi32, #tpu.memory_space<hbm>> -> memref<120x128xi32, #tpu.memory_space<hbm>>
      %dma_wait3A_37 = arith.constant 0 : i32
      %dma_wait3A_38 = tpu.memref_slice %arg5[%select_n3A_8, %dma_wait3A_37] : memref<2640x128xi32, #tpu.memory_space<hbm>> -> memref<120x128xi32, #tpu.memory_space<hbm>>
      tpu.wait_dma2 semaphore(%run_scoped3A : memref<!tpu.dma_semaphore, #tpu.memory_space<semaphore_mem>>) src(%dma_wait3A_38 : memref<120x128xi32, #tpu.memory_space<hbm>>) dst(%arg9 : memref<120x128xi32, #tpu.memory_space<vmem>>)
      tpu.yield
    }) : () -> ()
    %dma_start3A = arith.constant 0 : i32
    %dma_start3A_9 = arith.constant 0 : i32
    %dma_start3A_10 = arith.constant 0 : i32
    %dma_start3A_11 = tpu.memref_slice %arg10[%dma_start3A_9, %dma_start3A_10] : memref<256x128xf32, #tpu.memory_space<vmem>> -> memref<128x128xf32, #tpu.memory_space<vmem>>
    %dma_start3A_12 = arith.constant 0 : i32
    %dma_start3A_13 = tpu.memref_slice %arg8[%dma_start3A, %dma_start3A_12] : memref<120x128xi32, #tpu.memory_space<vmem>> -> memref<1x128xi32, #tpu.memory_space<vmem>>
    %dma_start3A_14 = tpu.memref_squeeze %dma_start3A_13 : memref<1x128xi32, #tpu.memory_space<vmem>> -> memref<128xi32, #tpu.memory_space<vmem>>
    %dma_start3A_15 = arith.constant 0 : i32
    %dma_start3A_16 = arith.constant 0 : i32
    %dma_start3A_17 = tpu.memref_slice %arg2[%dma_start3A_15, %dma_start3A_16] : memref<10240x128xf32, #tpu.memory_space<hbm>> -> memref<10240x128xf32, #tpu.memory_space<hbm>>
    tpu.enqueue_indirect_dma source(%dma_start3A_17 : memref<10240x128xf32, #tpu.memory_space<hbm>>) target(%dma_start3A_11 : memref<128x128xf32, #tpu.memory_space<vmem>>) offsets(%dma_start3A_14 : memref<128xi32, #tpu.memory_space<vmem>>) semaphore(%arg12 : memref<!tpu.dma_semaphore, #tpu.memory_space<semaphore_mem>>)
    %dma_start3A_18 = arith.constant 1 : i32
    %dma_start3A_19 = arith.constant 128 : i32
    %dma_start3A_20 = arith.constant 0 : i32
    %dma_start3A_21 = tpu.memref_slice %arg10[%dma_start3A_19, %dma_start3A_20] : memref<256x128xf32, #tpu.memory_space<vmem>> -> memref<128x128xf32, #tpu.memory_space<vmem>>
    %dma_start3A_22 = arith.constant 0 : i32
    %dma_start3A_23 = tpu.memref_slice %arg8[%dma_start3A_18, %dma_start3A_22] : memref<120x128xi32, #tpu.memory_space<vmem>> -> memref<1x128xi32, #tpu.memory_space<vmem>>
    %dma_start3A_24 = tpu.memref_squeeze %dma_start3A_23 : memref<1x128xi32, #tpu.memory_space<vmem>> -> memref<128xi32, #tpu.memory_space<vmem>>
    %dma_start3A_25 = arith.constant 0 : i32
    %dma_start3A_26 = arith.constant 0 : i32
    %dma_start3A_27 = tpu.memref_slice %arg2[%dma_start3A_25, %dma_start3A_26] : memref<10240x128xf32, #tpu.memory_space<hbm>> -> memref<10240x128xf32, #tpu.memory_space<hbm>>
    tpu.enqueue_indirect_dma source(%dma_start3A_27 : memref<10240x128xf32, #tpu.memory_space<hbm>>) target(%dma_start3A_21 : memref<128x128xf32, #tpu.memory_space<vmem>>) offsets(%dma_start3A_24 : memref<128xi32, #tpu.memory_space<vmem>>) semaphore(%arg12 : memref<!tpu.dma_semaphore, #tpu.memory_space<semaphore_mem>>)
    %scan3A = arith.constant 0 : i32
    %scan3A_28 = arith.constant 60 : i32
    %scan3A_29 = arith.addi %scan3A, %scan3A_28 : i32
    %scan3A_30 = arith.constant 1 : i32
    scf.for %scan3A_32 = %scan3A to %scan3A_29 step %scan3A_30  : i32 {
      %mul3A_33 = arith.constant 1 : i32
      %mul3A_34 = arith.muli %scan3A_32, %mul3A_33 : i32
      %add3A_35 = arith.constant 0 : i32
      %add3A_36 = arith.addi %add3A_35, %mul3A_34 : i32
      %lt3A = arith.cmpi slt, %add3A_36, %select_n3A : i32
      %convert_element_type3A = arith.extui %lt3A : i1 to i32
      %cond3A = arith.constant 0 : i32
      %cond3A_37 = arith.cmpi ne, %convert_element_type3A, %cond3A : i32
      scf.if %cond3A_37 {
        %mul3A_38 = arith.constant 2 : i32
        %mul3A_39 = arith.muli %add3A_36, %mul3A_38 : i32
        %add3A_40 = arith.constant 0 : i32
        %add3A_41 = arith.addi %mul3A_39, %add3A_40 : i32
        %dma_start3A_42 = arith.constant 0 : i32
        %dma_start3A_43 = arith.constant 0 : i32
        %dma_start3A_44 = tpu.memref_slice %arg11[%dma_start3A_42, %dma_start3A_43] : memref<256x128xf32, #tpu.memory_space<vmem>> -> memref<128x128xf32, #tpu.memory_space<vmem>>
        %dma_start3A_45 = arith.constant 0 : i32
        %dma_start3A_46 = tpu.memref_slice %arg9[%add3A_41, %dma_start3A_45] : memref<120x128xi32, #tpu.memory_space<vmem>> -> memref<1x128xi32, #tpu.memory_space<vmem>>
        %dma_start3A_47 = tpu.memref_squeeze %dma_start3A_46 : memref<1x128xi32, #tpu.memory_space<vmem>> -> memref<128xi32, #tpu.memory_space<vmem>>
        %dma_start3A_48 = arith.constant 0 : i32
        %dma_start3A_49 = arith.constant 0 : i32
        %dma_start3A_50 = tpu.memref_slice %arg3[%dma_start3A_48, %dma_start3A_49] : memref<10240x128xf32, #tpu.memory_space<hbm>> -> memref<10240x128xf32, #tpu.memory_space<hbm>>
        tpu.enqueue_indirect_dma source(%dma_start3A_50 : memref<10240x128xf32, #tpu.memory_space<hbm>>) target(%dma_start3A_44 : memref<128x128xf32, #tpu.memory_space<vmem>>) offsets(%dma_start3A_47 : memref<128xi32, #tpu.memory_space<vmem>>) semaphore(%arg13 : memref<!tpu.dma_semaphore, #tpu.memory_space<semaphore_mem>>)
        %mul3A_51 = arith.constant 2 : i32
        %mul3A_52 = arith.muli %add3A_36, %mul3A_51 : i32
        %add3A_53 = arith.constant 1 : i32
        %add3A_54 = arith.addi %mul3A_52, %add3A_53 : i32
        %dma_start3A_55 = arith.constant 128 : i32
        %dma_start3A_56 = arith.constant 0 : i32
        %dma_start3A_57 = tpu.memref_slice %arg11[%dma_start3A_55, %dma_start3A_56] : memref<256x128xf32, #tpu.memory_space<vmem>> -> memref<128x128xf32, #tpu.memory_space<vmem>>
        %dma_start3A_58 = arith.constant 0 : i32
        %dma_start3A_59 = tpu.memref_slice %arg9[%add3A_54, %dma_start3A_58] : memref<120x128xi32, #tpu.memory_space<vmem>> -> memref<1x128xi32, #tpu.memory_space<vmem>>
        %dma_start3A_60 = tpu.memref_squeeze %dma_start3A_59 : memref<1x128xi32, #tpu.memory_space<vmem>> -> memref<128xi32, #tpu.memory_space<vmem>>
        %dma_start3A_61 = arith.constant 0 : i32
        %dma_start3A_62 = arith.constant 0 : i32
        %dma_start3A_63 = tpu.memref_slice %arg3[%dma_start3A_61, %dma_start3A_62] : memref<10240x128xf32, #tpu.memory_space<hbm>> -> memref<10240x128xf32, #tpu.memory_space<hbm>>
        tpu.enqueue_indirect_dma source(%dma_start3A_63 : memref<10240x128xf32, #tpu.memory_space<hbm>>) target(%dma_start3A_57 : memref<128x128xf32, #tpu.memory_space<vmem>>) offsets(%dma_start3A_60 : memref<128xi32, #tpu.memory_space<vmem>>) semaphore(%arg13 : memref<!tpu.dma_semaphore, #tpu.memory_space<semaphore_mem>>)
        %dma_wait3A = arith.constant 0 : i32
        %dma_wait3A_64 = arith.constant 0 : i32
        %dma_wait3A_65 = tpu.memref_slice %arg6[%dma_wait3A, %dma_wait3A_64] : memref<327680x128xf32, #tpu.memory_space<hbm>> -> memref<256x128xf32, #tpu.memory_space<hbm>>
        %dma_wait3A_66 = arith.constant 0 : i32
        %dma_wait3A_67 = arith.constant 0 : i32
        %dma_wait3A_68 = tpu.memref_slice %arg6[%dma_wait3A_66, %dma_wait3A_67] : memref<327680x128xf32, #tpu.memory_space<hbm>> -> memref<256x128xf32, #tpu.memory_space<hbm>>
        tpu.wait_dma2 semaphore(%arg12 : memref<!tpu.dma_semaphore, #tpu.memory_space<semaphore_mem>>) src(%dma_wait3A_68 : memref<256x128xf32, #tpu.memory_space<hbm>>) dst(%arg10 : memref<256x128xf32, #tpu.memory_space<vmem>>)
        %mul3A_69 = arith.constant 2 : i32
        %mul3A_70 = arith.muli %add3A_36, %mul3A_69 : i32
        %add3A_71 = arith.addi %select_n3A_8, %mul3A_70 : i32
        %mul3A_72 = arith.constant 128 : i32
        %mul3A_73 = arith.muli %add3A_71, %mul3A_72 : i32
        "tpu.region"() ({
          %run_scoped3A = tpu.sem_alloc : memref<!tpu.dma_semaphore, #tpu.memory_space<semaphore_mem>>
          %dma_start3A_91 = arith.constant 0 : i32
          %dma_start3A_92 = tpu.memref_slice %arg6[%mul3A_73, %dma_start3A_91] : memref<327680x128xf32, #tpu.memory_space<hbm>> -> memref<256x128xf32, #tpu.memory_space<hbm>>
          %dma_start3A_93 = arith.constant 0 : i32
          %dma_start3A_94 = tpu.memref_slice %arg6[%mul3A_73, %dma_start3A_93] : memref<327680x128xf32, #tpu.memory_space<hbm>> -> memref<256x128xf32, #tpu.memory_space<hbm>>
          tpu.enqueue_dma source(%arg10 : memref<256x128xf32, #tpu.memory_space<vmem>>) target(%dma_start3A_94 : memref<256x128xf32, #tpu.memory_space<hbm>>) target_semaphore(%run_scoped3A : memref<!tpu.dma_semaphore, #tpu.memory_space<semaphore_mem>>)
          %dma_wait3A_95 = arith.constant 0 : i32
          %dma_wait3A_96 = tpu.memref_slice %arg6[%mul3A_73, %dma_wait3A_95] : memref<327680x128xf32, #tpu.memory_space<hbm>> -> memref<256x128xf32, #tpu.memory_space<hbm>>
          %dma_wait3A_97 = arith.constant 0 : i32
          %dma_wait3A_98 = tpu.memref_slice %arg6[%mul3A_73, %dma_wait3A_97] : memref<327680x128xf32, #tpu.memory_space<hbm>> -> memref<256x128xf32, #tpu.memory_space<hbm>>
          tpu.wait_dma2 semaphore(%run_scoped3A : memref<!tpu.dma_semaphore, #tpu.memory_space<semaphore_mem>>) src(%arg10 : memref<256x128xf32, #tpu.memory_space<vmem>>) dst(%dma_wait3A_98 : memref<256x128xf32, #tpu.memory_space<hbm>>)
          tpu.yield
        }) : () -> ()
        %add3A_74 = arith.constant 1 : i32
        %add3A_75 = arith.addi %add3A_36, %add3A_74 : i32
        %lt3A_76 = arith.cmpi slt, %add3A_75, %select_n3A : i32
        %convert_element_type3A_77 = arith.extui %lt3A_76 : i1 to i32
        %cond3A_78 = arith.constant 0 : i32
        %cond3A_79 = arith.cmpi ne, %convert_element_type3A_77, %cond3A_78 : i32
        scf.if %cond3A_79 {
          %add3A_91 = arith.constant 1 : i32
          %add3A_92 = arith.addi %add3A_36, %add3A_91 : i32
          %mul3A_93 = arith.constant 2 : i32
          %mul3A_94 = arith.muli %add3A_92, %mul3A_93 : i32
          %add3A_95 = arith.constant 0 : i32
          %add3A_96 = arith.addi %mul3A_94, %add3A_95 : i32
          %dma_start3A_97 = arith.constant 0 : i32
          %dma_start3A_98 = arith.constant 0 : i32
          %dma_start3A_99 = tpu.memref_slice %arg10[%dma_start3A_97, %dma_start3A_98] : memref<256x128xf32, #tpu.memory_space<vmem>> -> memref<128x128xf32, #tpu.memory_space<vmem>>
          %dma_start3A_100 = arith.constant 0 : i32
          %dma_start3A_101 = tpu.memref_slice %arg8[%add3A_96, %dma_start3A_100] : memref<120x128xi32, #tpu.memory_space<vmem>> -> memref<1x128xi32, #tpu.memory_space<vmem>>
          %dma_start3A_102 = tpu.memref_squeeze %dma_start3A_101 : memref<1x128xi32, #tpu.memory_space<vmem>> -> memref<128xi32, #tpu.memory_space<vmem>>
          %dma_start3A_103 = arith.constant 0 : i32
          %dma_start3A_104 = arith.constant 0 : i32
          %dma_start3A_105 = tpu.memref_slice %arg2[%dma_start3A_103, %dma_start3A_104] : memref<10240x128xf32, #tpu.memory_space<hbm>> -> memref<10240x128xf32, #tpu.memory_space<hbm>>
          tpu.enqueue_indirect_dma source(%dma_start3A_105 : memref<10240x128xf32, #tpu.memory_space<hbm>>) target(%dma_start3A_99 : memref<128x128xf32, #tpu.memory_space<vmem>>) offsets(%dma_start3A_102 : memref<128xi32, #tpu.memory_space<vmem>>) semaphore(%arg12 : memref<!tpu.dma_semaphore, #tpu.memory_space<semaphore_mem>>)
          %mul3A_106 = arith.constant 2 : i32
          %mul3A_107 = arith.muli %add3A_92, %mul3A_106 : i32
          %add3A_108 = arith.constant 1 : i32
          %add3A_109 = arith.addi %mul3A_107, %add3A_108 : i32
          %dma_start3A_110 = arith.constant 128 : i32
          %dma_start3A_111 = arith.constant 0 : i32
          %dma_start3A_112 = tpu.memref_slice %arg10[%dma_start3A_110, %dma_start3A_111] : memref<256x128xf32, #tpu.memory_space<vmem>> -> memref<128x128xf32, #tpu.memory_space<vmem>>
          %dma_start3A_113 = arith.constant 0 : i32
          %dma_start3A_114 = tpu.memref_slice %arg8[%add3A_109, %dma_start3A_113] : memref<120x128xi32, #tpu.memory_space<vmem>> -> memref<1x128xi32, #tpu.memory_space<vmem>>
          %dma_start3A_115 = tpu.memref_squeeze %dma_start3A_114 : memref<1x128xi32, #tpu.memory_space<vmem>> -> memref<128xi32, #tpu.memory_space<vmem>>
          %dma_start3A_116 = arith.constant 0 : i32
          %dma_start3A_117 = arith.constant 0 : i32
          %dma_start3A_118 = tpu.memref_slice %arg2[%dma_start3A_116, %dma_start3A_117] : memref<10240x128xf32, #tpu.memory_space<hbm>> -> memref<10240x128xf32, #tpu.memory_space<hbm>>
          tpu.enqueue_indirect_dma source(%dma_start3A_118 : memref<10240x128xf32, #tpu.memory_space<hbm>>) target(%dma_start3A_112 : memref<128x128xf32, #tpu.memory_space<vmem>>) offsets(%dma_start3A_115 : memref<128xi32, #tpu.memory_space<vmem>>) semaphore(%arg12 : memref<!tpu.dma_semaphore, #tpu.memory_space<semaphore_mem>>)
        } else {
        }
        %dma_wait3A_80 = arith.constant 0 : i32
        %dma_wait3A_81 = arith.constant 0 : i32
        %dma_wait3A_82 = tpu.memref_slice %arg6[%dma_wait3A_80, %dma_wait3A_81] : memref<327680x128xf32, #tpu.memory_space<hbm>> -> memref<256x128xf32, #tpu.memory_space<hbm>>
        %dma_wait3A_83 = arith.constant 0 : i32
        %dma_wait3A_84 = arith.constant 0 : i32
        %dma_wait3A_85 = tpu.memref_slice %arg6[%dma_wait3A_83, %dma_wait3A_84] : memref<327680x128xf32, #tpu.memory_space<hbm>> -> memref<256x128xf32, #tpu.memory_space<hbm>>
        tpu.wait_dma2 semaphore(%arg13 : memref<!tpu.dma_semaphore, #tpu.memory_space<semaphore_mem>>) src(%dma_wait3A_85 : memref<256x128xf32, #tpu.memory_space<hbm>>) dst(%arg11 : memref<256x128xf32, #tpu.memory_space<vmem>>)
        %mul3A_86 = arith.constant 2 : i32
        %mul3A_87 = arith.muli %add3A_36, %mul3A_86 : i32
        %add3A_88 = arith.addi %select_n3A_8, %mul3A_87 : i32
        %mul3A_89 = arith.constant 128 : i32
        %mul3A_90 = arith.muli %add3A_88, %mul3A_89 : i32
        "tpu.region"() ({
          %run_scoped3A = tpu.sem_alloc : memref<!tpu.dma_semaphore, #tpu.memory_space<semaphore_mem>>
          %dma_start3A_91 = arith.constant 0 : i32
          %dma_start3A_92 = tpu.memref_slice %arg7[%mul3A_90, %dma_start3A_91] : memref<327680x128xf32, #tpu.memory_space<hbm>> -> memref<256x128xf32, #tpu.memory_space<hbm>>
          %dma_start3A_93 = arith.constant 0 : i32
          %dma_start3A_94 = tpu.memref_slice %arg7[%mul3A_90, %dma_start3A_93] : memref<327680x128xf32, #tpu.memory_space<hbm>> -> memref<256x128xf32, #tpu.memory_space<hbm>>
          tpu.enqueue_dma source(%arg11 : memref<256x128xf32, #tpu.memory_space<vmem>>) target(%dma_start3A_94 : memref<256x128xf32, #tpu.memory_space<hbm>>) target_semaphore(%run_scoped3A : memref<!tpu.dma_semaphore, #tpu.memory_space<semaphore_mem>>)
          %dma_wait3A_95 = arith.constant 0 : i32
          %dma_wait3A_96 = tpu.memref_slice %arg7[%mul3A_90, %dma_wait3A_95] : memref<327680x128xf32, #tpu.memory_space<hbm>> -> memref<256x128xf32, #tpu.memory_space<hbm>>
          %dma_wait3A_97 = arith.constant 0 : i32
          %dma_wait3A_98 = tpu.memref_slice %arg7[%mul3A_90, %dma_wait3A_97] : memref<327680x128xf32, #tpu.memory_space<hbm>> -> memref<256x128xf32, #tpu.memory_space<hbm>>
          tpu.wait_dma2 semaphore(%run_scoped3A : memref<!tpu.dma_semaphore, #tpu.memory_space<semaphore_mem>>) src(%arg11 : memref<256x128xf32, #tpu.memory_space<vmem>>) dst(%dma_wait3A_98 : memref<256x128xf32, #tpu.memory_space<hbm>>)
          tpu.yield
        }) : () -> ()
      } else {
      }
    }
    %scan3A_31 = arith.constant 60 : i32
    return
  }
}

#map = affine_map<(d0, d1) -> (0, 0)>
#map1 = affine_map<(d0, d1) -> (0, 0, 0)>
module attributes {stable_mosaic.version = 14 : i64} {
  func.func @k(%arg0: i32, %arg1: i32, %arg2: memref<327680x128xf32, #tpu.memory_space<hbm>>, %arg3: memref<32x80x128xi32, #tpu.memory_space<hbm>>, %arg4: memref<10240x128xf32, #tpu.memory_space<hbm>>, %arg5: memref<2x10240x128xf32, #tpu.memory_space<hbm>>, %arg6: memref<80x128xi32, #tpu.memory_space<vmem>>, %arg7: memref<128x128xf32, #tpu.memory_space<vmem>>, %arg8: memref<128x128xf32, #tpu.memory_space<vmem>>, %arg9: memref<10240x128xf32, #tpu.memory_space<vmem_shared>>, %arg10: memref<!tpu.dma_semaphore, #tpu.memory_space<semaphore_mem>>, %arg11: memref<!tpu.dma_semaphore, #tpu.memory_space<semaphore_mem>>) attributes {dimension_semantics = [#tpu.dimension_semantics<core_parallel>, #tpu.dimension_semantics<subcore_parallel>], iteration_bounds = array<i64: 2, 16>, scalar_prefetch = 0 : i64, scratch_operands = 6 : i64, tpu.core_type = #tpu.core_type<sc_vector_subcore>, window_params = [{transform_indices = #map}, {transform_indices = #map1}, {transform_indices = #map}, {transform_indices = #map1}]} {
    %mul3A = arith.constant 16 : i32
    %mul3A_0 = arith.muli %arg0, %mul3A : i32
    %add3A = arith.addi %mul3A_0, %arg1 : i32
    %mul3A_1 = arith.constant 10240 : i32
    %mul3A_2 = arith.muli %add3A, %mul3A_1 : i32
    %mul3A_3 = arith.constant 640 : i32
    %mul3A_4 = arith.muli %arg1, %mul3A_3 : i32
    %mul3A_5 = arith.constant 640 : i32
    %mul3A_6 = arith.muli %arg1, %mul3A_5 : i32
    "tpu.region"() ({
      %run_scoped3A = tpu.sem_alloc : memref<!tpu.dma_semaphore, #tpu.memory_space<semaphore_mem>>
      %dma_start3A_19 = arith.constant 0 : i32
      %dma_start3A_20 = tpu.memref_slice %arg9[%mul3A_6, %dma_start3A_19] : memref<10240x128xf32, #tpu.memory_space<vmem_shared>> -> memref<640x128xf32, #tpu.memory_space<vmem_shared>>
      %dma_start3A_21 = arith.constant 0 : i32
      %dma_start3A_22 = tpu.memref_slice %arg4[%mul3A_4, %dma_start3A_21] : memref<10240x128xf32, #tpu.memory_space<hbm>> -> memref<640x128xf32, #tpu.memory_space<hbm>>
      tpu.enqueue_dma source(%dma_start3A_22 : memref<640x128xf32, #tpu.memory_space<hbm>>) target(%dma_start3A_20 : memref<640x128xf32, #tpu.memory_space<vmem_shared>>) target_semaphore(%run_scoped3A : memref<!tpu.dma_semaphore, #tpu.memory_space<semaphore_mem>>)
      %dma_wait3A = arith.constant 0 : i32
      %dma_wait3A_23 = tpu.memref_slice %arg9[%mul3A_6, %dma_wait3A] : memref<10240x128xf32, #tpu.memory_space<vmem_shared>> -> memref<640x128xf32, #tpu.memory_space<vmem_shared>>
      %dma_wait3A_24 = arith.constant 0 : i32
      %dma_wait3A_25 = tpu.memref_slice %arg4[%mul3A_4, %dma_wait3A_24] : memref<10240x128xf32, #tpu.memory_space<hbm>> -> memref<640x128xf32, #tpu.memory_space<hbm>>
      tpu.wait_dma2 semaphore(%run_scoped3A : memref<!tpu.dma_semaphore, #tpu.memory_space<semaphore_mem>>) src(%dma_wait3A_25 : memref<640x128xf32, #tpu.memory_space<hbm>>) dst(%dma_wait3A_23 : memref<640x128xf32, #tpu.memory_space<vmem_shared>>)
      tpu.yield
    }) : () -> ()
    %barrier3A = arith.constant 0 : index
    tpu.barrier barrier_id(%barrier3A)
    "tpu.region"() ({
      %run_scoped3A = tpu.sem_alloc : memref<!tpu.dma_semaphore, #tpu.memory_space<semaphore_mem>>
      %dma_start3A_19 = arith.constant 0 : i32
      %dma_start3A_20 = arith.constant 0 : i32
      %dma_start3A_21 = tpu.memref_slice %arg3[%add3A, %dma_start3A_19, %dma_start3A_20] : memref<32x80x128xi32, #tpu.memory_space<hbm>> -> memref<1x80x128xi32, #tpu.memory_space<hbm>>
      %dma_start3A_22 = tpu.memref_squeeze %dma_start3A_21 : memref<1x80x128xi32, #tpu.memory_space<hbm>> -> memref<80x128xi32, #tpu.memory_space<hbm>>
      %dma_start3A_23 = arith.constant 0 : i32
      %dma_start3A_24 = arith.constant 0 : i32
      %dma_start3A_25 = tpu.memref_slice %arg3[%add3A, %dma_start3A_23, %dma_start3A_24] : memref<32x80x128xi32, #tpu.memory_space<hbm>> -> memref<1x80x128xi32, #tpu.memory_space<hbm>>
      %dma_start3A_26 = tpu.memref_squeeze %dma_start3A_25 : memref<1x80x128xi32, #tpu.memory_space<hbm>> -> memref<80x128xi32, #tpu.memory_space<hbm>>
      tpu.enqueue_dma source(%dma_start3A_26 : memref<80x128xi32, #tpu.memory_space<hbm>>) target(%arg6 : memref<80x128xi32, #tpu.memory_space<vmem>>) target_semaphore(%run_scoped3A : memref<!tpu.dma_semaphore, #tpu.memory_space<semaphore_mem>>)
      %dma_wait3A = arith.constant 0 : i32
      %dma_wait3A_27 = arith.constant 0 : i32
      %dma_wait3A_28 = tpu.memref_slice %arg3[%add3A, %dma_wait3A, %dma_wait3A_27] : memref<32x80x128xi32, #tpu.memory_space<hbm>> -> memref<1x80x128xi32, #tpu.memory_space<hbm>>
      %dma_wait3A_29 = tpu.memref_squeeze %dma_wait3A_28 : memref<1x80x128xi32, #tpu.memory_space<hbm>> -> memref<80x128xi32, #tpu.memory_space<hbm>>
      %dma_wait3A_30 = arith.constant 0 : i32
      %dma_wait3A_31 = arith.constant 0 : i32
      %dma_wait3A_32 = tpu.memref_slice %arg3[%add3A, %dma_wait3A_30, %dma_wait3A_31] : memref<32x80x128xi32, #tpu.memory_space<hbm>> -> memref<1x80x128xi32, #tpu.memory_space<hbm>>
      %dma_wait3A_33 = tpu.memref_squeeze %dma_wait3A_32 : memref<1x80x128xi32, #tpu.memory_space<hbm>> -> memref<80x128xi32, #tpu.memory_space<hbm>>
      tpu.wait_dma2 semaphore(%run_scoped3A : memref<!tpu.dma_semaphore, #tpu.memory_space<semaphore_mem>>) src(%dma_wait3A_33 : memref<80x128xi32, #tpu.memory_space<hbm>>) dst(%arg6 : memref<80x128xi32, #tpu.memory_space<vmem>>)
      tpu.yield
    }) : () -> ()
    %add3A_7 = arith.constant 0 : i32
    %add3A_8 = arith.addi %mul3A_2, %add3A_7 : i32
    %dma_start3A = arith.constant 0 : i32
    %dma_start3A_9 = tpu.memref_slice %arg2[%add3A_8, %dma_start3A] : memref<327680x128xf32, #tpu.memory_space<hbm>> -> memref<128x128xf32, #tpu.memory_space<hbm>>
    %dma_start3A_10 = arith.constant 0 : i32
    %dma_start3A_11 = tpu.memref_slice %arg2[%add3A_8, %dma_start3A_10] : memref<327680x128xf32, #tpu.memory_space<hbm>> -> memref<128x128xf32, #tpu.memory_space<hbm>>
    tpu.enqueue_dma source(%dma_start3A_11 : memref<128x128xf32, #tpu.memory_space<hbm>>) target(%arg7 : memref<128x128xf32, #tpu.memory_space<vmem>>) target_semaphore(%arg10 : memref<!tpu.dma_semaphore, #tpu.memory_space<semaphore_mem>>)
    %scan3A = arith.constant 0 : i32
    %scan3A_12 = arith.constant 40 : i32
    %scan3A_13 = arith.addi %scan3A, %scan3A_12 : i32
    %scan3A_14 = arith.constant 1 : i32
    scf.for %scan3A_19 = %scan3A to %scan3A_13 step %scan3A_14  : i32 {
      %mul3A_20 = arith.constant 2 : i32
      %mul3A_21 = arith.muli %scan3A_19, %mul3A_20 : i32
      %add3A_22 = arith.constant 0 : i32
      %add3A_23 = arith.addi %add3A_22, %mul3A_21 : i32
      %add3A_24 = arith.constant 0 : i32
      %add3A_25 = arith.addi %add3A_23, %add3A_24 : i32
      %add3A_26 = arith.constant 1 : i32
      %add3A_27 = arith.addi %add3A_25, %add3A_26 : i32
      %lt3A = arith.constant 80 : i32
      %lt3A_28 = arith.cmpi slt, %add3A_27, %lt3A : i32
      %convert_element_type3A_29 = arith.extui %lt3A_28 : i1 to i32
      %cond3A_30 = arith.constant 0 : i32
      %cond3A_31 = arith.cmpi ne, %convert_element_type3A_29, %cond3A_30 : i32
      scf.if %cond3A_31 {
        %add3A_52 = arith.constant 1 : i32
        %add3A_53 = arith.addi %add3A_25, %add3A_52 : i32
        %mul3A_54 = arith.constant 128 : i32
        %mul3A_55 = arith.muli %add3A_53, %mul3A_54 : i32
        %add3A_56 = arith.addi %mul3A_2, %mul3A_55 : i32
        %dma_start3A_57 = arith.constant 0 : i32
        %dma_start3A_58 = tpu.memref_slice %arg2[%add3A_56, %dma_start3A_57] : memref<327680x128xf32, #tpu.memory_space<hbm>> -> memref<128x128xf32, #tpu.memory_space<hbm>>
        %dma_start3A_59 = arith.constant 0 : i32
        %dma_start3A_60 = tpu.memref_slice %arg2[%add3A_56, %dma_start3A_59] : memref<327680x128xf32, #tpu.memory_space<hbm>> -> memref<128x128xf32, #tpu.memory_space<hbm>>
        tpu.enqueue_dma source(%dma_start3A_60 : memref<128x128xf32, #tpu.memory_space<hbm>>) target(%arg8 : memref<128x128xf32, #tpu.memory_space<vmem>>) target_semaphore(%arg11 : memref<!tpu.dma_semaphore, #tpu.memory_space<semaphore_mem>>)
      } else {
      }
      %dma_wait3A = arith.constant 0 : i32
      %dma_wait3A_32 = arith.constant 0 : i32
      %dma_wait3A_33 = tpu.memref_slice %arg2[%dma_wait3A, %dma_wait3A_32] : memref<327680x128xf32, #tpu.memory_space<hbm>> -> memref<128x128xf32, #tpu.memory_space<hbm>>
      %dma_wait3A_34 = arith.constant 0 : i32
      %dma_wait3A_35 = arith.constant 0 : i32
      %dma_wait3A_36 = tpu.memref_slice %arg2[%dma_wait3A_34, %dma_wait3A_35] : memref<327680x128xf32, #tpu.memory_space<hbm>> -> memref<128x128xf32, #tpu.memory_space<hbm>>
      tpu.wait_dma2 semaphore(%arg10 : memref<!tpu.dma_semaphore, #tpu.memory_space<semaphore_mem>>) src(%dma_wait3A_36 : memref<128x128xf32, #tpu.memory_space<hbm>>) dst(%arg7 : memref<128x128xf32, #tpu.memory_space<vmem>>)
      "tpu.region"() ({
        %run_scoped3A = tpu.sem_alloc : memref<!tpu.dma_semaphore, #tpu.memory_space<semaphore_mem>>
        %dma_start3A_52 = arith.constant 0 : i32
        %dma_start3A_53 = tpu.memref_slice %arg6[%add3A_25, %dma_start3A_52] : memref<80x128xi32, #tpu.memory_space<vmem>> -> memref<1x128xi32, #tpu.memory_space<vmem>>
        %dma_start3A_54 = tpu.memref_squeeze %dma_start3A_53 : memref<1x128xi32, #tpu.memory_space<vmem>> -> memref<128xi32, #tpu.memory_space<vmem>>
        %dma_start3A_55 = arith.constant 0 : i32
        %dma_start3A_56 = arith.constant 0 : i32
        %dma_start3A_57 = tpu.memref_slice %arg9[%dma_start3A_55, %dma_start3A_56] : memref<10240x128xf32, #tpu.memory_space<vmem_shared>> -> memref<10240x128xf32, #tpu.memory_space<vmem_shared>>
        tpu.enqueue_indirect_dma source(%arg7 : memref<128x128xf32, #tpu.memory_space<vmem>>) target(%dma_start3A_57 : memref<10240x128xf32, #tpu.memory_space<vmem_shared>>) offsets(%dma_start3A_54 : memref<128xi32, #tpu.memory_space<vmem>>) semaphore(%run_scoped3A : memref<!tpu.dma_semaphore, #tpu.memory_space<semaphore_mem>>) {add = true}
        %dma_wait3A_58 = arith.constant 0 : i32
        %dma_wait3A_59 = tpu.memref_slice %arg6[%add3A_25, %dma_wait3A_58] : memref<80x128xi32, #tpu.memory_space<vmem>> -> memref<1x128xi32, #tpu.memory_space<vmem>>
        %dma_wait3A_60 = tpu.memref_squeeze %dma_wait3A_59 : memref<1x128xi32, #tpu.memory_space<vmem>> -> memref<128xi32, #tpu.memory_space<vmem>>
        %dma_wait3A_61 = arith.constant 0 : i32
        %dma_wait3A_62 = arith.constant 0 : i32
        %dma_wait3A_63 = tpu.memref_slice %arg9[%dma_wait3A_61, %dma_wait3A_62] : memref<10240x128xf32, #tpu.memory_space<vmem_shared>> -> memref<10240x128xf32, #tpu.memory_space<vmem_shared>>
        tpu.wait_indirect_dma semaphore(%run_scoped3A : memref<!tpu.dma_semaphore, #tpu.memory_space<semaphore_mem>>) src(%arg7 : memref<128x128xf32, #tpu.memory_space<vmem>>) dst(%dma_wait3A_63 : memref<10240x128xf32, #tpu.memory_space<vmem_shared>>)
        tpu.yield
      }) : () -> ()
      %add3A_37 = arith.constant 1 : i32
      %add3A_38 = arith.addi %add3A_23, %add3A_37 : i32
      %add3A_39 = arith.constant 1 : i32
      %add3A_40 = arith.addi %add3A_38, %add3A_39 : i32
      %lt3A_41 = arith.constant 80 : i32
      %lt3A_42 = arith.cmpi slt, %add3A_40, %lt3A_41 : i32
      %convert_element_type3A_43 = arith.extui %lt3A_42 : i1 to i32
      %cond3A_44 = arith.constant 0 : i32
      %cond3A_45 = arith.cmpi ne, %convert_element_type3A_43, %cond3A_44 : i32
      scf.if %cond3A_45 {
        %add3A_52 = arith.constant 1 : i32
        %add3A_53 = arith.addi %add3A_38, %add3A_52 : i32
        %mul3A_54 = arith.constant 128 : i32
        %mul3A_55 = arith.muli %add3A_53, %mul3A_54 : i32
        %add3A_56 = arith.addi %mul3A_2, %mul3A_55 : i32
        %dma_start3A_57 = arith.constant 0 : i32
        %dma_start3A_58 = tpu.memref_slice %arg2[%add3A_56, %dma_start3A_57] : memref<327680x128xf32, #tpu.memory_space<hbm>> -> memref<128x128xf32, #tpu.memory_space<hbm>>
        %dma_start3A_59 = arith.constant 0 : i32
        %dma_start3A_60 = tpu.memref_slice %arg2[%add3A_56, %dma_start3A_59] : memref<327680x128xf32, #tpu.memory_space<hbm>> -> memref<128x128xf32, #tpu.memory_space<hbm>>
        tpu.enqueue_dma source(%dma_start3A_60 : memref<128x128xf32, #tpu.memory_space<hbm>>) target(%arg7 : memref<128x128xf32, #tpu.memory_space<vmem>>) target_semaphore(%arg10 : memref<!tpu.dma_semaphore, #tpu.memory_space<semaphore_mem>>)
      } else {
      }
      %dma_wait3A_46 = arith.constant 0 : i32
      %dma_wait3A_47 = arith.constant 0 : i32
      %dma_wait3A_48 = tpu.memref_slice %arg2[%dma_wait3A_46, %dma_wait3A_47] : memref<327680x128xf32, #tpu.memory_space<hbm>> -> memref<128x128xf32, #tpu.memory_space<hbm>>
      %dma_wait3A_49 = arith.constant 0 : i32
      %dma_wait3A_50 = arith.constant 0 : i32
      %dma_wait3A_51 = tpu.memref_slice %arg2[%dma_wait3A_49, %dma_wait3A_50] : memref<327680x128xf32, #tpu.memory_space<hbm>> -> memref<128x128xf32, #tpu.memory_space<hbm>>
      tpu.wait_dma2 semaphore(%arg11 : memref<!tpu.dma_semaphore, #tpu.memory_space<semaphore_mem>>) src(%dma_wait3A_51 : memref<128x128xf32, #tpu.memory_space<hbm>>) dst(%arg8 : memref<128x128xf32, #tpu.memory_space<vmem>>)
      "tpu.region"() ({
        %run_scoped3A = tpu.sem_alloc : memref<!tpu.dma_semaphore, #tpu.memory_space<semaphore_mem>>
        %dma_start3A_52 = arith.constant 0 : i32
        %dma_start3A_53 = tpu.memref_slice %arg6[%add3A_38, %dma_start3A_52] : memref<80x128xi32, #tpu.memory_space<vmem>> -> memref<1x128xi32, #tpu.memory_space<vmem>>
        %dma_start3A_54 = tpu.memref_squeeze %dma_start3A_53 : memref<1x128xi32, #tpu.memory_space<vmem>> -> memref<128xi32, #tpu.memory_space<vmem>>
        %dma_start3A_55 = arith.constant 0 : i32
        %dma_start3A_56 = arith.constant 0 : i32
        %dma_start3A_57 = tpu.memref_slice %arg9[%dma_start3A_55, %dma_start3A_56] : memref<10240x128xf32, #tpu.memory_space<vmem_shared>> -> memref<10240x128xf32, #tpu.memory_space<vmem_shared>>
        tpu.enqueue_indirect_dma source(%arg8 : memref<128x128xf32, #tpu.memory_space<vmem>>) target(%dma_start3A_57 : memref<10240x128xf32, #tpu.memory_space<vmem_shared>>) offsets(%dma_start3A_54 : memref<128xi32, #tpu.memory_space<vmem>>) semaphore(%run_scoped3A : memref<!tpu.dma_semaphore, #tpu.memory_space<semaphore_mem>>) {add = true}
        %dma_wait3A_58 = arith.constant 0 : i32
        %dma_wait3A_59 = tpu.memref_slice %arg6[%add3A_38, %dma_wait3A_58] : memref<80x128xi32, #tpu.memory_space<vmem>> -> memref<1x128xi32, #tpu.memory_space<vmem>>
        %dma_wait3A_60 = tpu.memref_squeeze %dma_wait3A_59 : memref<1x128xi32, #tpu.memory_space<vmem>> -> memref<128xi32, #tpu.memory_space<vmem>>
        %dma_wait3A_61 = arith.constant 0 : i32
        %dma_wait3A_62 = arith.constant 0 : i32
        %dma_wait3A_63 = tpu.memref_slice %arg9[%dma_wait3A_61, %dma_wait3A_62] : memref<10240x128xf32, #tpu.memory_space<vmem_shared>> -> memref<10240x128xf32, #tpu.memory_space<vmem_shared>>
        tpu.wait_indirect_dma semaphore(%run_scoped3A : memref<!tpu.dma_semaphore, #tpu.memory_space<semaphore_mem>>) src(%arg8 : memref<128x128xf32, #tpu.memory_space<vmem>>) dst(%dma_wait3A_63 : memref<10240x128xf32, #tpu.memory_space<vmem_shared>>)
        tpu.yield
      }) : () -> ()
    }
    %scan3A_15 = arith.constant 40 : i32
    %barrier3A_16 = arith.constant 0 : index
    tpu.barrier barrier_id(%barrier3A_16)
    %eq3A = arith.constant 0 : i32
    %eq3A_17 = arith.cmpi eq, %arg1, %eq3A : i32
    %convert_element_type3A = arith.extui %eq3A_17 : i1 to i32
    %cond3A = arith.constant 0 : i32
    %cond3A_18 = arith.cmpi ne, %convert_element_type3A, %cond3A : i32
    scf.if %cond3A_18 {
      "tpu.region"() ({
        %run_scoped3A = tpu.sem_alloc : memref<!tpu.dma_semaphore, #tpu.memory_space<semaphore_mem>>
        %dma_start3A_19 = arith.constant 0 : i32
        %dma_start3A_20 = arith.constant 0 : i32
        %dma_start3A_21 = tpu.memref_slice %arg5[%arg0, %dma_start3A_19, %dma_start3A_20] : memref<2x10240x128xf32, #tpu.memory_space<hbm>> -> memref<1x10240x128xf32, #tpu.memory_space<hbm>>
        %dma_start3A_22 = tpu.memref_squeeze %dma_start3A_21 : memref<1x10240x128xf32, #tpu.memory_space<hbm>> -> memref<10240x128xf32, #tpu.memory_space<hbm>>
        tpu.enqueue_dma source(%arg9 : memref<10240x128xf32, #tpu.memory_space<vmem_shared>>) target(%dma_start3A_22 : memref<10240x128xf32, #tpu.memory_space<hbm>>) target_semaphore(%run_scoped3A : memref<!tpu.dma_semaphore, #tpu.memory_space<semaphore_mem>>)
        %dma_wait3A = arith.constant 0 : i32
        %dma_wait3A_23 = arith.constant 0 : i32
        %dma_wait3A_24 = tpu.memref_slice %arg5[%arg0, %dma_wait3A, %dma_wait3A_23] : memref<2x10240x128xf32, #tpu.memory_space<hbm>> -> memref<1x10240x128xf32, #tpu.memory_space<hbm>>
        %dma_wait3A_25 = tpu.memref_squeeze %dma_wait3A_24 : memref<1x10240x128xf32, #tpu.memory_space<hbm>> -> memref<10240x128xf32, #tpu.memory_space<hbm>>
        tpu.wait_dma2 semaphore(%run_scoped3A : memref<!tpu.dma_semaphore, #tpu.memory_space<semaphore_mem>>) src(%arg9 : memref<10240x128xf32, #tpu.memory_space<vmem_shared>>) dst(%dma_wait3A_25 : memref<10240x128xf32, #tpu.memory_space<hbm>>)
        tpu.yield
      }) : () -> ()
    } else {
    }
    return
  }
}

module attributes {stable_mosaic.version = 14 : i64} {
  func.func @_node_init_body(%arg0: i32, %arg1: memref<1024x128xf32, #tpu.memory_space<vmem>>, %arg2: memref<128x128xf32, #tpu.memory_space<vmem>>, %arg3: memref<1x128xf32, #tpu.memory_space<vmem>>, %arg4: memref<128x128xf32, #tpu.memory_space<vmem>>, %arg5: memref<1x128xf32, #tpu.memory_space<vmem>>, %arg6: memref<1024x128xf32, #tpu.memory_space<vmem>>) attributes {dimension_semantics = [#tpu.dimension_semantics<arbitrary>], iteration_bounds = array<i64: 10>, scalar_prefetch = 0 : i64, scratch_operands = 0 : i64, tpu.core_type = #tpu.core_type<tc>, window_params = [{transform_indices = @transform_0, window_bounds = array<i64: 1024, 128>}, {pipeline_mode = #tpu.pipeline_mode<synchronous>, transform_indices = @transform_1, window_bounds = array<i64: 128, 128>}, {pipeline_mode = #tpu.pipeline_mode<synchronous>, transform_indices = @transform_2, window_bounds = array<i64: 1, 128>}, {pipeline_mode = #tpu.pipeline_mode<synchronous>, transform_indices = @transform_3, window_bounds = array<i64: 128, 128>}, {pipeline_mode = #tpu.pipeline_mode<synchronous>, transform_indices = @transform_4, window_bounds = array<i64: 1, 128>}, {transform_indices = @transform_5, window_bounds = array<i64: 1024, 128>}]} {
    %get3A = arith.constant 0 : index
    %get3A_0 = arith.constant 0 : index
    %get3A_1 = vector.load %arg1[%get3A, %get3A_0] : memref<1024x128xf32, #tpu.memory_space<vmem>>, vector<1024x128xf32>
    %get3A_2 = arith.constant 0 : index
    %get3A_3 = arith.constant 0 : index
    %get3A_4 = vector.load %arg2[%get3A_2, %get3A_3] : memref<128x128xf32, #tpu.memory_space<vmem>>, vector<128x128xf32>
    %dot_general3A = arith.constant dense<0.000000e+00> : vector<1024x128xf32>
    %dot_general3A_5 = tpu.matmul %get3A_1, %get3A_4, %dot_general3A {dimension_numbers = #tpu.dot_dimension_numbers<[1], [0], [0], [1], [0, 0, 1, 1], [], []>, transpose_lhs_hint = false} : vector<1024x128xf32>, vector<128x128xf32>, vector<1024x128xf32> -> vector<1024x128xf32>
    %get3A_6 = arith.constant 0 : index
    %get3A_7 = arith.constant 0 : index
    %get3A_8 = vector.load %arg3[%get3A_6, %get3A_7] : memref<1x128xf32, #tpu.memory_space<vmem>>, vector<1x128xf32>
    %add3A = vector.broadcast %get3A_8 : vector<1x128xf32> to vector<1024x128xf32>
    %add3A_9 = arith.addf %dot_general3A_5, %add3A : vector<1024x128xf32>
    %max3A = arith.constant 0.000000e+00 : f32
    %max3A_10 = vector.broadcast %max3A : f32 to vector<1024x128xf32>
    %max3A_11 = arith.maximumf %add3A_9, %max3A_10 : vector<1024x128xf32>
    %get3A_12 = arith.constant 0 : index
    %get3A_13 = arith.constant 0 : index
    %get3A_14 = vector.load %arg4[%get3A_12, %get3A_13] : memref<128x128xf32, #tpu.memory_space<vmem>>, vector<128x128xf32>
    %dot_general3A_15 = arith.constant dense<0.000000e+00> : vector<1024x128xf32>
    %dot_general3A_16 = tpu.matmul %max3A_11, %get3A_14, %dot_general3A_15 {dimension_numbers = #tpu.dot_dimension_numbers<[1], [0], [0], [1], [0, 0, 1, 1], [], []>, transpose_lhs_hint = false} : vector<1024x128xf32>, vector<128x128xf32>, vector<1024x128xf32> -> vector<1024x128xf32>
    %get3A_17 = arith.constant 0 : index
    %get3A_18 = arith.constant 0 : index
    %get3A_19 = vector.load %arg5[%get3A_17, %get3A_18] : memref<1x128xf32, #tpu.memory_space<vmem>>, vector<1x128xf32>
    %add3A_20 = vector.broadcast %get3A_19 : vector<1x128xf32> to vector<1024x128xf32>
    %add3A_21 = arith.addf %dot_general3A_16, %add3A_20 : vector<1024x128xf32>
    %max3A_22 = arith.constant 0.000000e+00 : f32
    %max3A_23 = vector.broadcast %max3A_22 : f32 to vector<1024x128xf32>
    %max3A_24 = arith.maximumf %add3A_21, %max3A_23 : vector<1024x128xf32>
    %swap3A = arith.constant 0 : index
    %swap3A_25 = arith.constant 0 : index
    %swap3A_26 = vector.load %arg6[%swap3A, %swap3A_25] : memref<1024x128xf32, #tpu.memory_space<vmem>>, vector<1024x128xf32>
    tpu.vector_store %arg6[%swap3A, %swap3A_25], %max3A_24 {strides = array<i32>} : memref<1024x128xf32, #tpu.memory_space<vmem>>, vector<1024x128xf32>,
    return
  }
  func.func @transform_0(%arg0: i32) -> (i32, i32) {
    %c0_i32 = arith.constant 0 : i32
    %c0_i32_0 = arith.constant 0 : i32
    return %arg0, %c0_i32 : i32, i32
  }
  func.func @transform_1(%arg0: i32) -> (i32, i32) {
    %c0_i32 = arith.constant 0 : i32
    %c0_i32_0 = arith.constant 0 : i32
    %c0_i32_1 = arith.constant 0 : i32
    return %c0_i32, %c0_i32_0 : i32, i32
  }
  func.func @transform_2(%arg0: i32) -> (i32, i32) {
    %c0_i32 = arith.constant 0 : i32
    %c0_i32_0 = arith.constant 0 : i32
    %c0_i32_1 = arith.constant 0 : i32
    return %c0_i32, %c0_i32_0 : i32, i32
  }
  func.func @transform_3(%arg0: i32) -> (i32, i32) {
    %c0_i32 = arith.constant 0 : i32
    %c0_i32_0 = arith.constant 0 : i32
    %c0_i32_1 = arith.constant 0 : i32
    return %c0_i32, %c0_i32_0 : i32, i32
  }
  func.func @transform_4(%arg0: i32) -> (i32, i32) {
    %c0_i32 = arith.constant 0 : i32
    %c0_i32_0 = arith.constant 0 : i32
    %c0_i32_1 = arith.constant 0 : i32
    return %c0_i32, %c0_i32_0 : i32, i32
  }
  func.func @transform_5(%arg0: i32) -> (i32, i32) {
    %c0_i32 = arith.constant 0 : i32
    %c0_i32_0 = arith.constant 0 : i32
    return %arg0, %c0_i32 : i32, i32
  }
}

module attributes {stable_mosaic.version = 14 : i64} {
  func.func @_pp_body(%arg0: i32, %arg1: memref<1024x128xf32, #tpu.memory_space<vmem>>, %arg2: memref<128x128xf32, #tpu.memory_space<vmem>>, %arg3: memref<1x128xf32, #tpu.memory_space<vmem>>, %arg4: memref<128x128xf32, #tpu.memory_space<vmem>>, %arg5: memref<1024x128xf32, #tpu.memory_space<vmem>>, %arg6: memref<1024x128xf32, #tpu.memory_space<vmem>>) attributes {dimension_semantics = [#tpu.dimension_semantics<arbitrary>], iteration_bounds = array<i64: 10>, scalar_prefetch = 0 : i64, scratch_operands = 0 : i64, tpu.core_type = #tpu.core_type<tc>, window_params = [{transform_indices = @transform_0, window_bounds = array<i64: 1024, 128>}, {pipeline_mode = #tpu.pipeline_mode<synchronous>, transform_indices = @transform_1, window_bounds = array<i64: 128, 128>}, {pipeline_mode = #tpu.pipeline_mode<synchronous>, transform_indices = @transform_2, window_bounds = array<i64: 1, 128>}, {pipeline_mode = #tpu.pipeline_mode<synchronous>, transform_indices = @transform_3, window_bounds = array<i64: 128, 128>}, {transform_indices = @transform_4, window_bounds = array<i64: 1024, 128>}, {transform_indices = @transform_5, window_bounds = array<i64: 1024, 128>}]} {
    %get3A = arith.constant 0 : index
    %get3A_0 = arith.constant 0 : index
    %get3A_1 = vector.load %arg1[%get3A, %get3A_0] : memref<1024x128xf32, #tpu.memory_space<vmem>>, vector<1024x128xf32>
    %get3A_2 = arith.constant 0 : index
    %get3A_3 = arith.constant 0 : index
    %get3A_4 = vector.load %arg2[%get3A_2, %get3A_3] : memref<128x128xf32, #tpu.memory_space<vmem>>, vector<128x128xf32>
    %dot_general3A = arith.constant dense<0.000000e+00> : vector<1024x128xf32>
    %dot_general3A_5 = tpu.matmul %get3A_1, %get3A_4, %dot_general3A {dimension_numbers = #tpu.dot_dimension_numbers<[1], [0], [0], [1], [0, 0, 1, 1], [], []>, transpose_lhs_hint = false} : vector<1024x128xf32>, vector<128x128xf32>, vector<1024x128xf32> -> vector<1024x128xf32>
    %get3A_6 = arith.constant 0 : index
    %get3A_7 = arith.constant 0 : index
    %get3A_8 = vector.load %arg3[%get3A_6, %get3A_7] : memref<1x128xf32, #tpu.memory_space<vmem>>, vector<1x128xf32>
    %add3A = vector.broadcast %get3A_8 : vector<1x128xf32> to vector<1024x128xf32>
    %add3A_9 = arith.addf %dot_general3A_5, %add3A : vector<1024x128xf32>
    %swap3A = arith.constant 0 : index
    %swap3A_10 = arith.constant 0 : index
    %swap3A_11 = vector.load %arg5[%swap3A, %swap3A_10] : memref<1024x128xf32, #tpu.memory_space<vmem>>, vector<1024x128xf32>
    tpu.vector_store %arg5[%swap3A, %swap3A_10], %add3A_9 {strides = array<i32>} : memref<1024x128xf32, #tpu.memory_space<vmem>>, vector<1024x128xf32>,
    %get3A_12 = arith.constant 0 : index
    %get3A_13 = arith.constant 0 : index
    %get3A_14 = vector.load %arg4[%get3A_12, %get3A_13] : memref<128x128xf32, #tpu.memory_space<vmem>>, vector<128x128xf32>
    %dot_general3A_15 = arith.constant dense<0.000000e+00> : vector<1024x128xf32>
    %dot_general3A_16 = tpu.matmul %get3A_1, %get3A_14, %dot_general3A_15 {dimension_numbers = #tpu.dot_dimension_numbers<[1], [0], [0], [1], [0, 0, 1, 1], [], []>, transpose_lhs_hint = false} : vector<1024x128xf32>, vector<128x128xf32>, vector<1024x128xf32> -> vector<1024x128xf32>
    %swap3A_17 = arith.constant 0 : index
    %swap3A_18 = arith.constant 0 : index
    %swap3A_19 = vector.load %arg6[%swap3A_17, %swap3A_18] : memref<1024x128xf32, #tpu.memory_space<vmem>>, vector<1024x128xf32>
    tpu.vector_store %arg6[%swap3A_17, %swap3A_18], %dot_general3A_16 {strides = array<i32>} : memref<1024x128xf32, #tpu.memory_space<vmem>>, vector<1024x128xf32>,
    return
  }
  func.func @transform_0(%arg0: i32) -> (i32, i32) {
    %c0_i32 = arith.constant 0 : i32
    %c0_i32_0 = arith.constant 0 : i32
    return %arg0, %c0_i32 : i32, i32
  }
  func.func @transform_1(%arg0: i32) -> (i32, i32) {
    %c0_i32 = arith.constant 0 : i32
    %c0_i32_0 = arith.constant 0 : i32
    %c0_i32_1 = arith.constant 0 : i32
    return %c0_i32, %c0_i32_0 : i32, i32
  }
  func.func @transform_2(%arg0: i32) -> (i32, i32) {
    %c0_i32 = arith.constant 0 : i32
    %c0_i32_0 = arith.constant 0 : i32
    %c0_i32_1 = arith.constant 0 : i32
    return %c0_i32, %c0_i32_0 : i32, i32
  }
  func.func @transform_3(%arg0: i32) -> (i32, i32) {
    %c0_i32 = arith.constant 0 : i32
    %c0_i32_0 = arith.constant 0 : i32
    %c0_i32_1 = arith.constant 0 : i32
    return %c0_i32, %c0_i32_0 : i32, i32
  }
  func.func @transform_4(%arg0: i32) -> (i32, i32) {
    %c0_i32 = arith.constant 0 : i32
    %c0_i32_0 = arith.constant 0 : i32
    return %arg0, %c0_i32 : i32, i32
  }
  func.func @transform_5(%arg0: i32) -> (i32, i32) {
    %c0_i32 = arith.constant 0 : i32
    %c0_i32_0 = arith.constant 0 : i32
    return %arg0, %c0_i32 : i32, i32
  }
}

module attributes {stable_mosaic.version = 14 : i64} {
  func.func @_edge_init_body(%arg0: i32, %arg1: memref<4096x16xf32, #tpu.memory_space<vmem>>, %arg2: memref<16x128xf32, #tpu.memory_space<vmem>>, %arg3: memref<1x128xf32, #tpu.memory_space<vmem>>, %arg4: memref<128x128xf32, #tpu.memory_space<vmem>>, %arg5: memref<1x128xf32, #tpu.memory_space<vmem>>, %arg6: memref<4096x128xf32, #tpu.memory_space<vmem>>) attributes {dimension_semantics = [#tpu.dimension_semantics<arbitrary>], iteration_bounds = array<i64: 80>, scalar_prefetch = 0 : i64, scratch_operands = 0 : i64, tpu.core_type = #tpu.core_type<tc>, window_params = [{transform_indices = @transform_0, window_bounds = array<i64: 4096, 16>}, {pipeline_mode = #tpu.pipeline_mode<synchronous>, transform_indices = @transform_1, window_bounds = array<i64: 16, 128>}, {pipeline_mode = #tpu.pipeline_mode<synchronous>, transform_indices = @transform_2, window_bounds = array<i64: 1, 128>}, {pipeline_mode = #tpu.pipeline_mode<synchronous>, transform_indices = @transform_3, window_bounds = array<i64: 128, 128>}, {pipeline_mode = #tpu.pipeline_mode<synchronous>, transform_indices = @transform_4, window_bounds = array<i64: 1, 128>}, {transform_indices = @transform_5, window_bounds = array<i64: 4096, 128>}]} {
    %get3A = arith.constant 0 : index
    %get3A_0 = arith.constant 0 : index
    %get3A_1 = vector.load %arg1[%get3A, %get3A_0] : memref<4096x16xf32, #tpu.memory_space<vmem>>, vector<4096x16xf32>
    %get3A_2 = arith.constant 0 : index
    %get3A_3 = arith.constant 0 : index
    %get3A_4 = vector.load %arg2[%get3A_2, %get3A_3] : memref<16x128xf32, #tpu.memory_space<vmem>>, vector<16x128xf32>
    %dot_general3A = arith.constant dense<0.000000e+00> : vector<4096x128xf32>
    %dot_general3A_5 = tpu.matmul %get3A_1, %get3A_4, %dot_general3A {dimension_numbers = #tpu.dot_dimension_numbers<[1], [0], [0], [1], [0, 0, 1, 1], [], []>, transpose_lhs_hint = false} : vector<4096x16xf32>, vector<16x128xf32>, vector<4096x128xf32> -> vector<4096x128xf32>
    %get3A_6 = arith.constant 0 : index
    %get3A_7 = arith.constant 0 : index
    %get3A_8 = vector.load %arg3[%get3A_6, %get3A_7] : memref<1x128xf32, #tpu.memory_space<vmem>>, vector<1x128xf32>
    %add3A = vector.broadcast %get3A_8 : vector<1x128xf32> to vector<4096x128xf32>
    %add3A_9 = arith.addf %dot_general3A_5, %add3A : vector<4096x128xf32>
    %max3A = arith.constant 0.000000e+00 : f32
    %max3A_10 = vector.broadcast %max3A : f32 to vector<4096x128xf32>
    %max3A_11 = arith.maximumf %add3A_9, %max3A_10 : vector<4096x128xf32>
    %get3A_12 = arith.constant 0 : index
    %get3A_13 = arith.constant 0 : index
    %get3A_14 = vector.load %arg4[%get3A_12, %get3A_13] : memref<128x128xf32, #tpu.memory_space<vmem>>, vector<128x128xf32>
    %dot_general3A_15 = arith.constant dense<0.000000e+00> : vector<4096x128xf32>
    %dot_general3A_16 = tpu.matmul %max3A_11, %get3A_14, %dot_general3A_15 {dimension_numbers = #tpu.dot_dimension_numbers<[1], [0], [0], [1], [0, 0, 1, 1], [], []>, transpose_lhs_hint = false} : vector<4096x128xf32>, vector<128x128xf32>, vector<4096x128xf32> -> vector<4096x128xf32>
    %get3A_17 = arith.constant 0 : index
    %get3A_18 = arith.constant 0 : index
    %get3A_19 = vector.load %arg5[%get3A_17, %get3A_18] : memref<1x128xf32, #tpu.memory_space<vmem>>, vector<1x128xf32>
    %add3A_20 = vector.broadcast %get3A_19 : vector<1x128xf32> to vector<4096x128xf32>
    %add3A_21 = arith.addf %dot_general3A_16, %add3A_20 : vector<4096x128xf32>
    %max3A_22 = arith.constant 0.000000e+00 : f32
    %max3A_23 = vector.broadcast %max3A_22 : f32 to vector<4096x128xf32>
    %max3A_24 = arith.maximumf %add3A_21, %max3A_23 : vector<4096x128xf32>
    %swap3A = arith.constant 0 : index
    %swap3A_25 = arith.constant 0 : index
    %swap3A_26 = vector.load %arg6[%swap3A, %swap3A_25] : memref<4096x128xf32, #tpu.memory_space<vmem>>, vector<4096x128xf32>
    tpu.vector_store %arg6[%swap3A, %swap3A_25], %max3A_24 {strides = array<i32>} : memref<4096x128xf32, #tpu.memory_space<vmem>>, vector<4096x128xf32>,
    return
  }
  func.func @transform_0(%arg0: i32) -> (i32, i32) {
    %c0_i32 = arith.constant 0 : i32
    %c0_i32_0 = arith.constant 0 : i32
    return %arg0, %c0_i32 : i32, i32
  }
  func.func @transform_1(%arg0: i32) -> (i32, i32) {
    %c0_i32 = arith.constant 0 : i32
    %c0_i32_0 = arith.constant 0 : i32
    %c0_i32_1 = arith.constant 0 : i32
    return %c0_i32, %c0_i32_0 : i32, i32
  }
  func.func @transform_2(%arg0: i32) -> (i32, i32) {
    %c0_i32 = arith.constant 0 : i32
    %c0_i32_0 = arith.constant 0 : i32
    %c0_i32_1 = arith.constant 0 : i32
    return %c0_i32, %c0_i32_0 : i32, i32
  }
  func.func @transform_3(%arg0: i32) -> (i32, i32) {
    %c0_i32 = arith.constant 0 : i32
    %c0_i32_0 = arith.constant 0 : i32
    %c0_i32_1 = arith.constant 0 : i32
    return %c0_i32, %c0_i32_0 : i32, i32
  }
  func.func @transform_4(%arg0: i32) -> (i32, i32) {
    %c0_i32 = arith.constant 0 : i32
    %c0_i32_0 = arith.constant 0 : i32
    %c0_i32_1 = arith.constant 0 : i32
    return %c0_i32, %c0_i32_0 : i32, i32
  }
  func.func @transform_5(%arg0: i32) -> (i32, i32) {
    %c0_i32 = arith.constant 0 : i32
    %c0_i32_0 = arith.constant 0 : i32
    return %arg0, %c0_i32 : i32, i32
  }
}

module attributes {stable_mosaic.version = 14 : i64} {
  func.func @_edge_update_body(%arg0: i32, %arg1: memref<4096x128xf32, #tpu.memory_space<vmem>>, %arg2: memref<4096x128xf32, #tpu.memory_space<vmem>>, %arg3: memref<4096x128xf32, #tpu.memory_space<vmem>>, %arg4: memref<128x128xf32, #tpu.memory_space<vmem>>, %arg5: memref<4096x128xf32, #tpu.memory_space<vmem>>) attributes {dimension_semantics = [#tpu.dimension_semantics<arbitrary>], iteration_bounds = array<i64: 80>, scalar_prefetch = 0 : i64, scratch_operands = 0 : i64, tpu.core_type = #tpu.core_type<tc>, window_params = [{transform_indices = @transform_0, window_bounds = array<i64: 4096, 128>}, {transform_indices = @transform_1, window_bounds = array<i64: 4096, 128>}, {transform_indices = @transform_2, window_bounds = array<i64: 4096, 128>}, {pipeline_mode = #tpu.pipeline_mode<synchronous>, transform_indices = @transform_3, window_bounds = array<i64: 128, 128>}, {transform_indices = @transform_4, window_bounds = array<i64: 4096, 128>}]} {
    %get3A = arith.constant 0 : index
    %get3A_0 = arith.constant 0 : index
    %get3A_1 = vector.load %arg1[%get3A, %get3A_0] : memref<4096x128xf32, #tpu.memory_space<vmem>>, vector<4096x128xf32>
    %get3A_2 = arith.constant 0 : index
    %get3A_3 = arith.constant 0 : index
    %get3A_4 = vector.load %arg4[%get3A_2, %get3A_3] : memref<128x128xf32, #tpu.memory_space<vmem>>, vector<128x128xf32>
    %dot_general3A = arith.constant dense<0.000000e+00> : vector<4096x128xf32>
    %dot_general3A_5 = tpu.matmul %get3A_1, %get3A_4, %dot_general3A {dimension_numbers = #tpu.dot_dimension_numbers<[1], [0], [0], [1], [0, 0, 1, 1], [], []>, transpose_lhs_hint = false} : vector<4096x128xf32>, vector<128x128xf32>, vector<4096x128xf32> -> vector<4096x128xf32>
    %get3A_6 = arith.constant 0 : index
    %get3A_7 = arith.constant 0 : index
    %get3A_8 = vector.load %arg2[%get3A_6, %get3A_7] : memref<4096x128xf32, #tpu.memory_space<vmem>>, vector<4096x128xf32>
    %add3A = arith.addf %dot_general3A_5, %get3A_8 : vector<4096x128xf32>
    %get3A_9 = arith.constant 0 : index
    %get3A_10 = arith.constant 0 : index
    %get3A_11 = vector.load %arg3[%get3A_9, %get3A_10] : memref<4096x128xf32, #tpu.memory_space<vmem>>, vector<4096x128xf32>
    %add3A_12 = arith.addf %add3A, %get3A_11 : vector<4096x128xf32>
    %max3A = arith.constant 0.000000e+00 : f32
    %max3A_13 = vector.broadcast %max3A : f32 to vector<4096x128xf32>
    %max3A_14 = arith.maximumf %add3A_12, %max3A_13 : vector<4096x128xf32>
    %swap3A = arith.constant 0 : index
    %swap3A_15 = arith.constant 0 : index
    %swap3A_16 = vector.load %arg5[%swap3A, %swap3A_15] : memref<4096x128xf32, #tpu.memory_space<vmem>>, vector<4096x128xf32>
    tpu.vector_store %arg5[%swap3A, %swap3A_15], %max3A_14 {strides = array<i32>} : memref<4096x128xf32, #tpu.memory_space<vmem>>, vector<4096x128xf32>,
    return
  }
  func.func @transform_0(%arg0: i32) -> (i32, i32) {
    %c0_i32 = arith.constant 0 : i32
    %c0_i32_0 = arith.constant 0 : i32
    return %arg0, %c0_i32 : i32, i32
  }
  func.func @transform_1(%arg0: i32) -> (i32, i32) {
    %c0_i32 = arith.constant 0 : i32
    %c0_i32_0 = arith.constant 0 : i32
    return %arg0, %c0_i32 : i32, i32
  }
  func.func @transform_2(%arg0: i32) -> (i32, i32) {
    %c0_i32 = arith.constant 0 : i32
    %c0_i32_0 = arith.constant 0 : i32
    return %arg0, %c0_i32 : i32, i32
  }
  func.func @transform_3(%arg0: i32) -> (i32, i32) {
    %c0_i32 = arith.constant 0 : i32
    %c0_i32_0 = arith.constant 0 : i32
    %c0_i32_1 = arith.constant 0 : i32
    return %c0_i32, %c0_i32_0 : i32, i32
  }
  func.func @transform_4(%arg0: i32) -> (i32, i32) {
    %c0_i32 = arith.constant 0 : i32
    %c0_i32_0 = arith.constant 0 : i32
    return %arg0, %c0_i32 : i32, i32
  }
}

module attributes {stable_mosaic.version = 14 : i64} {
  func.func @_node_up_body(%arg0: i32, %arg1: memref<1024x128xf32, #tpu.memory_space<vmem>>, %arg2: memref<1024x128xf32, #tpu.memory_space<vmem>>, %arg3: memref<1024x128xf32, #tpu.memory_space<vmem>>, %arg4: memref<128x128xf32, #tpu.memory_space<vmem>>, %arg5: memref<128x128xf32, #tpu.memory_space<vmem>>, %arg6: memref<1x128xf32, #tpu.memory_space<vmem>>, %arg7: memref<128x128xf32, #tpu.memory_space<vmem>>, %arg8: memref<1x128xf32, #tpu.memory_space<vmem>>, %arg9: memref<128x128xf32, #tpu.memory_space<vmem>>, %arg10: memref<1024x128xf32, #tpu.memory_space<vmem>>, %arg11: memref<1024x128xf32, #tpu.memory_space<vmem>>, %arg12: memref<1024x128xf32, #tpu.memory_space<vmem>>) attributes {dimension_semantics = [#tpu.dimension_semantics<arbitrary>], iteration_bounds = array<i64: 10>, scalar_prefetch = 0 : i64, scratch_operands = 0 : i64, tpu.core_type = #tpu.core_type<tc>, window_params = [{transform_indices = @transform_0, window_bounds = array<i64: 1024, 128>}, {transform_indices = @transform_1, window_bounds = array<i64: 1024, 128>}, {transform_indices = @transform_2, window_bounds = array<i64: 1024, 128>}, {pipeline_mode = #tpu.pipeline_mode<synchronous>, transform_indices = @transform_3, window_bounds = array<i64: 128, 128>}, {pipeline_mode = #tpu.pipeline_mode<synchronous>, transform_indices = @transform_4, window_bounds = array<i64: 128, 128>}, {pipeline_mode = #tpu.pipeline_mode<synchronous>, transform_indices = @transform_5, window_bounds = array<i64: 1, 128>}, {pipeline_mode = #tpu.pipeline_mode<synchronous>, transform_indices = @transform_6, window_bounds = array<i64: 128, 128>}, {pipeline_mode = #tpu.pipeline_mode<synchronous>, transform_indices = @transform_7, window_bounds = array<i64: 1, 128>}, {pipeline_mode = #tpu.pipeline_mode<synchronous>, transform_indices = @transform_8, window_bounds = array<i64: 128, 128>}, {transform_indices = @transform_9, window_bounds = array<i64: 1024, 128>}, {transform_indices = @transform_10, window_bounds = array<i64: 1024, 128>}, {transform_indices = @transform_11, window_bounds = array<i64: 1024, 128>}]} {
    %get3A = arith.constant 0 : index
    %get3A_0 = arith.constant 0 : index
    %get3A_1 = vector.load %arg2[%get3A, %get3A_0] : memref<1024x128xf32, #tpu.memory_space<vmem>>, vector<1024x128xf32>
    %get3A_2 = arith.constant 0 : index
    %get3A_3 = arith.constant 0 : index
    %get3A_4 = vector.load %arg3[%get3A_2, %get3A_3] : memref<1024x128xf32, #tpu.memory_space<vmem>>, vector<1024x128xf32>
    %add3A = arith.addf %get3A_1, %get3A_4 : vector<1024x128xf32>
    %get3A_5 = arith.constant 0 : index
    %get3A_6 = arith.constant 0 : index
    %get3A_7 = vector.load %arg1[%get3A_5, %get3A_6] : memref<1024x128xf32, #tpu.memory_space<vmem>>, vector<1024x128xf32>
    %get3A_8 = arith.constant 0 : index
    %get3A_9 = arith.constant 0 : index
    %get3A_10 = vector.load %arg4[%get3A_8, %get3A_9] : memref<128x128xf32, #tpu.memory_space<vmem>>, vector<128x128xf32>
    %dot_general3A = arith.constant dense<0.000000e+00> : vector<1024x128xf32>
    %dot_general3A_11 = tpu.matmul %get3A_7, %get3A_10, %dot_general3A {dimension_numbers = #tpu.dot_dimension_numbers<[1], [0], [0], [1], [0, 0, 1, 1], [], []>, transpose_lhs_hint = false} : vector<1024x128xf32>, vector<128x128xf32>, vector<1024x128xf32> -> vector<1024x128xf32>
    %get3A_12 = arith.constant 0 : index
    %get3A_13 = arith.constant 0 : index
    %get3A_14 = vector.load %arg5[%get3A_12, %get3A_13] : memref<128x128xf32, #tpu.memory_space<vmem>>, vector<128x128xf32>
    %dot_general3A_15 = arith.constant dense<0.000000e+00> : vector<1024x128xf32>
    %dot_general3A_16 = tpu.matmul %add3A, %get3A_14, %dot_general3A_15 {dimension_numbers = #tpu.dot_dimension_numbers<[1], [0], [0], [1], [0, 0, 1, 1], [], []>, transpose_lhs_hint = false} : vector<1024x128xf32>, vector<128x128xf32>, vector<1024x128xf32> -> vector<1024x128xf32>
    %add3A_17 = arith.addf %dot_general3A_11, %dot_general3A_16 : vector<1024x128xf32>
    %get3A_18 = arith.constant 0 : index
    %get3A_19 = arith.constant 0 : index
    %get3A_20 = vector.load %arg6[%get3A_18, %get3A_19] : memref<1x128xf32, #tpu.memory_space<vmem>>, vector<1x128xf32>
    %add3A_21 = vector.broadcast %get3A_20 : vector<1x128xf32> to vector<1024x128xf32>
    %add3A_22 = arith.addf %add3A_17, %add3A_21 : vector<1024x128xf32>
    %max3A = arith.constant 0.000000e+00 : f32
    %max3A_23 = vector.broadcast %max3A : f32 to vector<1024x128xf32>
    %max3A_24 = arith.maximumf %add3A_22, %max3A_23 : vector<1024x128xf32>
    %swap3A = arith.constant 0 : index
    %swap3A_25 = arith.constant 0 : index
    %swap3A_26 = vector.load %arg10[%swap3A, %swap3A_25] : memref<1024x128xf32, #tpu.memory_space<vmem>>, vector<1024x128xf32>
    tpu.vector_store %arg10[%swap3A, %swap3A_25], %max3A_24 {strides = array<i32>} : memref<1024x128xf32, #tpu.memory_space<vmem>>, vector<1024x128xf32>,
    %get3A_27 = arith.constant 0 : index
    %get3A_28 = arith.constant 0 : index
    %get3A_29 = vector.load %arg7[%get3A_27, %get3A_28] : memref<128x128xf32, #tpu.memory_space<vmem>>, vector<128x128xf32>
    %dot_general3A_30 = arith.constant dense<0.000000e+00> : vector<1024x128xf32>
    %dot_general3A_31 = tpu.matmul %max3A_24, %get3A_29, %dot_general3A_30 {dimension_numbers = #tpu.dot_dimension_numbers<[1], [0], [0], [1], [0, 0, 1, 1], [], []>, transpose_lhs_hint = false} : vector<1024x128xf32>, vector<128x128xf32>, vector<1024x128xf32> -> vector<1024x128xf32>
    %get3A_32 = arith.constant 0 : index
    %get3A_33 = arith.constant 0 : index
    %get3A_34 = vector.load %arg8[%get3A_32, %get3A_33] : memref<1x128xf32, #tpu.memory_space<vmem>>, vector<1x128xf32>
    %add3A_35 = vector.broadcast %get3A_34 : vector<1x128xf32> to vector<1024x128xf32>
    %add3A_36 = arith.addf %dot_general3A_31, %add3A_35 : vector<1024x128xf32>
    %swap3A_37 = arith.constant 0 : index
    %swap3A_38 = arith.constant 0 : index
    %swap3A_39 = vector.load %arg11[%swap3A_37, %swap3A_38] : memref<1024x128xf32, #tpu.memory_space<vmem>>, vector<1024x128xf32>
    tpu.vector_store %arg11[%swap3A_37, %swap3A_38], %add3A_36 {strides = array<i32>} : memref<1024x128xf32, #tpu.memory_space<vmem>>, vector<1024x128xf32>,
    %get3A_40 = arith.constant 0 : index
    %get3A_41 = arith.constant 0 : index
    %get3A_42 = vector.load %arg9[%get3A_40, %get3A_41] : memref<128x128xf32, #tpu.memory_space<vmem>>, vector<128x128xf32>
    %dot_general3A_43 = arith.constant dense<0.000000e+00> : vector<1024x128xf32>
    %dot_general3A_44 = tpu.matmul %max3A_24, %get3A_42, %dot_general3A_43 {dimension_numbers = #tpu.dot_dimension_numbers<[1], [0], [0], [1], [0, 0, 1, 1], [], []>, transpose_lhs_hint = false} : vector<1024x128xf32>, vector<128x128xf32>, vector<1024x128xf32> -> vector<1024x128xf32>
    %swap3A_45 = arith.constant 0 : index
    %swap3A_46 = arith.constant 0 : index
    %swap3A_47 = vector.load %arg12[%swap3A_45, %swap3A_46] : memref<1024x128xf32, #tpu.memory_space<vmem>>, vector<1024x128xf32>
    tpu.vector_store %arg12[%swap3A_45, %swap3A_46], %dot_general3A_44 {strides = array<i32>} : memref<1024x128xf32, #tpu.memory_space<vmem>>, vector<1024x128xf32>,
    return
  }
  func.func @transform_0(%arg0: i32) -> (i32, i32) {
    %c0_i32 = arith.constant 0 : i32
    %c0_i32_0 = arith.constant 0 : i32
    return %arg0, %c0_i32 : i32, i32
  }
  func.func @transform_1(%arg0: i32) -> (i32, i32) {
    %c0_i32 = arith.constant 0 : i32
    %c0_i32_0 = arith.constant 0 : i32
    return %arg0, %c0_i32 : i32, i32
  }
  func.func @transform_2(%arg0: i32) -> (i32, i32) {
    %c0_i32 = arith.constant 0 : i32
    %c0_i32_0 = arith.constant 0 : i32
    return %arg0, %c0_i32 : i32, i32
  }
  func.func @transform_3(%arg0: i32) -> (i32, i32) {
    %c0_i32 = arith.constant 0 : i32
    %c0_i32_0 = arith.constant 0 : i32
    %c0_i32_1 = arith.constant 0 : i32
    return %c0_i32, %c0_i32_0 : i32, i32
  }
  func.func @transform_4(%arg0: i32) -> (i32, i32) {
    %c0_i32 = arith.constant 0 : i32
    %c0_i32_0 = arith.constant 0 : i32
    %c0_i32_1 = arith.constant 0 : i32
    return %c0_i32, %c0_i32_0 : i32, i32
  }
  func.func @transform_5(%arg0: i32) -> (i32, i32) {
    %c0_i32 = arith.constant 0 : i32
    %c0_i32_0 = arith.constant 0 : i32
    %c0_i32_1 = arith.constant 0 : i32
    return %c0_i32, %c0_i32_0 : i32, i32
  }
  func.func @transform_6(%arg0: i32) -> (i32, i32) {
    %c0_i32 = arith.constant 0 : i32
    %c0_i32_0 = arith.constant 0 : i32
    %c0_i32_1 = arith.constant 0 : i32
    return %c0_i32, %c0_i32_0 : i32, i32
  }
  func.func @transform_7(%arg0: i32) -> (i32, i32) {
    %c0_i32 = arith.constant 0 : i32
    %c0_i32_0 = arith.constant 0 : i32
    %c0_i32_1 = arith.constant 0 : i32
    return %c0_i32, %c0_i32_0 : i32, i32
  }
  func.func @transform_8(%arg0: i32) -> (i32, i32) {
    %c0_i32 = arith.constant 0 : i32
    %c0_i32_0 = arith.constant 0 : i32
    %c0_i32_1 = arith.constant 0 : i32
    return %c0_i32, %c0_i32_0 : i32, i32
  }
  func.func @transform_9(%arg0: i32) -> (i32, i32) {
    %c0_i32 = arith.constant 0 : i32
    %c0_i32_0 = arith.constant 0 : i32
    return %arg0, %c0_i32 : i32, i32
  }
  func.func @transform_10(%arg0: i32) -> (i32, i32) {
    %c0_i32 = arith.constant 0 : i32
    %c0_i32_0 = arith.constant 0 : i32
    return %arg0, %c0_i32 : i32, i32
  }
  func.func @transform_11(%arg0: i32) -> (i32, i32) {
    %c0_i32 = arith.constant 0 : i32
    %c0_i32_0 = arith.constant 0 : i32
    return %arg0, %c0_i32 : i32, i32
  }
}

module attributes {stable_mosaic.version = 14 : i64} {
  func.func @_node_up_body(%arg0: i32, %arg1: memref<1024x128xf32, #tpu.memory_space<vmem>>, %arg2: memref<1024x128xf32, #tpu.memory_space<vmem>>, %arg3: memref<1024x128xf32, #tpu.memory_space<vmem>>, %arg4: memref<128x128xf32, #tpu.memory_space<vmem>>, %arg5: memref<128x128xf32, #tpu.memory_space<vmem>>, %arg6: memref<1x128xf32, #tpu.memory_space<vmem>>, %arg7: memref<128x128xf32, #tpu.memory_space<vmem>>, %arg8: memref<1x128xf32, #tpu.memory_space<vmem>>, %arg9: memref<128x128xf32, #tpu.memory_space<vmem>>, %arg10: memref<1024x128xf32, #tpu.memory_space<vmem>>, %arg11: memref<1024x128xf32, #tpu.memory_space<vmem>>, %arg12: memref<1024x128xf32, #tpu.memory_space<vmem>>) attributes {dimension_semantics = [#tpu.dimension_semantics<arbitrary>], iteration_bounds = array<i64: 10>, scalar_prefetch = 0 : i64, scratch_operands = 0 : i64, tpu.core_type = #tpu.core_type<tc>, window_params = [{transform_indices = @transform_0, window_bounds = array<i64: 1024, 128>}, {transform_indices = @transform_1, window_bounds = array<i64: 1024, 128>}, {transform_indices = @transform_2, window_bounds = array<i64: 1024, 128>}, {pipeline_mode = #tpu.pipeline_mode<synchronous>, transform_indices = @transform_3, window_bounds = array<i64: 128, 128>}, {pipeline_mode = #tpu.pipeline_mode<synchronous>, transform_indices = @transform_4, window_bounds = array<i64: 128, 128>}, {pipeline_mode = #tpu.pipeline_mode<synchronous>, transform_indices = @transform_5, window_bounds = array<i64: 1, 128>}, {pipeline_mode = #tpu.pipeline_mode<synchronous>, transform_indices = @transform_6, window_bounds = array<i64: 128, 128>}, {pipeline_mode = #tpu.pipeline_mode<synchronous>, transform_indices = @transform_7, window_bounds = array<i64: 1, 128>}, {pipeline_mode = #tpu.pipeline_mode<synchronous>, transform_indices = @transform_8, window_bounds = array<i64: 128, 128>}, {transform_indices = @transform_9, window_bounds = array<i64: 1024, 128>}, {transform_indices = @transform_10, window_bounds = array<i64: 1024, 128>}, {transform_indices = @transform_11, window_bounds = array<i64: 1024, 128>}]} {
    %get3A = arith.constant 0 : index
    %get3A_0 = arith.constant 0 : index
    %get3A_1 = vector.load %arg2[%get3A, %get3A_0] : memref<1024x128xf32, #tpu.memory_space<vmem>>, vector<1024x128xf32>
    %get3A_2 = arith.constant 0 : index
    %get3A_3 = arith.constant 0 : index
    %get3A_4 = vector.load %arg3[%get3A_2, %get3A_3] : memref<1024x128xf32, #tpu.memory_space<vmem>>, vector<1024x128xf32>
    %add3A = arith.addf %get3A_1, %get3A_4 : vector<1024x128xf32>
    %get3A_5 = arith.constant 0 : index
    %get3A_6 = arith.constant 0 : index
    %get3A_7 = vector.load %arg1[%get3A_5, %get3A_6] : memref<1024x128xf32, #tpu.memory_space<vmem>>, vector<1024x128xf32>
    %get3A_8 = arith.constant 0 : index
    %get3A_9 = arith.constant 0 : index
    %get3A_10 = vector.load %arg4[%get3A_8, %get3A_9] : memref<128x128xf32, #tpu.memory_space<vmem>>, vector<128x128xf32>
    %dot_general3A = arith.constant dense<0.000000e+00> : vector<1024x128xf32>
    %dot_general3A_11 = tpu.matmul %get3A_7, %get3A_10, %dot_general3A {dimension_numbers = #tpu.dot_dimension_numbers<[1], [0], [0], [1], [0, 0, 1, 1], [], []>, transpose_lhs_hint = false} : vector<1024x128xf32>, vector<128x128xf32>, vector<1024x128xf32> -> vector<1024x128xf32>
    %get3A_12 = arith.constant 0 : index
    %get3A_13 = arith.constant 0 : index
    %get3A_14 = vector.load %arg5[%get3A_12, %get3A_13] : memref<128x128xf32, #tpu.memory_space<vmem>>, vector<128x128xf32>
    %dot_general3A_15 = arith.constant dense<0.000000e+00> : vector<1024x128xf32>
    %dot_general3A_16 = tpu.matmul %add3A, %get3A_14, %dot_general3A_15 {dimension_numbers = #tpu.dot_dimension_numbers<[1], [0], [0], [1], [0, 0, 1, 1], [], []>, transpose_lhs_hint = false} : vector<1024x128xf32>, vector<128x128xf32>, vector<1024x128xf32> -> vector<1024x128xf32>
    %add3A_17 = arith.addf %dot_general3A_11, %dot_general3A_16 : vector<1024x128xf32>
    %get3A_18 = arith.constant 0 : index
    %get3A_19 = arith.constant 0 : index
    %get3A_20 = vector.load %arg6[%get3A_18, %get3A_19] : memref<1x128xf32, #tpu.memory_space<vmem>>, vector<1x128xf32>
    %add3A_21 = vector.broadcast %get3A_20 : vector<1x128xf32> to vector<1024x128xf32>
    %add3A_22 = arith.addf %add3A_17, %add3A_21 : vector<1024x128xf32>
    %max3A = arith.constant 0.000000e+00 : f32
    %max3A_23 = vector.broadcast %max3A : f32 to vector<1024x128xf32>
    %max3A_24 = arith.maximumf %add3A_22, %max3A_23 : vector<1024x128xf32>
    %swap3A = arith.constant 0 : index
    %swap3A_25 = arith.constant 0 : index
    %swap3A_26 = vector.load %arg10[%swap3A, %swap3A_25] : memref<1024x128xf32, #tpu.memory_space<vmem>>, vector<1024x128xf32>
    tpu.vector_store %arg10[%swap3A, %swap3A_25], %max3A_24 {strides = array<i32>} : memref<1024x128xf32, #tpu.memory_space<vmem>>, vector<1024x128xf32>,
    %get3A_27 = arith.constant 0 : index
    %get3A_28 = arith.constant 0 : index
    %get3A_29 = vector.load %arg7[%get3A_27, %get3A_28] : memref<128x128xf32, #tpu.memory_space<vmem>>, vector<128x128xf32>
    %dot_general3A_30 = arith.constant dense<0.000000e+00> : vector<1024x128xf32>
    %dot_general3A_31 = tpu.matmul %max3A_24, %get3A_29, %dot_general3A_30 {dimension_numbers = #tpu.dot_dimension_numbers<[1], [0], [0], [1], [0, 0, 1, 1], [], []>, transpose_lhs_hint = false} : vector<1024x128xf32>, vector<128x128xf32>, vector<1024x128xf32> -> vector<1024x128xf32>
    %get3A_32 = arith.constant 0 : index
    %get3A_33 = arith.constant 0 : index
    %get3A_34 = vector.load %arg8[%get3A_32, %get3A_33] : memref<1x128xf32, #tpu.memory_space<vmem>>, vector<1x128xf32>
    %add3A_35 = vector.broadcast %get3A_34 : vector<1x128xf32> to vector<1024x128xf32>
    %add3A_36 = arith.addf %dot_general3A_31, %add3A_35 : vector<1024x128xf32>
    %swap3A_37 = arith.constant 0 : index
    %swap3A_38 = arith.constant 0 : index
    %swap3A_39 = vector.load %arg11[%swap3A_37, %swap3A_38] : memref<1024x128xf32, #tpu.memory_space<vmem>>, vector<1024x128xf32>
    tpu.vector_store %arg11[%swap3A_37, %swap3A_38], %add3A_36 {strides = array<i32>} : memref<1024x128xf32, #tpu.memory_space<vmem>>, vector<1024x128xf32>,
    %get3A_40 = arith.constant 0 : index
    %get3A_41 = arith.constant 0 : index
    %get3A_42 = vector.load %arg9[%get3A_40, %get3A_41] : memref<128x128xf32, #tpu.memory_space<vmem>>, vector<128x128xf32>
    %dot_general3A_43 = arith.constant dense<0.000000e+00> : vector<1024x128xf32>
    %dot_general3A_44 = tpu.matmul %max3A_24, %get3A_42, %dot_general3A_43 {dimension_numbers = #tpu.dot_dimension_numbers<[1], [0], [0], [1], [0, 0, 1, 1], [], []>, transpose_lhs_hint = false} : vector<1024x128xf32>, vector<128x128xf32>, vector<1024x128xf32> -> vector<1024x128xf32>
    %swap3A_45 = arith.constant 0 : index
    %swap3A_46 = arith.constant 0 : index
    %swap3A_47 = vector.load %arg12[%swap3A_45, %swap3A_46] : memref<1024x128xf32, #tpu.memory_space<vmem>>, vector<1024x128xf32>
    tpu.vector_store %arg12[%swap3A_45, %swap3A_46], %dot_general3A_44 {strides = array<i32>} : memref<1024x128xf32, #tpu.memory_space<vmem>>, vector<1024x128xf32>,
    return
  }
  func.func @transform_0(%arg0: i32) -> (i32, i32) {
    %c0_i32 = arith.constant 0 : i32
    %c0_i32_0 = arith.constant 0 : i32
    return %arg0, %c0_i32 : i32, i32
  }
  func.func @transform_1(%arg0: i32) -> (i32, i32) {
    %c0_i32 = arith.constant 0 : i32
    %c0_i32_0 = arith.constant 0 : i32
    return %arg0, %c0_i32 : i32, i32
  }
  func.func @transform_2(%arg0: i32) -> (i32, i32) {
    %c0_i32 = arith.constant 0 : i32
    %c0_i32_0 = arith.constant 0 : i32
    return %arg0, %c0_i32 : i32, i32
  }
  func.func @transform_3(%arg0: i32) -> (i32, i32) {
    %c0_i32 = arith.constant 0 : i32
    %c0_i32_0 = arith.constant 0 : i32
    %c0_i32_1 = arith.constant 0 : i32
    return %c0_i32, %c0_i32_0 : i32, i32
  }
  func.func @transform_4(%arg0: i32) -> (i32, i32) {
    %c0_i32 = arith.constant 0 : i32
    %c0_i32_0 = arith.constant 0 : i32
    %c0_i32_1 = arith.constant 0 : i32
    return %c0_i32, %c0_i32_0 : i32, i32
  }
  func.func @transform_5(%arg0: i32) -> (i32, i32) {
    %c0_i32 = arith.constant 0 : i32
    %c0_i32_0 = arith.constant 0 : i32
    %c0_i32_1 = arith.constant 0 : i32
    return %c0_i32, %c0_i32_0 : i32, i32
  }
  func.func @transform_6(%arg0: i32) -> (i32, i32) {
    %c0_i32 = arith.constant 0 : i32
    %c0_i32_0 = arith.constant 0 : i32
    %c0_i32_1 = arith.constant 0 : i32
    return %c0_i32, %c0_i32_0 : i32, i32
  }
  func.func @transform_7(%arg0: i32) -> (i32, i32) {
    %c0_i32 = arith.constant 0 : i32
    %c0_i32_0 = arith.constant 0 : i32
    %c0_i32_1 = arith.constant 0 : i32
    return %c0_i32, %c0_i32_0 : i32, i32
  }
  func.func @transform_8(%arg0: i32) -> (i32, i32) {
    %c0_i32 = arith.constant 0 : i32
    %c0_i32_0 = arith.constant 0 : i32
    %c0_i32_1 = arith.constant 0 : i32
    return %c0_i32, %c0_i32_0 : i32, i32
  }
  func.func @transform_9(%arg0: i32) -> (i32, i32) {
    %c0_i32 = arith.constant 0 : i32
    %c0_i32_0 = arith.constant 0 : i32
    return %arg0, %c0_i32 : i32, i32
  }
  func.func @transform_10(%arg0: i32) -> (i32, i32) {
    %c0_i32 = arith.constant 0 : i32
    %c0_i32_0 = arith.constant 0 : i32
    return %arg0, %c0_i32 : i32, i32
  }
  func.func @transform_11(%arg0: i32) -> (i32, i32) {
    %c0_i32 = arith.constant 0 : i32
    %c0_i32_0 = arith.constant 0 : i32
    return %arg0, %c0_i32 : i32, i32
  }
}

module attributes {stable_mosaic.version = 14 : i64} {
  func.func @_edge_out_body(%arg0: i32, %arg1: memref<4096x128xf32, #tpu.memory_space<vmem>>, %arg2: memref<4096x128xf32, #tpu.memory_space<vmem>>, %arg3: memref<4096x128xf32, #tpu.memory_space<vmem>>, %arg4: memref<128x128xf32, #tpu.memory_space<vmem>>, %arg5: memref<128x128xf32, #tpu.memory_space<vmem>>, %arg6: memref<4096x128xf32, #tpu.memory_space<vmem>>) attributes {dimension_semantics = [#tpu.dimension_semantics<arbitrary>], iteration_bounds = array<i64: 80>, scalar_prefetch = 0 : i64, scratch_operands = 0 : i64, tpu.core_type = #tpu.core_type<tc>, window_params = [{transform_indices = @transform_0, window_bounds = array<i64: 4096, 128>}, {transform_indices = @transform_1, window_bounds = array<i64: 4096, 128>}, {transform_indices = @transform_2, window_bounds = array<i64: 4096, 128>}, {pipeline_mode = #tpu.pipeline_mode<synchronous>, transform_indices = @transform_3, window_bounds = array<i64: 128, 128>}, {pipeline_mode = #tpu.pipeline_mode<synchronous>, transform_indices = @transform_4, window_bounds = array<i64: 128, 128>}, {transform_indices = @transform_5, window_bounds = array<i64: 4096, 128>}]} {
    %get3A = arith.constant 0 : index
    %get3A_0 = arith.constant 0 : index
    %get3A_1 = vector.load %arg1[%get3A, %get3A_0] : memref<4096x128xf32, #tpu.memory_space<vmem>>, vector<4096x128xf32>
    %get3A_2 = arith.constant 0 : index
    %get3A_3 = arith.constant 0 : index
    %get3A_4 = vector.load %arg4[%get3A_2, %get3A_3] : memref<128x128xf32, #tpu.memory_space<vmem>>, vector<128x128xf32>
    %dot_general3A = arith.constant dense<0.000000e+00> : vector<4096x128xf32>
    %dot_general3A_5 = tpu.matmul %get3A_1, %get3A_4, %dot_general3A {dimension_numbers = #tpu.dot_dimension_numbers<[1], [0], [0], [1], [0, 0, 1, 1], [], []>, transpose_lhs_hint = false} : vector<4096x128xf32>, vector<128x128xf32>, vector<4096x128xf32> -> vector<4096x128xf32>
    %get3A_6 = arith.constant 0 : index
    %get3A_7 = arith.constant 0 : index
    %get3A_8 = vector.load %arg2[%get3A_6, %get3A_7] : memref<4096x128xf32, #tpu.memory_space<vmem>>, vector<4096x128xf32>
    %add3A = arith.addf %dot_general3A_5, %get3A_8 : vector<4096x128xf32>
    %get3A_9 = arith.constant 0 : index
    %get3A_10 = arith.constant 0 : index
    %get3A_11 = vector.load %arg3[%get3A_9, %get3A_10] : memref<4096x128xf32, #tpu.memory_space<vmem>>, vector<4096x128xf32>
    %add3A_12 = arith.addf %add3A, %get3A_11 : vector<4096x128xf32>
    %max3A = arith.constant 0.000000e+00 : f32
    %max3A_13 = vector.broadcast %max3A : f32 to vector<4096x128xf32>
    %max3A_14 = arith.maximumf %add3A_12, %max3A_13 : vector<4096x128xf32>
    %iota3A = tpu.iota {dimensions = array<i32: 1>} : vector<4096x128xi32>
    %eq3A = arith.constant 76 : i32
    %eq3A_15 = vector.broadcast %eq3A : i32 to vector<4096x128xi32>
    %eq3A_16 = arith.cmpi eq, %iota3A, %eq3A_15 : vector<4096x128xi32>
    %jit3A = arith.constant 1.000000e+00 : f32
    %broadcast_in_dim3A = vector.broadcast %jit3A : f32 to vector<4096x128xf32>
    %select_n3A = arith.select %eq3A_16, %broadcast_in_dim3A, %max3A_14 : vector<4096x128xi1>, vector<4096x128xf32>
    %get3A_17 = arith.constant 0 : index
    %get3A_18 = arith.constant 0 : index
    %get3A_19 = vector.load %arg5[%get3A_17, %get3A_18] : memref<128x128xf32, #tpu.memory_space<vmem>>, vector<128x128xf32>
    %dot_general3A_20 = arith.constant dense<0.000000e+00> : vector<4096x128xf32>
    %dot_general3A_21 = tpu.matmul %select_n3A, %get3A_19, %dot_general3A_20 {dimension_numbers = #tpu.dot_dimension_numbers<[1], [0], [0], [1], [0, 0, 1, 1], [], []>, transpose_lhs_hint = false} : vector<4096x128xf32>, vector<128x128xf32>, vector<4096x128xf32> -> vector<4096x128xf32>
    %swap3A = arith.constant 0 : index
    %swap3A_22 = arith.constant 0 : index
    %swap3A_23 = vector.load %arg6[%swap3A, %swap3A_22] : memref<4096x128xf32, #tpu.memory_space<vmem>>, vector<4096x128xf32>
    tpu.vector_store %arg6[%swap3A, %swap3A_22], %dot_general3A_21 {strides = array<i32>} : memref<4096x128xf32, #tpu.memory_space<vmem>>, vector<4096x128xf32>,
    return
  }
  func.func @transform_0(%arg0: i32) -> (i32, i32) {
    %c0_i32 = arith.constant 0 : i32
    %c0_i32_0 = arith.constant 0 : i32
    return %arg0, %c0_i32 : i32, i32
  }
  func.func @transform_1(%arg0: i32) -> (i32, i32) {
    %c0_i32 = arith.constant 0 : i32
    %c0_i32_0 = arith.constant 0 : i32
    return %arg0, %c0_i32 : i32, i32
  }
  func.func @transform_2(%arg0: i32) -> (i32, i32) {
    %c0_i32 = arith.constant 0 : i32
    %c0_i32_0 = arith.constant 0 : i32
    return %arg0, %c0_i32 : i32, i32
  }
  func.func @transform_3(%arg0: i32) -> (i32, i32) {
    %c0_i32 = arith.constant 0 : i32
    %c0_i32_0 = arith.constant 0 : i32
    %c0_i32_1 = arith.constant 0 : i32
    return %c0_i32, %c0_i32_0 : i32, i32
  }
  func.func @transform_4(%arg0: i32) -> (i32, i32) {
    %c0_i32 = arith.constant 0 : i32
    %c0_i32_0 = arith.constant 0 : i32
    %c0_i32_1 = arith.constant 0 : i32
    return %c0_i32, %c0_i32_0 : i32, i32
  }
  func.func @transform_5(%arg0: i32) -> (i32, i32) {
    %c0_i32 = arith.constant 0 : i32
    %c0_i32_0 = arith.constant 0 : i32
    return %arg0, %c0_i32 : i32, i32
  }
}

module attributes {stable_mosaic.version = 14 : i64} {
  func.func @_readout_body(%arg0: memref<10240x128xf32, #tpu.memory_space<vmem>>, %arg1: memref<10240x128xf32, #tpu.memory_space<vmem>>, %arg2: memref<1x10240xi32, #tpu.memory_space<vmem>>, %arg3: memref<64x64xf32, #tpu.memory_space<vmem>>, %arg4: memref<1x64xf32, #tpu.memory_space<vmem>>, %arg5: memref<64x1xf32, #tpu.memory_space<vmem>>, %arg6: memref<1x1xf32, #tpu.memory_space<vmem>>, %arg7: memref<128x1xf32, #tpu.memory_space<vmem>>) attributes {dimension_semantics = [], scalar_prefetch = 0 : i64, scratch_operands = 0 : i64, tpu.core_type = #tpu.core_type<tc>} {
    %get3A = arith.constant 0 : index
    %get3A_0 = arith.constant 0 : index
    %get3A_1 = vector.load %arg0[%get3A, %get3A_0] : memref<10240x128xf32, #tpu.memory_space<vmem>>, vector<10240x128xf32>
    %get3A_2 = arith.constant 0 : index
    %get3A_3 = arith.constant 0 : index
    %get3A_4 = vector.load %arg1[%get3A_2, %get3A_3] : memref<10240x128xf32, #tpu.memory_space<vmem>>, vector<10240x128xf32>
    %add3A = arith.addf %get3A_1, %get3A_4 : vector<10240x128xf32>
    %iota3A = tpu.iota {dimensions = array<i32: 0>} : vector<128x10240xi32>
    %get3A_5 = arith.constant 0 : index
    %get3A_6 = arith.constant 0 : index
    %get3A_7 = vector.load %arg2[%get3A_5, %get3A_6] : memref<1x10240xi32, #tpu.memory_space<vmem>>, vector<1x10240xi32>
    %eq3A = vector.broadcast %get3A_7 : vector<1x10240xi32> to vector<128x10240xi32>
    %eq3A_8 = arith.cmpi eq, %iota3A, %eq3A : vector<128x10240xi32>
    %convert_element_type3A = arith.extui %eq3A_8 : vector<128x10240xi1> to vector<128x10240xi32>
    %convert_element_type3A_9 = arith.sitofp %convert_element_type3A : vector<128x10240xi32> to vector<128x10240xf32>
    %dot_general3A = arith.constant dense<0.000000e+00> : vector<128x128xf32>
    %dot_general3A_10 = tpu.matmul %convert_element_type3A_9, %add3A, %dot_general3A {dimension_numbers = #tpu.dot_dimension_numbers<[1], [0], [0], [1], [0, 0, 1, 1], [], []>, precision = #tpu.contract_precision<fp32>, transpose_lhs_hint = false} : vector<128x10240xf32>, vector<10240x128xf32>, vector<128x128xf32> -> vector<128x128xf32>
    %slice3A = vector.extract_strided_slice %dot_general3A_10 {offsets = [0, 0], sizes = [128, 64], strides = [1, 1]} : vector<128x128xf32> to vector<128x64xf32>
    %get3A_11 = arith.constant 0 : index
    %get3A_12 = arith.constant 0 : index
    %get3A_13 = vector.load %arg3[%get3A_11, %get3A_12] : memref<64x64xf32, #tpu.memory_space<vmem>>, vector<64x64xf32>
    %dot_general3A_14 = arith.constant dense<0.000000e+00> : vector<128x64xf32>
    %dot_general3A_15 = tpu.matmul %slice3A, %get3A_13, %dot_general3A_14 {dimension_numbers = #tpu.dot_dimension_numbers<[1], [0], [0], [1], [0, 0, 1, 1], [], []>, transpose_lhs_hint = false} : vector<128x64xf32>, vector<64x64xf32>, vector<128x64xf32> -> vector<128x64xf32>
    %get3A_16 = arith.constant 0 : index
    %get3A_17 = arith.constant 0 : index
    %get3A_18 = vector.load %arg4[%get3A_16, %get3A_17] : memref<1x64xf32, #tpu.memory_space<vmem>>, vector<1x64xf32>
    %add3A_19 = vector.broadcast %get3A_18 : vector<1x64xf32> to vector<128x64xf32>
    %add3A_20 = arith.addf %dot_general3A_15, %add3A_19 : vector<128x64xf32>
    %max3A = arith.constant 0.000000e+00 : f32
    %max3A_21 = vector.broadcast %max3A : f32 to vector<128x64xf32>
    %max3A_22 = arith.maximumf %add3A_20, %max3A_21 : vector<128x64xf32>
    %get3A_23 = arith.constant 0 : index
    %get3A_24 = arith.constant 0 : index
    %get3A_25 = vector.load %arg5[%get3A_23, %get3A_24] : memref<64x1xf32, #tpu.memory_space<vmem>>, vector<64x1xf32>
    %dot_general3A_26 = arith.constant dense<0.000000e+00> : vector<128x1xf32>
    %dot_general3A_27 = tpu.matmul %max3A_22, %get3A_25, %dot_general3A_26 {dimension_numbers = #tpu.dot_dimension_numbers<[1], [0], [0], [1], [0, 0, 1, 1], [], []>, transpose_lhs_hint = false} : vector<128x64xf32>, vector<64x1xf32>, vector<128x1xf32> -> vector<128x1xf32>
    %get3A_28 = arith.constant 0 : index
    %get3A_29 = arith.constant 0 : index
    %get3A_30 = vector.load %arg6[%get3A_28, %get3A_29] : memref<1x1xf32, #tpu.memory_space<vmem>>, vector<1x1xf32>
    %add3A_31 = vector.broadcast %get3A_30 : vector<1x1xf32> to vector<128x1xf32>
    %add3A_32 = arith.addf %dot_general3A_27, %add3A_31 : vector<128x1xf32>
    %swap3A = arith.constant 0 : index
    %swap3A_33 = arith.constant 0 : index
    %swap3A_34 = vector.load %arg7[%swap3A, %swap3A_33] : memref<128x1xf32, #tpu.memory_space<vmem>>, vector<128x1xf32>
    tpu.vector_store %arg7[%swap3A, %swap3A_33], %add3A_32 {strides = array<i32>} : memref<128x1xf32, #tpu.memory_space<vmem>>, vector<128x1xf32>,
    return
  }
}

</mosaic_0001>

<sc_bundles>
// kernel: kernel.17.cloned.1.call-start
scs
__scs_entry_jumppad:
0x0: {  	(pc) =	sbr.rel $0x88, $3  }
0x1: {  	(tag) =	ssettag $0x0;
	lr =	simm.s32 $0x1  }
0x2: {  	[smem:$0x3F8B] =	sst lr;
	_ =	strace $0xD0000000  }
0x3: {  	_ = 	snop  }
0x4: {  	_ = 	snop  }
0x5: {  	_ = 	snop  }
0x6: {  	_ = 	snop  }
0x7: {  	_ = 	snop  }
__scs_overlays_trampoline_lowered:
0x8: {  	[smem:$0x3F9A] =	sst s0  }
0x9: {  	[smem:$0x3F9B] =	sst s1  }
0xa: {  	[smem:$0x3F9C] =	sst s2  }
0xb: {  	[smem:$0x3F9D] =	sst s3  }
0xc: {  	[smem:$0x3F9E] =	sst s4  }
0xd: {  	[smem:$0x3F9F] =	sst s5  }
0xe: {  	[smem:$0x3FA0] =	sst s6  }
0xf: {  	[smem:$0x3FA1] =	sst s7  }
0x10: {  	[smem:$0x3FA2] =	sst s8  }
0x11: {  	[smem:$0x3FA3] =	sst s9;
	s0 =	simm.s32 @!p0 $0x0  }
0x12: {  	s1 =	sld [smem:$0x3F89];
	s0 =	simm.s32 @p0 $0x1  }
0x13: {  	[smem:$0x3FA4] =	sst s0;
	s0 =	simm.s32 @!p1 $0x0  }
0x14: {  	s2 =	sld [smem:$0x3F88];
	s0 =	simm.s32 @p1 $0x1  }
0x15: {  	[smem:$0x3FA5] =	sst s0;
	s0 =	simm.s32 @!p2 $0x0  }
0x16: {  	s3 =	sld [smem:$0x3FDB];
	s0 =	simm.s32 @p2 $0x1  }
0x17: {  	s4 =	simm.s32 $0x1BF5;
	[smem:$0x3FA7] =	sst s0  }
0x18: {  	s0 =	sld [smem:$0x3F8A];
	_ =	swait.ge [sflag:s4], $0x0  }
0x19: {  	s7 =	sld [smem:$0x3F8B]  }
0x1a: {  	s8 =	sadd.s32 $0xFFFFE003, lr  }
0x1b: {  	s9 =	sadd.s32 $0xFFFFFEF7, lr;
	s5 =	simm.s32 $0xFFFFFFFF;
	p2 =	slt.u32 s8, $0xFFFFF086  }
0x1c: {  	p1 =	slt.u32 s9, $0xF7A;
	s5 =	simm.s32 @!p2 $0x0  }
0x1d: {  	s5 =	simm.s32 @p1 $0x1;
	p0 =	seq.s32 s7, s2  }
0x1e: {  	s7 =	smul.u32 @!p0 $0xF7A, s2;
	p2 =	seq.s32 @!p0 s5, $0x0  }
0x1f: {  	s9 =	smul.u32 $0xF7A, s1;
	s8 =	simm.s32 @!p0 $0x1BF5;
	p2 =	por !p2, p0  }
0x20: {  	[sflag:s8] =	ssyncset.s32 @!p0 $0xFFFFF086;
	s6 =	sadd.s32 @!p0 s3, s7;
	s7 =	simm.s32 @!p0 $0x108  }
0x21: {  	s3 =	sadd.s32 s3, s9;
	s6 =	sadd.s32 @!p0 $0x88, s6;
	s7 =	simm.s32 @p2 $0x1082  }
0x22: {  	[simem:s7], [sflag:s8] =	dma.local @!p0 [hbm:s6], $0xF7A  }
0x23: {  	s9 =	sor.u32 $0xD0000000, s2;
	s6 =	simm.s32 $0x108;
	_ =	swait.ge @!p0 [sflag:s8], $0x0  }
0x24: {  	s3 =	sadd.s32 $0x88, s3;
	s6 =	simm.s32 @!p1 $0x1082;
	[sflag:s4] =	ssyncset.s32 $0xFFFFF086  }
0x25: {  	[simem:s6], [sflag:s4] =	dma.local [hbm:s3], $0xF7A  }
0x26: {  	[smem:$0x3F8B] =	sst s1;
	(tag) =	ssettag s2;
	_ =	strace s9  }
0x27: {  	s1 =	sld [smem:$0x3F9B]  }
0x28: {  	s2 =	sld [smem:$0x3F9C]  }
0x29: {  	s4 =	sld [smem:$0x3F9E]  }
0x2a: {  	p0 =	seq.s32 s5, $0x0;
	s5 =	sld [smem:$0x3F9F]  }
0x2b: {  	s6 =	sld [smem:$0x3FA0]  }
0x2c: {  	s7 =	sld [smem:$0x3FA1]  }
0x2d: {  	s3 =	simm.s32 $0x108;
	s8 =	sld [smem:$0x3FA2]  }
0x2e: {  	s3 =	simm.s32 @!p0 $0x1082;
	s9 =	sld [smem:$0x3FA3]  }
0x2f: {  	lr =	sadd.s32 s0, s3;
	s0 =	sld [smem:$0x3F9A]  }
0x30: {  	s3 =	sld [smem:$0x3F9D]  }
0x31: {  	[smem:$0x3FA6] =	sst s10  }
0x32: {  	s10 =	sld [smem:$0x3FA4];
	_ =	sdelay $0x3  }
0x33: {  	p0 =	seq.s32 s10, $0x1;
	s10 =	sld [smem:$0x3FA6];
	_ =	sdelay $0x3  }
0x34: {  	[smem:$0x3FA6] =	sst s10  }
0x35: {  	s10 =	sld [smem:$0x3FA5];
	_ =	sdelay $0x3  }
0x36: {  	p1 =	seq.s32 s10, $0x1;
	s10 =	sld [smem:$0x3FA6];
	_ =	sdelay $0x3  }
0x37: {  	[smem:$0x3FA6] =	sst s10  }
0x38: {  	s10 =	sld [smem:$0x3FA7]  }
0x39: {  	_ = 	snop;
	(pc) =	sbr.ind lr, $3  }
0x3a: {  	_ = 	snop  }
0x3b: {  	_ = 	snop  }
0x3c: {  	p2 =	seq.s32 s10, $0x1;
	s10 =	sld [smem:$0x3FA6]  }
0x3d: {  	_ =	shalt  }
0x3e: {  	_ =	shalt  }
0x3f: {  	_ =	shalt  }
0x40: {  	_ =	shalt  }
0x41: {  	_ =	shalt  }
0x42: {  	_ =	shalt  }
0x43: {  	_ =	shalt  }
0x44: {  	_ =	shalt  }
0x45: {  	_ =	shalt  }
0x46: {  	_ =	shalt  }
0x47: {  	_ =	shalt  }
0x48: {  	_ =	shalt  }
0x49: {  	_ =	shalt  }
0x4a: {  	_ =	shalt  }
0x4b: {  	_ =	shalt  }
0x4c: {  	_ =	shalt  }
0x4d: {  	_ =	shalt  }
0x4e: {  	_ =	shalt  }
0x4f: {  	_ =	shalt  }
0x50: {  	_ =	shalt  }
0x51: {  	_ =	shalt  }
0x52: {  	_ =	shalt  }
0x53: {  	_ =	shalt  }
0x54: {  	_ =	shalt  }
0x55: {  	_ =	shalt  }
0x56: {  	_ =	shalt  }
0x57: {  	_ =	shalt  }
0x58: {  	_ =	shalt  }
0x59: {  	_ =	shalt  }
0x5a: {  	_ =	shalt  }
0x5b: {  	_ =	shalt  }
0x5c: {  	_ =	shalt  }
0x5d: {  	_ =	shalt  }
0x5e: {  	_ =	shalt  }
0x5f: {  	_ =	shalt  }
0x60: {  	_ =	shalt  }
0x61: {  	_ =	shalt  }
0x62: {  	_ =	shalt  }
0x63: {  	_ =	shalt  }
0x64: {  	_ =	shalt  }
0x65: {  	_ =	shalt  }
0x66: {  	_ =	shalt  }
0x67: {  	_ =	shalt  }
0x68: {  	_ =	shalt  }
0x69: {  	_ =	shalt  }
0x6a: {  	_ =	shalt  }
0x6b: {  	_ =	shalt  }
0x6c: {  	_ =	shalt  }
0x6d: {  	_ =	shalt  }
0x6e: {  	_ =	shalt  }
0x6f: {  	_ =	shalt  }
0x70: {  	_ =	shalt  }
0x71: {  	_ =	shalt  }
0x72: {  	_ =	shalt  }
0x73: {  	_ =	shalt  }
0x74: {  	_ =	shalt  }
0x75: {  	_ =	shalt  }
0x76: {  	_ =	shalt  }
0x77: {  	_ =	shalt  }
0x78: {  	_ =	shalt  }
0x79: {  	_ =	shalt  }
0x7a: {  	_ =	shalt  }
0x7b: {  	_ =	shalt  }
0x7c: {  	_ =	shalt  }
0x7d: {  	_ =	shalt  }
0x7e: {  	_ =	shalt  }
0x7f: {  	_ =	shalt  }
0x80: {  	_ =	shalt  }
0x81: {  	_ =	shalt  }
0x82: {  	_ =	shalt  }
0x83: {  	_ =	shalt  }
0x84: {  	_ =	shalt  }
0x85: {  	_ =	shalt  }
0x86: {  	_ =	shalt  }
0x87: {  	_ =	shalt  }
.Lfunc_end0:
.L_simem_size_0:
called_computation_lowered:
.L_overlay_start_0:
0x88: {  	s2 =	sld [smem:$0x3FD9]  }
0x89: {  	s3 =	sld [smem:$0x3FFE];
	_ =	sdelay $0x1  }
0x8a: {  	s1 =	srdreg.scid  }
0x8b: {  	s0 =	sand.u32 $0x1, s1  }
0x8c: {  	s16 =	sshll.u32 s0, $0xA;
	s2 =	sadd.s32 s3, s2  }
0x8d: {  	s2 =	sadd.s32 s2, s16  }
0x8e: {  	[smem:$0x3FB2] =	sst s2  }
0x8f: {  	_ = 	snop  }
0x90: {  	(tm) =	ssettm $0x1  }
0x91: {  	s17 =	sld [smem:$0x3FFB];
	_ =	sdelay $0x3  }
0x92: {  	_ =	strace s17  }
0x93: {  	s2 =	sld [smem:$0x3FFC];
	_ =	sdelay $0x3  }
0x94: {  	_ =	strace s2  }
0x95: {  	s2 =	sld [smem:$0x3FFD];
	_ =	sdelay $0x3  }
0x96: {  	_ =	strace s2  }
0x97: {  	_ =	strace $0x8FFFFFFF  }
0x98: {  	s18 =	sld [smem:$0x3FDB];
	_ =	sdelay $0x1  }
0x99: {  	s19 =	simm.s32 $_scs_section_size  }
0x9a: {  	s4 =	simm.s32 $_size__tile_overlayer_lowered;
	s5 =	simm.s32 $_tile_overlayer_lowered  }
0x9b: {  	s22 =	simm.s32 $0x1BFF;
	s21 =	sshll.u32 s5, $0x1;
	s2 =	sadd.s32 s19, s18  }
0x9c: {  	s6 =	simm.s32 $0x0;
	s20 =	sshll.u32 s4, $0x1;
	s4 =	sadd.s32 s21, s2  }
0x9d: {  	[timem:s6], [sflag:s22] =	dma.local [hbm:s4], s20  }
0x9e: {  	_ =	swait.ge [sflag:s22], s20  }
0x9f: {  	s3 =	ssub.s32 $0x0, s20;
	[sflag:s22] =	ssyncset.done $0x0  }
0xa0: {  	[sflag:s22] =	ssyncadd.s32 s3;
	_ =	sdelay $0x1  }
0xa1: {  	s23 =	simm.s32 $0x1B8B  }
0xa2: {  	_ =	swait.ge [sflag:s23], $0x1  }
0xa3: {  	[sflag:s23] =	ssyncset.done $0x0  }
0xa4: {  	s25 =	simm.s32 $0x1B8E;
	s24 =	sld [smem:$0x3FFE];
	[sflag:s23] =	ssyncadd.s32 $0xFFFFFFFF  }
0xa5: {  	s26 =	simm.s32 $execute0_lowered;
	[smem:$0x3FD2] =	sst s25  }
0xa6: {  	s4 =	sshll.u32 s26, $0x1;
	_ =	strace $0x80000046;
	[dreg:$0x1] =	wrdreg $0xFFFFFFFF  }
0xa7: {  	s28 =	simm.s32 $_size_execute0_lowered;
	s2 =	sadd.s32 s2, s4;
	[dreg:$0x0] =	wrdreg $0x0  }
0xa8: {  	s4 =	sshll.u32 s28, $0x1;
	[dreg:$0x2] =	wrdreg s2  }
0xa9: {  	[dreg:$0x3] =	wrdreg s4  }
0xaa: {  	[dreg:$0x4] =	wrdreg $0xC0  }
0xab: {  	_ =	task [dreg:s6], $0x5FFFF  }
0xac: {  	[dreg:$0x1] =	wrdreg $0xFFFFFFFF  }
0xad: {  	[dreg:$0x0] =	wrdreg $0x60  }
0xae: {  	[dreg:$0x2] =	wrdreg s24  }
0xaf: {  	[dreg:$0x3] =	wrdreg $0x9  }
0xb0: {  	_ =	task.clear_ibuf [dreg:s6], $0x4FFFF;
	_ =	strace $0x90000046  }
0xb1: {  	s29 =	simm.s32 $0x9;
	_ =	strace $0x80000048  }
0xb2: {  	_ =	swait.ge [sflag:s29], $0x1  }
0xb3: {  	[sflag:s29] =	ssyncadd.s32 $0xFFFFFFFF  }
0xb4: {  	_ =	strace $0x90000048  }
0xb5: {  	_ =	sfence  }
0xb6: {  	s30 =	sld [smem:$0x0];
	_ =	sdelay $0x2  }
0xb7: {  	s31 =	sshll.u32 s1, $0xD;
	s1 =	sshrl.u32 s1, $0x2  }
0xb8: {  	s3 =	sand.u32 $0x4000, s31;
	s1 =	sadd.s32 s1, s30  }
0xb9: {  	s0 =	sor.u32 s3, s0;
	s1 =	sshll.u32 s1, $0x11  }
0xba: {  	s0 =	sor.u32 s1, s0  }
0xbb: {  	s0 =	sadd.s32 $0x8F2B, s0  }
0xbc: {  	[sflag:s0] =	ssyncadd.remote.s32 $0x1  }
0xbd: {  	_ =	sfence.sel $0xFFFF  }
0xbe: {  	[dreg:$0x0] =	wrdreg $0xFFFFFFFF;
	(pc) =	sbr.abs _section_cstart, $3  }
0xbf: {  	[dreg:$0x1] =	wrdreg $0xFFFFFFFF  }
0xc0: {  	_ =	task.clear_ibuf [dreg:s6], $0x2FFFF;
	_ =	strace $0x9FFFFFFF  }
0xc1: {  	(tm) =	ssettm $0x7FFFFFFF  }
tec
execute0_lowered:
.L_overlay_start_1:
0x0: {  	(tag) =	ssettag $0x1  }
0x1: {  	s5 =	rddreg [dreg:$0x0]  }
0x2: {  	s0 =	rddreg [dreg:$0x1]  }
0x3: {  	s1 =	stileid.u32;
	s3 =	srdreg.scid;
	s2 =	simm.s32 $0x0  }
0x4: {  	s11 =	simm.s32 $0x3;
	s12 =	simm.s32 $0x3C00;
	s13 =	simm.s32 $0x80  }
0x5: {  	s14 =	simm.s32 $0x7800;
	s15 =	simm.s32 $0xB800;
	s4 =	smul.u32 $0x28, s1  }
0x6: {  	s16 =	simm.s32 $0x0;
	s6 =	sand.u32 $0x1, s3;
	s7 =	smul.u32 $0x78, s1  }
0x7: {  	[smem:$0x7FF] =	sst s2;
	s3 =	sadd.s32 $0x5DA00, s5;
	p0 =	seq.s32 s6, $0x0  }
0x8: {  	_ =	strace $0x80000047;
	s6 =	ssub.s32 $0x2, s6;
	s4 =	sadd.s32 $0x780, s4  }
0x9: {  	s9 =	sshrl.u32 s6, $0x1;
	s7 =	smov.u32 @p0 s4;
	s4 =	sadd.s32 $0x85A00, s5  }
0xa: {  	s9 =	ssub.s32 s6, s9;
	s8 =	sshll.u32 s7, $0x4;
	s7 =	sshll.u32 s7, $0xB  }
0xb: {  	s8 =	sadd.s32 s8, s5;
	s10 =	sadd.s32 s7, s5;
	s5 =	simm.s32 $0x14  }
0xc: {  	s5 =	simm.s32 @!p0 $0x3C;
	s6 =	sadd.s32 $0x20E00, s8;
	s7 =	sadd.s32 $0x2B400, s8  }
0xd: {  	s8 =	smax.u32 s9, $0x1;
	s9 =	sadd.s32 $0xADA00, s10;
	s10 =	sadd.s32 $0x5ADA00, s10  }
.LBB2_1:
0xe: {  	[tilespmem:s2], [sflag:$0x3] =	stream.linear.gather [hbm4b:s6+s2], $0x3C00, $0x38;
	[tilespmem:$0x17800] =	vst v63  }
0xf: {  	_ =	swait.ge [sflag:s11], $0x3C00  }
0x10: {  	[sflag:s11] =	ssyncset.done $0x0  }
0x11: {  	[sflag:s11] =	ssyncadd.s32 $0xFFFFC400  }
0x12: {  	[tilespmem:s12], [sflag:$0x3] =	stream.linear.gather [hbm4b:s7+s2], $0x3C00, $0x38;
	[tilespmem:$0x17800] =	vst v63  }
0x13: {  	_ =	swait.ge [sflag:s11], $0x3C00  }
0x14: {  	[sflag:s11] =	ssyncset.done $0x0  }
0x15: {  	p0 =	sgt.u32 s5, $0x0;
	[sflag:s11] =	ssyncadd.s32 $0xFFFFC400  }
0x16: {  	[tilespmem:s14], [sflag:$0x1] =	stream.indirect.gather [hbm4b:s3+s13], $0x80, s2, s13, $0xb8;
	[tilespmem:$0x17800] =	vst v63  }
0x17: {  	p0 =	por p0, p0  }
0x18: {  	[tilespmem:s15], [sflag:$0x1] =	stream.indirect.gather [hbm4b:s3+s13], $0x80, s13, s13, $0xb8;
	[tilespmem:$0x17800] =	vst v63  }
0x19: {  	s17 =	simm.s32 @p0 $0x3C00;
	s18 =	simm.s32 @p0 $0x80;
	s20 =	simm.s32 @p0 $0xF800  }
0x1a: {  	[tilespmem:s20], [sflag:$0x2] =	stream.indirect.gather @p0 [hbm4b:s4+s18], $0x80, s17, s18, $0xb8;
	[tilespmem:$0x17800] =	vst v63  }
0x1b: {  	s19 =	simm.s32 @p0 $0x13800;
	s21 =	simm.s32 @p0 $0x1;
	s17 =	simm.s32 @p0 $0x3C80  }
0x1c: {  	[tilespmem:s19], [sflag:$0x2] =	stream.indirect.gather @p0 [hbm4b:s4+s18], $0x80, s17, s18, $0xb8;
	[tilespmem:$0x17800] =	vst v63  }
0x1d: {  	_ =	swait.ge @p0 [sflag:s21], $0x8000  }
0x1e: {  	p1 =	sle.u32 @p0 s5, $0x1;
	s22 =	simm.s32 @p0 $0x0;
	[sflag:s21] =	ssyncset.done @p0 $0x0  }
0x1f: {  	s17 =	simm.s32 @p0 $0x4;
	s18 =	simm.s32 @p0 $0x7800;
	[sflag:s21] =	ssyncadd.s32 @p0 $0xFFFF8000  }
0x20: {  	[hbm4b:s9+s22] =	stream.linear.scatter @p0 [tilespmem:s18], [sflag:$0x4], $0x8000, $0x38;
	[tilespmem:$0x17800] =	vst v63  }
0x21: {  	p1 =	por p1, !p0;
	_ =	swait.ge @p0 [sflag:s17], $0x8000  }
0x22: {  	s19 =	simm.s32 @!p1 $0x80;
	[sflag:s17] =	ssyncset.done @p0 $0x0  }
0x23: {  	s18 =	simm.s32 @!p1 $0x7800;
	[sflag:s17] =	ssyncadd.s32 @p0 $0xFFFF8000;
	s17 =	simm.s32 @!p1 $0x100  }
0x24: {  	[tilespmem:s18], [sflag:$0x1] =	stream.indirect.gather @!p1 [hbm4b:s3+s19], $0x80, s17, s19, $0xb8;
	[tilespmem:$0x17800] =	vst v63  }
0x25: {  	s23 =	simm.s32 @p0 $0x2;
	s17 =	simm.s32 @!p1 $0x180;
	s18 =	simm.s32 @!p1 $0xB800  }
0x26: {  	[tilespmem:s18], [sflag:$0x1] =	stream.indirect.gather @!p1 [hbm4b:s3+s19], $0x80, s17, s19, $0xb8;
	[tilespmem:$0x17800] =	vst v63  }
0x27: {  	p2 =	sgt.u32 s5, $0x1;
	_ =	swait.ge @p0 [sflag:s23], $0x8000  }
0x28: {  	s24 =	simm.s32 @p0 $0x1;
	s21 =	simm.s32 $0x800;
	[sflag:s23] =	ssyncset.done @p0 $0x0  }
0x29: {  	s19 =	simm.s32 $0x400;
	[sflag:s23] =	ssyncadd.s32 @p0 $0xFFFF8000;
	s23 =	simm.s32 @p0 $0x3  }
0x2a: {  	[hbm4b:s10+s22] =	stream.linear.scatter @p0 [tilespmem:s20], [sflag:$0x3], $0x8000, $0x38;
	[tilespmem:$0x17800] =	vst v63  }
0x2b: {  	s17 =	sadd.s32 $0x1000, s10;
	s18 =	sadd.s32 $0x1000, s9;
	_ =	swait.ge @p0 [sflag:s23], $0x8000  }
0x2c: {  	s20 =	simm.s32 $0x2;
	s22 =	simm.s32 @!p0 $0x1;
	[sflag:s23] =	ssyncset.done @p0 $0x0  }
.LBB2_2:
0x2d: {  	s25 =	sshra.s32 @p2 s19, $0x2;
	[sflag:s23] =	ssyncadd.s32 @p0 $0xFFFF8000;
	s22 =	smov.u32 @p0 s24  }
0x2e: {  	s23 =	smov.u32 s21;
	s24 =	smov.u32 s17;
	p0 =	por p2, p2  }
0x2f: {  	s26 =	sadd.s32 @p0 $0x3C00, s25;
	s28 =	simm.s32 @p0 $0x80;
	s29 =	simm.s32 @p0 $0xF800  }
0x30: {  	[tilespmem:s29], [sflag:$0x2] =	stream.indirect.gather @p0 [hbm4b:s4+s28], $0x80, s26, s28, $0xb8;
	[tilespmem:$0x17800] =	vst v63  }
0x31: {  	s25 =	sadd.s32 @p0 $0x3C80, s25;
	s30 =	simm.s32 @p0 $0x1;
	s26 =	simm.s32 @p0 $0x13800  }
0x32: {  	[tilespmem:s26], [sflag:$0x2] =	stream.indirect.gather @p0 [hbm4b:s4+s28], $0x80, s25, s28, $0xb8;
	[tilespmem:$0x17800] =	vst v63  }
0x33: {  	s21 =	sadd.s32 $0x400, s21;
	_ =	swait.ge @p0 [sflag:s30], $0x8000  }
0x34: {  	p2 =	sge.u32 @p0 s20, s5;
	s25 =	simm.s32 @p0 $0x4;
	[sflag:s30] =	ssyncset.done @p0 $0x0  }
0x35: {  	s26 =	simm.s32 @p0 $0x0;
	s28 =	simm.s32 @p0 $0x7800;
	[sflag:s30] =	ssyncadd.s32 @p0 $0xFFFF8000  }
0x36: {  	[hbm4b:s18+s26] =	stream.linear.scatter @p0 [tilespmem:s28], [sflag:$0x4], $0x8000, $0x38;
	[tilespmem:$0x17800] =	vst v63  }
0x37: {  	p1 =	sne.s32 s21, $0xF000;
	p2 =	por p2, !p0;
	_ =	swait.ge @p0 [sflag:s25], $0x8000  }
0x38: {  	s19 =	sshra.s32 @!p2 s19, $0x2;
	s28 =	simm.s32 @!p2 $0x7800;
	[sflag:s25] =	ssyncset.done @p0 $0x0  }
0x39: {  	s30 =	simm.s32 @!p2 $0x80;
	[sflag:s25] =	ssyncadd.s32 @p0 $0xFFFF8000;
	s25 =	sadd.s32 @!p2 $0x100, s19  }
0x3a: {  	[tilespmem:s28], [sflag:$0x1] =	stream.indirect.gather @!p2 [hbm4b:s3+s30], $0x80, s25, s30, $0xb8;
	[tilespmem:$0x17800] =	vst v63  }
0x3b: {  	s19 =	sadd.s32 @!p2 $0x180, s19;
	s25 =	simm.s32 @!p2 $0xB800;
	s28 =	simm.s32 @p0 $0x2  }
0x3c: {  	[tilespmem:s25], [sflag:$0x1] =	stream.indirect.gather @!p2 [hbm4b:s3+s30], $0x80, s19, s30, $0xb8;
	[tilespmem:$0x17800] =	vst v63  }
0x3d: {  	s17 =	sadd.s32 $0x1000, s17;
	s19 =	smov.u32 s23;
	_ =	swait.ge @p0 [sflag:s28], $0x8000  }
0x3e: {  	s20 =	sadd.s32 $0x1, s20;
	s18 =	sadd.s32 $0x1000, s18;
	[sflag:s28] =	ssyncset.done @p0 $0x0  }
.Ltmp0:
0x3f: {  	s23 =	simm.s32 @p0 $0x3;
	[sflag:s28] =	ssyncadd.s32 @p0 $0xFFFF8000;
	(pc) =	sbr.rel @p1 .LBB2_2-.Ltmp0, $4  }
0x40: {  	[hbm4b:s24+s26] =	stream.linear.scatter @p0 [tilespmem:s29], [sflag:$0x3], $0x8000, $0x38;
	[tilespmem:$0x17800] =	vst v63  }
0x41: {  	s24 =	sadd.s32 $0xFFFFFFFF, s20  }
0x42: {  	s25 =	sadd.s32 @!p0 $0x1, s22;
	_ =	swait.ge @p0 [sflag:s23], $0x8000;
	p2 =	slt.u32 s24, s5  }
0x43: {  	s24 =	sadd.s32 @p0 $0x1, s22;
	s22 =	smov.u32 s25;
	[sflag:s23] =	ssyncset.done @p0 $0x0  }
0x44: {  	s21 =	sshra.s32 @p2 s19, $0x2;
	[sflag:s23] =	ssyncadd.s32 @p0 $0xFFFF8000;
	p0 =	por p2, p2  }
0x45: {  	s22 =	sadd.s32 @p0 $0x3C00, s21;
	s23 =	simm.s32 @p0 $0x80;
	s24 =	simm.s32 @p0 $0xF800  }
0x46: {  	[tilespmem:s24], [sflag:$0x2] =	stream.indirect.gather @p0 [hbm4b:s4+s23], $0x80, s22, s23, $0xb8;
	[tilespmem:$0x17800] =	vst v63  }
0x47: {  	s21 =	sadd.s32 @p0 $0x3C80, s21;
	s25 =	simm.s32 @p0 $0x1;
	s22 =	simm.s32 @p0 $0x13800  }
0x48: {  	[tilespmem:s22], [sflag:$0x2] =	stream.indirect.gather @p0 [hbm4b:s4+s23], $0x80, s21, s23, $0xb8;
	[tilespmem:$0x17800] =	vst v63  }
0x49: {  	_ =	swait.ge @p0 [sflag:s25], $0x8000  }
0x4a: {  	p1 =	sge.u32 @p0 s20, s5;
	s20 =	simm.s32 @p0 $0x0;
	[sflag:s25] =	ssyncset.done @p0 $0x0  }
0x4b: {  	s21 =	simm.s32 @p0 $0x4;
	s22 =	simm.s32 @p0 $0x7800;
	[sflag:s25] =	ssyncadd.s32 @p0 $0xFFFF8000  }
0x4c: {  	[hbm4b:s18+s20] =	stream.linear.scatter @p0 [tilespmem:s22], [sflag:$0x4], $0x8000, $0x38;
	[tilespmem:$0x17800] =	vst v63  }
0x4d: {  	p1 =	por p1, !p0;
	_ =	swait.ge @p0 [sflag:s21], $0x8000  }
0x4e: {  	s18 =	sshra.s32 @!p1 s19, $0x2;
	s19 =	simm.s32 @!p1 $0x7800;
	[sflag:s21] =	ssyncset.done @p0 $0x0  }
0x4f: {  	s22 =	simm.s32 @!p1 $0x80;
	[sflag:s21] =	ssyncadd.s32 @p0 $0xFFFF8000;
	s21 =	sadd.s32 @!p1 $0x100, s18  }
0x50: {  	[tilespmem:s19], [sflag:$0x1] =	stream.indirect.gather @!p1 [hbm4b:s3+s22], $0x80, s21, s22, $0xb8;
	[tilespmem:$0x17800] =	vst v63  }
0x51: {  	s18 =	sadd.s32 @!p1 $0x180, s18;
	s19 =	simm.s32 @!p1 $0xB800;
	s21 =	simm.s32 @p0 $0x2  }
0x52: {  	[tilespmem:s19], [sflag:$0x1] =	stream.indirect.gather @!p1 [hbm4b:s3+s22], $0x80, s18, s22, $0xb8;
	[tilespmem:$0x17800] =	vst v63  }
0x53: {  	s16 =	sadd.s32 $0x1, s16;
	_ =	swait.ge @p0 [sflag:s21], $0x8000  }
0x54: {  	p1 =	sne.s32 s16, s8;
	[sflag:s21] =	ssyncset.done @p0 $0x0  }
.Ltmp1:
0x55: {  	s18 =	simm.s32 @p0 $0x3;
	[sflag:s21] =	ssyncadd.s32 @p0 $0xFFFF8000;
	(pc) =	sbr.rel @p1 .LBB2_1-.Ltmp1, $4  }
0x56: {  	[hbm4b:s17+s20] =	stream.linear.scatter @p0 [tilespmem:s24], [sflag:$0x3], $0x8000, $0x38;
	[tilespmem:$0x17800] =	vst v63  }
0x57: {  	_ =	swait.ge @p0 [sflag:s18], $0x8000  }
0x58: {  	[sflag:s18] =	ssyncset.done @p0 $0x0  }
0x59: {  	[sflag:s18] =	ssyncadd.s32 @p0 $0xFFFF8000  }
0x5a: {  	_ =	sfence.sel $0x180000  }
0x5b: {  	[bflag:$0x0] =	sbarrier.arrive $0xFFFF  }
0x5c: {  	p0 =	sne.s32 s1, $0x0;
	_ =	strace $0x90000047  }
0x5d: {  	s0 =	sadd.s32 @!p0 $0x100000, s0;
	[bflag:$0x2] =	sbarrier.arrive $0xFFFF  }
0x5e: {  	[sflag:s0] =	ssyncadd.tile.s32 @!p0 $0x1;
	_ =	shalt  }
.Lfunc_end2:
_tile_overlayer_lowered:
.L_overlay_start_2:
0x5f: {  	(tag) =	ssettag $0x2  }
0x60: {  	s0 =	rddreg [dreg:$0x0];
	s2 =	stileid.u32  }
0x61: {  	s1 =	rddreg [dreg:$0x1];
	p0 =	sne.s32 s2, $0x0  }
0x62: {  	s3 =	rddreg [dreg:$0x2];
	[bflag:$0x3] =	sbarrier.arrive $0xFFFF;
	s2 =	simm.s32 @!p0 $0x1C03  }
0x63: {  	[timem:s3], [sflag:s2] =	dma.local @!p0 [hbm:s0], s1  }
0x64: {  	s0 =	simm.s32 @!p0 $0x3  }
0x65: {  	_ =	swait.ge @!p0 [sflag:s0], s1  }
0x66: {  	s1 =	ssub.s32 @!p0 $0x0, s1;
	[sflag:s0] =	ssyncset.done @!p0 $0x0  }
0x67: {  	[sflag:s0] =	ssyncadd.s32 @!p0 s1  }
0x68: {  	[bflag:$0x3] =	sbarrier.arrive $0xFFFF  }
0x69: {  	_ =	shalt  }

// kernel: kernel.20.cloned.1.call-start
scs
__scs_entry_jumppad:
0x0: {  	(pc) =	sbr.rel $0x88, $3  }
0x1: {  	(tag) =	ssettag $0x0;
	lr =	simm.s32 $0x1  }
0x2: {  	[smem:$0x3F8B] =	sst lr;
	_ =	strace $0xD0000000  }
0x3: {  	_ = 	snop  }
0x4: {  	_ = 	snop  }
0x5: {  	_ = 	snop  }
0x6: {  	_ = 	snop  }
0x7: {  	_ = 	snop  }
__scs_overlays_trampoline_lowered:
0x8: {  	[smem:$0x3F9A] =	sst s0  }
0x9: {  	[smem:$0x3F9B] =	sst s1  }
0xa: {  	[smem:$0x3F9C] =	sst s2  }
0xb: {  	[smem:$0x3F9D] =	sst s3  }
0xc: {  	[smem:$0x3F9E] =	sst s4  }
0xd: {  	[smem:$0x3F9F] =	sst s5  }
0xe: {  	[smem:$0x3FA0] =	sst s6  }
0xf: {  	[smem:$0x3FA1] =	sst s7  }
0x10: {  	[smem:$0x3FA2] =	sst s8  }
0x11: {  	[smem:$0x3FA3] =	sst s9;
	s0 =	simm.s32 @!p0 $0x0  }
0x12: {  	s1 =	sld [smem:$0x3F89];
	s0 =	simm.s32 @p0 $0x1  }
0x13: {  	[smem:$0x3FA4] =	sst s0;
	s0 =	simm.s32 @!p1 $0x0  }
0x14: {  	s2 =	sld [smem:$0x3F88];
	s0 =	simm.s32 @p1 $0x1  }
0x15: {  	[smem:$0x3FA5] =	sst s0;
	s0 =	simm.s32 @!p2 $0x0  }
0x16: {  	s3 =	sld [smem:$0x3FDB];
	s0 =	simm.s32 @p2 $0x1  }
0x17: {  	s4 =	simm.s32 $0x1BF5;
	[smem:$0x3FA7] =	sst s0  }
0x18: {  	s0 =	sld [smem:$0x3F8A];
	_ =	swait.ge [sflag:s4], $0x0  }
0x19: {  	s7 =	sld [smem:$0x3F8B]  }
0x1a: {  	s8 =	sadd.s32 $0xFFFFE003, lr  }
0x1b: {  	s9 =	sadd.s32 $0xFFFFFEF7, lr;
	s5 =	simm.s32 $0xFFFFFFFF;
	p2 =	slt.u32 s8, $0xFFFFF086  }
0x1c: {  	p1 =	slt.u32 s9, $0xF7A;
	s5 =	simm.s32 @!p2 $0x0  }
0x1d: {  	s5 =	simm.s32 @p1 $0x1;
	p0 =	seq.s32 s7, s2  }
0x1e: {  	s7 =	smul.u32 @!p0 $0xF7A, s2;
	p2 =	seq.s32 @!p0 s5, $0x0  }
0x1f: {  	s9 =	smul.u32 $0xF7A, s1;
	s8 =	simm.s32 @!p0 $0x1BF5;
	p2 =	por !p2, p0  }
0x20: {  	[sflag:s8] =	ssyncset.s32 @!p0 $0xFFFFF086;
	s6 =	sadd.s32 @!p0 s3, s7;
	s7 =	simm.s32 @!p0 $0x108  }
0x21: {  	s3 =	sadd.s32 s3, s9;
	s6 =	sadd.s32 @!p0 $0x88, s6;
	s7 =	simm.s32 @p2 $0x1082  }
0x22: {  	[simem:s7], [sflag:s8] =	dma.local @!p0 [hbm:s6], $0xF7A  }
0x23: {  	s9 =	sor.u32 $0xD0000000, s2;
	s6 =	simm.s32 $0x108;
	_ =	swait.ge @!p0 [sflag:s8], $0x0  }
0x24: {  	s3 =	sadd.s32 $0x88, s3;
	s6 =	simm.s32 @!p1 $0x1082;
	[sflag:s4] =	ssyncset.s32 $0xFFFFF086  }
0x25: {  	[simem:s6], [sflag:s4] =	dma.local [hbm:s3], $0xF7A  }
0x26: {  	[smem:$0x3F8B] =	sst s1;
	(tag) =	ssettag s2;
	_ =	strace s9  }
0x27: {  	s1 =	sld [smem:$0x3F9B]  }
0x28: {  	s2 =	sld [smem:$0x3F9C]  }
0x29: {  	s4 =	sld [smem:$0x3F9E]  }
0x2a: {  	p0 =	seq.s32 s5, $0x0;
	s5 =	sld [smem:$0x3F9F]  }
0x2b: {  	s6 =	sld [smem:$0x3FA0]  }
0x2c: {  	s7 =	sld [smem:$0x3FA1]  }
0x2d: {  	s3 =	simm.s32 $0x108;
	s8 =	sld [smem:$0x3FA2]  }
0x2e: {  	s3 =	simm.s32 @!p0 $0x1082;
	s9 =	sld [smem:$0x3FA3]  }
0x2f: {  	lr =	sadd.s32 s0, s3;
	s0 =	sld [smem:$0x3F9A]  }
0x30: {  	s3 =	sld [smem:$0x3F9D]  }
0x31: {  	[smem:$0x3FA6] =	sst s10  }
0x32: {  	s10 =	sld [smem:$0x3FA4];
	_ =	sdelay $0x3  }
0x33: {  	p0 =	seq.s32 s10, $0x1;
	s10 =	sld [smem:$0x3FA6];
	_ =	sdelay $0x3  }
0x34: {  	[smem:$0x3FA6] =	sst s10  }
0x35: {  	s10 =	sld [smem:$0x3FA5];
	_ =	sdelay $0x3  }
0x36: {  	p1 =	seq.s32 s10, $0x1;
	s10 =	sld [smem:$0x3FA6];
	_ =	sdelay $0x3  }
0x37: {  	[smem:$0x3FA6] =	sst s10  }
0x38: {  	s10 =	sld [smem:$0x3FA7]  }
0x39: {  	_ = 	snop;
	(pc) =	sbr.ind lr, $3  }
0x3a: {  	_ = 	snop  }
0x3b: {  	_ = 	snop  }
0x3c: {  	p2 =	seq.s32 s10, $0x1;
	s10 =	sld [smem:$0x3FA6]  }
0x3d: {  	_ =	shalt  }
0x3e: {  	_ =	shalt  }
0x3f: {  	_ =	shalt  }
0x40: {  	_ =	shalt  }
0x41: {  	_ =	shalt  }
0x42: {  	_ =	shalt  }
0x43: {  	_ =	shalt  }
0x44: {  	_ =	shalt  }
0x45: {  	_ =	shalt  }
0x46: {  	_ =	shalt  }
0x47: {  	_ =	shalt  }
0x48: {  	_ =	shalt  }
0x49: {  	_ =	shalt  }
0x4a: {  	_ =	shalt  }
0x4b: {  	_ =	shalt  }
0x4c: {  	_ =	shalt  }
0x4d: {  	_ =	shalt  }
0x4e: {  	_ =	shalt  }
0x4f: {  	_ =	shalt  }
0x50: {  	_ =	shalt  }
0x51: {  	_ =	shalt  }
0x52: {  	_ =	shalt  }
0x53: {  	_ =	shalt  }
0x54: {  	_ =	shalt  }
0x55: {  	_ =	shalt  }
0x56: {  	_ =	shalt  }
0x57: {  	_ =	shalt  }
0x58: {  	_ =	shalt  }
0x59: {  	_ =	shalt  }
0x5a: {  	_ =	shalt  }
0x5b: {  	_ =	shalt  }
0x5c: {  	_ =	shalt  }
0x5d: {  	_ =	shalt  }
0x5e: {  	_ =	shalt  }
0x5f: {  	_ =	shalt  }
0x60: {  	_ =	shalt  }
0x61: {  	_ =	shalt  }
0x62: {  	_ =	shalt  }
0x63: {  	_ =	shalt  }
0x64: {  	_ =	shalt  }
0x65: {  	_ =	shalt  }
0x66: {  	_ =	shalt  }
0x67: {  	_ =	shalt  }
0x68: {  	_ =	shalt  }
0x69: {  	_ =	shalt  }
0x6a: {  	_ =	shalt  }
0x6b: {  	_ =	shalt  }
0x6c: {  	_ =	shalt  }
0x6d: {  	_ =	shalt  }
0x6e: {  	_ =	shalt  }
0x6f: {  	_ =	shalt  }
0x70: {  	_ =	shalt  }
0x71: {  	_ =	shalt  }
0x72: {  	_ =	shalt  }
0x73: {  	_ =	shalt  }
0x74: {  	_ =	shalt  }
0x75: {  	_ =	shalt  }
0x76: {  	_ =	shalt  }
0x77: {  	_ =	shalt  }
0x78: {  	_ =	shalt  }
0x79: {  	_ =	shalt  }
0x7a: {  	_ =	shalt  }
0x7b: {  	_ =	shalt  }
0x7c: {  	_ =	shalt  }
0x7d: {  	_ =	shalt  }
0x7e: {  	_ =	shalt  }
0x7f: {  	_ =	shalt  }
0x80: {  	_ =	shalt  }
0x81: {  	_ =	shalt  }
0x82: {  	_ =	shalt  }
0x83: {  	_ =	shalt  }
0x84: {  	_ =	shalt  }
0x85: {  	_ =	shalt  }
0x86: {  	_ =	shalt  }
0x87: {  	_ =	shalt  }
.Lfunc_end0:
.L_simem_size_0:
called_computation.1_lowered:
.L_overlay_start_0:
0x88: {  	s2 =	sld [smem:$0x3FD9]  }
0x89: {  	s3 =	sld [smem:$0x3FFE];
	_ =	sdelay $0x1  }
0x8a: {  	s1 =	srdreg.scid  }
0x8b: {  	s0 =	sand.u32 $0x1, s1  }
0x8c: {  	s16 =	sshll.u32 s0, $0xA;
	s2 =	sadd.s32 s3, s2  }
0x8d: {  	s2 =	sadd.s32 s2, s16  }
0x8e: {  	[smem:$0x3FB2] =	sst s2  }
0x8f: {  	_ = 	snop  }
0x90: {  	(tm) =	ssettm $0x1  }
0x91: {  	s17 =	sld [smem:$0x3FFB];
	_ =	sdelay $0x3  }
0x92: {  	_ =	strace s17  }
0x93: {  	s2 =	sld [smem:$0x3FFC];
	_ =	sdelay $0x3  }
0x94: {  	_ =	strace s2  }
0x95: {  	s2 =	sld [smem:$0x3FFD];
	_ =	sdelay $0x3  }
0x96: {  	_ =	strace s2  }
0x97: {  	_ =	strace $0x8FFFFFFF  }
0x98: {  	s18 =	sld [smem:$0x3FDB];
	_ =	sdelay $0x1  }
0x99: {  	s19 =	simm.s32 $_scs_section_size  }
0x9a: {  	s4 =	simm.s32 $_size__tile_overlayer_lowered;
	s5 =	simm.s32 $_tile_overlayer_lowered  }
0x9b: {  	s22 =	simm.s32 $0x1BFF;
	s21 =	sshll.u32 s5, $0x1;
	s2 =	sadd.s32 s19, s18  }
0x9c: {  	s6 =	simm.s32 $0x0;
	s20 =	sshll.u32 s4, $0x1;
	s4 =	sadd.s32 s21, s2  }
0x9d: {  	[timem:s6], [sflag:s22] =	dma.local [hbm:s4], s20  }
0x9e: {  	_ =	swait.ge [sflag:s22], s20  }
0x9f: {  	s3 =	ssub.s32 $0x0, s20;
	[sflag:s22] =	ssyncset.done $0x0  }
0xa0: {  	[sflag:s22] =	ssyncadd.s32 s3;
	_ =	sdelay $0x1  }
0xa1: {  	s23 =	simm.s32 $0x1B8B  }
0xa2: {  	_ =	swait.ge [sflag:s23], $0x1  }
0xa3: {  	[sflag:s23] =	ssyncset.done $0x0  }
0xa4: {  	s25 =	simm.s32 $0x1B8E;
	s24 =	sld [smem:$0x3FFE];
	[sflag:s23] =	ssyncadd.s32 $0xFFFFFFFF  }
0xa5: {  	s26 =	simm.s32 $execute0_lowered;
	[smem:$0x3FD2] =	sst s25  }
0xa6: {  	s4 =	sshll.u32 s26, $0x1;
	_ =	strace $0x80000049;
	[dreg:$0x1] =	wrdreg $0xFFFFFFFF  }
0xa7: {  	s28 =	simm.s32 $_size_execute0_lowered;
	s2 =	sadd.s32 s2, s4;
	[dreg:$0x0] =	wrdreg $0x0  }
0xa8: {  	s4 =	sshll.u32 s28, $0x1;
	[dreg:$0x2] =	wrdreg s2  }
0xa9: {  	[dreg:$0x3] =	wrdreg s4  }
0xaa: {  	[dreg:$0x4] =	wrdreg $0xC0  }
0xab: {  	_ =	task [dreg:s6], $0x5FFFF  }
0xac: {  	[dreg:$0x1] =	wrdreg $0xFFFFFFFF  }
0xad: {  	[dreg:$0x0] =	wrdreg $0x60  }
0xae: {  	[dreg:$0x2] =	wrdreg s24  }
0xaf: {  	[dreg:$0x3] =	wrdreg $0xA8000  }
0xb0: {  	[dreg:$0x4] =	wrdreg $0x9  }
0xb1: {  	_ =	task.clear_ibuf [dreg:s6], $0x5FFFF;
	_ =	strace $0x90000049  }
0xb2: {  	s29 =	simm.s32 $0x9;
	_ =	strace $0x8000004B  }
0xb3: {  	_ =	swait.ge [sflag:s29], $0x1  }
0xb4: {  	[sflag:s29] =	ssyncadd.s32 $0xFFFFFFFF  }
0xb5: {  	_ =	strace $0x9000004B  }
0xb6: {  	_ =	sfence  }
0xb7: {  	s30 =	sld [smem:$0x0];
	_ =	sdelay $0x2  }
0xb8: {  	s31 =	sshll.u32 s1, $0xD;
	s1 =	sshrl.u32 s1, $0x2  }
0xb9: {  	s3 =	sand.u32 $0x4000, s31;
	s1 =	sadd.s32 s1, s30  }
0xba: {  	s0 =	sor.u32 s3, s0;
	s1 =	sshll.u32 s1, $0x11  }
0xbb: {  	s0 =	sor.u32 s1, s0  }
0xbc: {  	s0 =	sadd.s32 $0x8F2B, s0  }
0xbd: {  	[sflag:s0] =	ssyncadd.remote.s32 $0x1  }
0xbe: {  	_ =	sfence.sel $0xFFFF  }
0xbf: {  	[dreg:$0x0] =	wrdreg $0xFFFFFFFF;
	(pc) =	sbr.abs _section_cstart, $3  }
0xc0: {  	[dreg:$0x1] =	wrdreg $0xFFFFFFFF  }
0xc1: {  	_ =	task.clear_ibuf [dreg:s6], $0x2FFFF;
	_ =	strace $0x9FFFFFFF  }
0xc2: {  	(tm) =	ssettm $0x7FFFFFFF  }
0xc3: {  	_ =	shalt  }
tec
execute0_lowered:
.L_overlay_start_1:
0x0: {  	(tag) =	ssettag $0x1  }
0x1: {  	s3 =	rddreg [dreg:$0x0]  }
0x2: {  	s0 =	srdreg.scid;
	s1 =	rddreg [dreg:$0x1]  }
0x3: {  	s19 =	stileid.u32;
	s2 =	simm.s32 $0x0;
	s15 =	simm.s32 $0x6800  }
0x4: {  	s16 =	simm.s32 $0x1;
	s17 =	simm.s32 $0x80;
	s18 =	simm.s32 $0x2  }
0x5: {  	s20 =	simm.s32 $0x2780;
	s4 =	sand.u32 $0x1, s0;
	s0 =	rddreg [dreg:$0x2]  }
0x6: {  	s22 =	simm.s32 $0x0;
	[smem:$0x7FF] =	sst s2;
	s6 =	smul.u32 $0x2800, s19  }
0x7: {  	s11 =	sadd.s32 $0xAADA00, s3;
	s10 =	smul.u32 $0x50000, s19;
	s13 =	sshll.u32 s19, $0x6  }
0x8: {  	s28 =	smul.u32 $0x140000, s19;
	p0 =	sne.s32 s19, $0x0;
	s5 =	sshll.u32 s4, $0x4  }
0x9: {  	_ =	strace $0x8000004A;
	s8 =	smul.u32 $0x28000, s4;
	s9 =	ssub.s32 $0x2, s4  }
0xa: {  	s14 =	smul.u32 $0x1400000, s4;
	s4 =	sor.u32 $0x1C03, s13;
	s21 =	sshrl.u32 @!p0 s1, $0x3  }
0xb: {  	s7 =	sor.u32 s19, s5;
	s6 =	sadd.s32 s6, s3;
	s24 =	sshrl.u32 s9, $0x1  }
0xc: {  	s25 =	sshrl.u32 s10, $0x2;
	s19 =	simm.s32 $0x2700;
	s5 =	smul.u32 $0x500, s7  }
0xd: {  	s8 =	sadd.s32 s8, s3;
	s9 =	ssub.s32 s9, s24;
	s26 =	smul.u32 $0x28000, s7  }
0xe: {  	s12 =	sadd.s32 s25, s1;
	s29 =	smul.u32 $0x140000, s7;
	s30 =	sadd.s32 s28, s14  }
0xf: {  	s14 =	simm.s32 $0x2800;
	s7 =	sadd.s32 $0x85A00, s8;
	s8 =	smax.u32 s9, $0x1  }
0x10: {  	s13 =	sor.u32 $0x8000, s30;
	s9 =	sor.u32 $0x4000, s30;
	s12 =	sshrl.u32 s12, $0x3  }
0x11: {  	s5 =	sadd.s32 s5, s3;
	s3 =	sadd.s32 $0x5DA00, s6;
	s10 =	sshrl.u32 s29, $0x3  }
0x12: {  	s6 =	sadd.s32 s11, s26;
	s13 =	sshrl.u32 s13, $0x3;
	s10 =	sadd.s32 s11, s10  }
0x13: {  	s31 =	sshrl.u32 s9, $0x3;
	s5 =	sadd.s32 $0xCE00, s5;
	s9 =	sadd.s32 $0x27800, s10  }
0x14: {  	s10 =	sadd.s32 s13, s11;
	s11 =	sadd.s32 s31, s11;
	s13 =	simm.s32 $0x3  }
.LBB2_1:
0x15: {  	[spmem:s12], [sflag:s4] =	dma.local [hbm:s3], $0x2800  }
0x16: {  	_ =	swait.ge [sflag:s13], $0x2800  }
0x17: {  	[sflag:s13] =	ssyncset.done $0x0  }
0x18: {  	[sflag:s13] =	ssyncadd.s32 $0xFFFFD800  }
0x19: {  	[bflag:$0x0] =	sbarrier.arrive $0xFFFF  }
0x1a: {  	[tilespmem:s2], [sflag:$0x3] =	stream.linear.gather [hbm4b:s5+s2], $0x2800, $0x38;
	[tilespmem:$0x1E800] =	vst v63  }
0x1b: {  	_ =	swait.ge [sflag:s13], $0x2800  }
0x1c: {  	[sflag:s13] =	ssyncset.done $0x0  }
0x1d: {  	[sflag:s13] =	ssyncadd.s32 $0xFFFFD800  }
0x1e: {  	[tilespmem:s14], [sflag:$0x1] =	stream.linear.gather [hbm4b:s6+s2], $0x4000, $0x38;
	[tilespmem:$0x1E800] =	vst v63  }
0x1f: {  	s23 =	sadd.s32 $0x0, s11  }
0x20: {  	[tilespmem:s15], [sflag:$0x2] =	stream.linear.gather [hbm4b:s23+s2], $0x4000, $0x38;
	[tilespmem:$0x1E800] =	vst v63  }
0x21: {  	_ =	swait.ge [sflag:s16], $0x4000  }
0x22: {  	[sflag:s16] =	ssyncset.done $0x0  }
0x23: {  	[sflag:s16] =	ssyncadd.s32 $0xFFFFC000  }
0x24: {  	[spmem:s1] =	stream.indirect.scatter.add.f32 [tilespmem:s14], [sflag:$0x3], $0x80, s2, s17, $0xb8;
	[tilespmem:$0x1E800] =	vst v63  }
0x25: {  	_ =	swait.ge [sflag:s13], $0x4000  }
0x26: {  	[sflag:s13] =	ssyncset.done $0x0  }
0x27: {  	s30 =	sadd.s32 $0x0, s10;
	[sflag:s13] =	ssyncadd.s32 $0xFFFFC000  }
0x28: {  	[tilespmem:s14], [sflag:$0x1] =	stream.linear.gather [hbm4b:s30+s2], $0x4000, $0x38;
	[tilespmem:$0x1E800] =	vst v63  }
0x29: {  	_ =	swait.ge [sflag:s18], $0x4000  }
0x2a: {  	[sflag:s18] =	ssyncset.done $0x0  }
0x2b: {  	s31 =	simm.s32 $0x80;
	[sflag:s18] =	ssyncadd.s32 $0xFFFFC000  }
0x2c: {  	[spmem:s1] =	stream.indirect.scatter.add.f32 [tilespmem:s15], [sflag:$0x3], $0x80, s31, s17, $0xb8;
	[tilespmem:$0x1E800] =	vst v63  }
0x2d: {  	s24 =	simm.s32 $0x1000;
	_ =	swait.ge [sflag:s13], $0x4000  }
0x2e: {  	s25 =	simm.s32 $0x2000;
	s23 =	simm.s32 $0x100;
	[sflag:s13] =	ssyncset.done $0x0  }
.LBB2_2:
0x2f: {  	s26 =	sadd.s32 s24, s11  }
0x30: {  	[sflag:s13] =	ssyncadd.s32 $0xFFFFC000;
	s28 =	smov.u32 s25;
	s29 =	sadd.s32 $0x1000, s25  }
0x31: {  	[tilespmem:s15], [sflag:$0x2] =	stream.linear.gather [hbm4b:s26+s2], $0x4000, $0x38;
	[tilespmem:$0x1E800] =	vst v63  }
0x32: {  	p1 =	sne.s32 s25, $0x26000;
	_ =	swait.ge [sflag:s16], $0x4000  }
0x33: {  	[sflag:s16] =	ssyncset.done $0x0  }
0x34: {  	[sflag:s16] =	ssyncadd.s32 $0xFFFFC000  }
0x35: {  	[spmem:s1] =	stream.indirect.scatter.add.f32 [tilespmem:s14], [sflag:$0x3], $0x80, s23, s17, $0xb8;
	[tilespmem:$0x1E800] =	vst v63  }
0x36: {  	_ =	swait.ge [sflag:s13], $0x4000  }
0x37: {  	[sflag:s13] =	ssyncset.done $0x0  }
0x38: {  	s25 =	sadd.s32 s24, s10;
	s24 =	smov.u32 s28;
	[sflag:s13] =	ssyncadd.s32 $0xFFFFC000  }
0x39: {  	[tilespmem:s14], [sflag:$0x1] =	stream.linear.gather [hbm4b:s25+s2], $0x4000, $0x38;
	[tilespmem:$0x1E800] =	vst v63  }
0x3a: {  	_ =	swait.ge [sflag:s18], $0x4000  }
.Ltmp0:
0x3b: {  	[sflag:s18] =	ssyncset.done $0x0;
	(pc) =	sbr.rel @p1 .LBB2_2-.Ltmp0, $4  }
0x3c: {  	s25 =	sadd.s32 $0x80, s23;
	[sflag:s18] =	ssyncadd.s32 $0xFFFFC000  }
0x3d: {  	[spmem:s1] =	stream.indirect.scatter.add.f32 [tilespmem:s15], [sflag:$0x3], $0x80, s25, s17, $0xb8;
	[tilespmem:$0x1E800] =	vst v63  }
0x3e: {  	_ =	swait.ge [sflag:s13], $0x4000  }
0x3f: {  	s23 =	sadd.s32 $0x100, s23;
	s25 =	smov.u32 s29;
	[sflag:s13] =	ssyncset.done $0x0  }
0x40: {  	s25 =	sadd.s32 s24, s11;
	[sflag:s13] =	ssyncadd.s32 $0xFFFFC000  }
0x41: {  	[tilespmem:s15], [sflag:$0x2] =	stream.linear.gather [hbm4b:s25+s2], $0x4000, $0x38;
	[tilespmem:$0x1E800] =	vst v63  }
0x42: {  	_ =	swait.ge [sflag:s16], $0x4000  }
0x43: {  	[sflag:s16] =	ssyncset.done $0x0  }
0x44: {  	[sflag:s16] =	ssyncadd.s32 $0xFFFFC000  }
0x45: {  	[spmem:s1] =	stream.indirect.scatter.add.f32 [tilespmem:s14], [sflag:$0x3], $0x80, s23, s17, $0xb8;
	[tilespmem:$0x1E800] =	vst v63  }
0x46: {  	_ =	swait.ge [sflag:s13], $0x4000  }
0x47: {  	[sflag:s13] =	ssyncset.done $0x0  }
0x48: {  	s30 =	sadd.s32 s24, s10;
	[sflag:s13] =	ssyncadd.s32 $0xFFFFC000  }
0x49: {  	[tilespmem:s14], [sflag:$0x1] =	stream.linear.gather [hbm4b:s30+s2], $0x4000, $0x38;
	[tilespmem:$0x1E800] =	vst v63  }
0x4a: {  	_ =	swait.ge [sflag:s18], $0x4000  }
0x4b: {  	[sflag:s18] =	ssyncset.done $0x0  }
0x4c: {  	s31 =	sadd.s32 $0x80, s23;
	[sflag:s18] =	ssyncadd.s32 $0xFFFFC000  }
0x4d: {  	[spmem:s1] =	stream.indirect.scatter.add.f32 [tilespmem:s15], [sflag:$0x3], $0x80, s31, s17, $0xb8;
	[tilespmem:$0x1E800] =	vst v63  }
0x4e: {  	_ =	swait.ge [sflag:s13], $0x4000  }
0x4f: {  	[sflag:s13] =	ssyncset.done $0x0  }
0x50: {  	[sflag:s13] =	ssyncadd.s32 $0xFFFFC000  }
0x51: {  	[tilespmem:s15], [sflag:$0x2] =	stream.linear.gather [hbm4b:s9+s2], $0x4000, $0x38;
	[tilespmem:$0x1E800] =	vst v63  }
0x52: {  	_ =	swait.ge [sflag:s16], $0x4000  }
0x53: {  	[sflag:s16] =	ssyncset.done $0x0  }
0x54: {  	[sflag:s16] =	ssyncadd.s32 $0xFFFFC000  }
0x55: {  	[spmem:s1] =	stream.indirect.scatter.add.f32 [tilespmem:s14], [sflag:$0x3], $0x80, s19, s17, $0xb8;
	[tilespmem:$0x1E800] =	vst v63  }
0x56: {  	_ =	swait.ge [sflag:s13], $0x4000  }
0x57: {  	[sflag:s13] =	ssyncset.done $0x0  }
0x58: {  	[sflag:s13] =	ssyncadd.s32 $0xFFFFC000  }
0x59: {  	_ =	swait.ge [sflag:s18], $0x4000  }
0x5a: {  	[sflag:s18] =	ssyncset.done $0x0  }
0x5b: {  	[sflag:s18] =	ssyncadd.s32 $0xFFFFC000  }
0x5c: {  	[spmem:s1] =	stream.indirect.scatter.add.f32 [tilespmem:s15], [sflag:$0x3], $0x80, s20, s17, $0xb8;
	[tilespmem:$0x1E800] =	vst v63  }
0x5d: {  	_ =	swait.ge [sflag:s13], $0x4000  }
0x5e: {  	s22 =	sadd.s32 $0x1, s22;
	[sflag:s13] =	ssyncset.done $0x0  }
0x5f: {  	p1 =	sne.s32 s22, s8;
	[sflag:s13] =	ssyncadd.s32 $0xFFFFC000  }
.Ltmp1:
0x60: {  	s23 =	simm.s32 @!p0 $0x3;
	[bflag:$0x0] =	sbarrier.arrive $0xFFFF;
	(pc) =	sbr.rel @p1 .LBB2_1-.Ltmp1, $4  }
0x61: {  	[hbm:s7], [sflag:s4] =	dma.local @!p0 [spmem:s21], $0x28000  }
0x62: {  	_ =	swait.ge @!p0 [sflag:s23], $0x28000  }
0x63: {  	[sflag:s23] =	ssyncset.done @!p0 $0x0  }
0x64: {  	[sflag:s23] =	ssyncadd.s32 @!p0 $0xFFFD8000  }
0x65: {  	_ =	sfence.sel $0x180000  }
0x66: {  	[bflag:$0x0] =	sbarrier.arrive $0xFFFF  }
0x67: {  	_ =	strace $0x9000004A  }
0x68: {  	s0 =	sadd.s32 @!p0 $0x100000, s0;
	[bflag:$0x2] =	sbarrier.arrive $0xFFFF  }
0x69: {  	[sflag:s0] =	ssyncadd.tile.s32 @!p0 $0x1;
	_ =	shalt  }
.Lfunc_end2:
_tile_overlayer_lowered:
.L_overlay_start_2:
0x6a: {  	(tag) =	ssettag $0x2  }
0x6b: {  	s0 =	rddreg [dreg:$0x0];
	s2 =	stileid.u32  }
0x6c: {  	s1 =	rddreg [dreg:$0x1];
	p0 =	sne.s32 s2, $0x0  }
0x6d: {  	s3 =	rddreg [dreg:$0x2];
	[bflag:$0x3] =	sbarrier.arrive $0xFFFF;
	s2 =	simm.s32 @!p0 $0x1C03  }
0x6e: {  	[timem:s3], [sflag:s2] =	dma.local @!p0 [hbm:s0], s1  }
0x6f: {  	s0 =	simm.s32 @!p0 $0x3  }
0x70: {  	_ =	swait.ge @!p0 [sflag:s0], s1  }
0x71: {  	s1 =	ssub.s32 @!p0 $0x0, s1;
	[sflag:s0] =	ssyncset.done @!p0 $0x0  }
0x72: {  	[sflag:s0] =	ssyncadd.s32 @!p0 s1  }
0x73: {  	[bflag:$0x3] =	sbarrier.arrive $0xFFFF  }
0x74: {  	_ =	shalt  }

// kernel: kernel.23.cloned.1.call-start
scs
__scs_entry_jumppad:
0x0: {  	(pc) =	sbr.rel $0x88, $3  }
0x1: {  	(tag) =	ssettag $0x0;
	lr =	simm.s32 $0x1  }
0x2: {  	[smem:$0x3F8B] =	sst lr;
	_ =	strace $0xD0000000  }
0x3: {  	_ = 	snop  }
0x4: {  	_ = 	snop  }
0x5: {  	_ = 	snop  }
0x6: {  	_ = 	snop  }
0x7: {  	_ = 	snop  }
__scs_overlays_trampoline_lowered:
0x8: {  	[smem:$0x3F9A] =	sst s0  }
0x9: {  	[smem:$0x3F9B] =	sst s1  }
0xa: {  	[smem:$0x3F9C] =	sst s2  }
0xb: {  	[smem:$0x3F9D] =	sst s3  }
0xc: {  	[smem:$0x3F9E] =	sst s4  }
0xd: {  	[smem:$0x3F9F] =	sst s5  }
0xe: {  	[smem:$0x3FA0] =	sst s6  }
0xf: {  	[smem:$0x3FA1] =	sst s7  }
0x10: {  	[smem:$0x3FA2] =	sst s8  }
0x11: {  	[smem:$0x3FA3] =	sst s9;
	s0 =	simm.s32 @!p0 $0x0  }
0x12: {  	s1 =	sld [smem:$0x3F89];
	s0 =	simm.s32 @p0 $0x1  }
0x13: {  	[smem:$0x3FA4] =	sst s0;
	s0 =	simm.s32 @!p1 $0x0  }
0x14: {  	s2 =	sld [smem:$0x3F88];
	s0 =	simm.s32 @p1 $0x1  }
0x15: {  	[smem:$0x3FA5] =	sst s0;
	s0 =	simm.s32 @!p2 $0x0  }
0x16: {  	s3 =	sld [smem:$0x3FDB];
	s0 =	simm.s32 @p2 $0x1  }
0x17: {  	s4 =	simm.s32 $0x1BF5;
	[smem:$0x3FA7] =	sst s0  }
0x18: {  	s0 =	sld [smem:$0x3F8A];
	_ =	swait.ge [sflag:s4], $0x0  }
0x19: {  	s7 =	sld [smem:$0x3F8B]  }
0x1a: {  	s8 =	sadd.s32 $0xFFFFE003, lr  }
0x1b: {  	s9 =	sadd.s32 $0xFFFFFEF7, lr;
	s5 =	simm.s32 $0xFFFFFFFF;
	p2 =	slt.u32 s8, $0xFFFFF086  }
0x1c: {  	p1 =	slt.u32 s9, $0xF7A;
	s5 =	simm.s32 @!p2 $0x0  }
0x1d: {  	s5 =	simm.s32 @p1 $0x1;
	p0 =	seq.s32 s7, s2  }
0x1e: {  	s7 =	smul.u32 @!p0 $0xF7A, s2;
	p2 =	seq.s32 @!p0 s5, $0x0  }
0x1f: {  	s9 =	smul.u32 $0xF7A, s1;
	s8 =	simm.s32 @!p0 $0x1BF5;
	p2 =	por !p2, p0  }
0x20: {  	[sflag:s8] =	ssyncset.s32 @!p0 $0xFFFFF086;
	s6 =	sadd.s32 @!p0 s3, s7;
	s7 =	simm.s32 @!p0 $0x108  }
0x21: {  	s3 =	sadd.s32 s3, s9;
	s6 =	sadd.s32 @!p0 $0x88, s6;
	s7 =	simm.s32 @p2 $0x1082  }
0x22: {  	[simem:s7], [sflag:s8] =	dma.local @!p0 [hbm:s6], $0xF7A  }
0x23: {  	s9 =	sor.u32 $0xD0000000, s2;
	s6 =	simm.s32 $0x108;
	_ =	swait.ge @!p0 [sflag:s8], $0x0  }
0x24: {  	s3 =	sadd.s32 $0x88, s3;
	s6 =	simm.s32 @!p1 $0x1082;
	[sflag:s4] =	ssyncset.s32 $0xFFFFF086  }
0x25: {  	[simem:s6], [sflag:s4] =	dma.local [hbm:s3], $0xF7A  }
0x26: {  	[smem:$0x3F8B] =	sst s1;
	(tag) =	ssettag s2;
	_ =	strace s9  }
0x27: {  	s1 =	sld [smem:$0x3F9B]  }
0x28: {  	s2 =	sld [smem:$0x3F9C]  }
0x29: {  	s4 =	sld [smem:$0x3F9E]  }
0x2a: {  	p0 =	seq.s32 s5, $0x0;
	s5 =	sld [smem:$0x3F9F]  }
0x2b: {  	s6 =	sld [smem:$0x3FA0]  }
0x2c: {  	s7 =	sld [smem:$0x3FA1]  }
0x2d: {  	s3 =	simm.s32 $0x108;
	s8 =	sld [smem:$0x3FA2]  }
0x2e: {  	s3 =	simm.s32 @!p0 $0x1082;
	s9 =	sld [smem:$0x3FA3]  }
0x2f: {  	lr =	sadd.s32 s0, s3;
	s0 =	sld [smem:$0x3F9A]  }
0x30: {  	s3 =	sld [smem:$0x3F9D]  }
0x31: {  	[smem:$0x3FA6] =	sst s10  }
0x32: {  	s10 =	sld [smem:$0x3FA4];
	_ =	sdelay $0x3  }
0x33: {  	p0 =	seq.s32 s10, $0x1;
	s10 =	sld [smem:$0x3FA6];
	_ =	sdelay $0x3  }
0x34: {  	[smem:$0x3FA6] =	sst s10  }
0x35: {  	s10 =	sld [smem:$0x3FA5];
	_ =	sdelay $0x3  }
0x36: {  	p1 =	seq.s32 s10, $0x1;
	s10 =	sld [smem:$0x3FA6];
	_ =	sdelay $0x3  }
0x37: {  	[smem:$0x3FA6] =	sst s10  }
0x38: {  	s10 =	sld [smem:$0x3FA7]  }
0x39: {  	_ = 	snop;
	(pc) =	sbr.ind lr, $3  }
0x3a: {  	_ = 	snop  }
0x3b: {  	_ = 	snop  }
0x3c: {  	p2 =	seq.s32 s10, $0x1;
	s10 =	sld [smem:$0x3FA6]  }
0x3d: {  	_ =	shalt  }
0x3e: {  	_ =	shalt  }
0x3f: {  	_ =	shalt  }
0x40: {  	_ =	shalt  }
0x41: {  	_ =	shalt  }
0x42: {  	_ =	shalt  }
0x43: {  	_ =	shalt  }
0x44: {  	_ =	shalt  }
0x45: {  	_ =	shalt  }
0x46: {  	_ =	shalt  }
0x47: {  	_ =	shalt  }
0x48: {  	_ =	shalt  }
0x49: {  	_ =	shalt  }
0x4a: {  	_ =	shalt  }
0x4b: {  	_ =	shalt  }
0x4c: {  	_ =	shalt  }
0x4d: {  	_ =	shalt  }
0x4e: {  	_ =	shalt  }
0x4f: {  	_ =	shalt  }
0x50: {  	_ =	shalt  }
0x51: {  	_ =	shalt  }
0x52: {  	_ =	shalt  }
0x53: {  	_ =	shalt  }
0x54: {  	_ =	shalt  }
0x55: {  	_ =	shalt  }
0x56: {  	_ =	shalt  }
0x57: {  	_ =	shalt  }
0x58: {  	_ =	shalt  }
0x59: {  	_ =	shalt  }
0x5a: {  	_ =	shalt  }
0x5b: {  	_ =	shalt  }
0x5c: {  	_ =	shalt  }
0x5d: {  	_ =	shalt  }
0x5e: {  	_ =	shalt  }
0x5f: {  	_ =	shalt  }
0x60: {  	_ =	shalt  }
0x61: {  	_ =	shalt  }
0x62: {  	_ =	shalt  }
0x63: {  	_ =	shalt  }
0x64: {  	_ =	shalt  }
0x65: {  	_ =	shalt  }
0x66: {  	_ =	shalt  }
0x67: {  	_ =	shalt  }
0x68: {  	_ =	shalt  }
0x69: {  	_ =	shalt  }
0x6a: {  	_ =	shalt  }
0x6b: {  	_ =	shalt  }
0x6c: {  	_ =	shalt  }
0x6d: {  	_ =	shalt  }
0x6e: {  	_ =	shalt  }
0x6f: {  	_ =	shalt  }
0x70: {  	_ =	shalt  }
0x71: {  	_ =	shalt  }
0x72: {  	_ =	shalt  }
0x73: {  	_ =	shalt  }
0x74: {  	_ =	shalt  }
0x75: {  	_ =	shalt  }
0x76: {  	_ =	shalt  }
0x77: {  	_ =	shalt  }
0x78: {  	_ =	shalt  }
0x79: {  	_ =	shalt  }
0x7a: {  	_ =	shalt  }
0x7b: {  	_ =	shalt  }
0x7c: {  	_ =	shalt  }
0x7d: {  	_ =	shalt  }
0x7e: {  	_ =	shalt  }
0x7f: {  	_ =	shalt  }
0x80: {  	_ =	shalt  }
0x81: {  	_ =	shalt  }
0x82: {  	_ =	shalt  }
0x83: {  	_ =	shalt  }
0x84: {  	_ =	shalt  }
0x85: {  	_ =	shalt  }
0x86: {  	_ =	shalt  }
0x87: {  	_ =	shalt  }
.Lfunc_end0:
.L_simem_size_0:
called_computation.2_lowered:
.L_overlay_start_0:
0x88: {  	s2 =	sld [smem:$0x3FD9]  }
0x89: {  	s3 =	sld [smem:$0x3FFE];
	_ =	sdelay $0x1  }
0x8a: {  	s1 =	srdreg.scid  }
0x8b: {  	s0 =	sand.u32 $0x1, s1  }
0x8c: {  	s16 =	sshll.u32 s0, $0xA;
	s2 =	sadd.s32 s3, s2  }
0x8d: {  	s2 =	sadd.s32 s2, s16  }
0x8e: {  	[smem:$0x3FB2] =	sst s2  }
0x8f: {  	_ = 	snop  }
0x90: {  	(tm) =	ssettm $0x1  }
0x91: {  	s17 =	sld [smem:$0x3FFB];
	_ =	sdelay $0x3  }
0x92: {  	_ =	strace s17  }
0x93: {  	s2 =	sld [smem:$0x3FFC];
	_ =	sdelay $0x3  }
0x94: {  	_ =	strace s2  }
0x95: {  	s2 =	sld [smem:$0x3FFD];
	_ =	sdelay $0x3  }
0x96: {  	_ =	strace s2  }
0x97: {  	_ =	strace $0x8FFFFFFF  }
0x98: {  	s18 =	sld [smem:$0x3FDB];
	_ =	sdelay $0x1  }
0x99: {  	s19 =	simm.s32 $_scs_section_size  }
0x9a: {  	s4 =	simm.s32 $_size__tile_overlayer_lowered;
	s5 =	simm.s32 $_tile_overlayer_lowered  }
0x9b: {  	s22 =	simm.s32 $0x1BFF;
	s21 =	sshll.u32 s5, $0x1;
	s2 =	sadd.s32 s19, s18  }
0x9c: {  	s6 =	simm.s32 $0x0;
	s20 =	sshll.u32 s4, $0x1;
	s4 =	sadd.s32 s21, s2  }
0x9d: {  	[timem:s6], [sflag:s22] =	dma.local [hbm:s4], s20  }
0x9e: {  	_ =	swait.ge [sflag:s22], s20  }
0x9f: {  	s3 =	ssub.s32 $0x0, s20;
	[sflag:s22] =	ssyncset.done $0x0  }
0xa0: {  	[sflag:s22] =	ssyncadd.s32 s3;
	_ =	sdelay $0x1  }
0xa1: {  	s23 =	simm.s32 $0x1B8B  }
0xa2: {  	_ =	swait.ge [sflag:s23], $0x1  }
0xa3: {  	[sflag:s23] =	ssyncset.done $0x0  }
0xa4: {  	s25 =	simm.s32 $0x1B8E;
	s24 =	sld [smem:$0x3FFE];
	[sflag:s23] =	ssyncadd.s32 $0xFFFFFFFF  }
0xa5: {  	s26 =	simm.s32 $execute0_lowered;
	[smem:$0x3FD2] =	sst s25  }
0xa6: {  	s4 =	sshll.u32 s26, $0x1;
	_ =	strace $0x8000004C;
	[dreg:$0x1] =	wrdreg $0xFFFFFFFF  }
0xa7: {  	s28 =	simm.s32 $_size_execute0_lowered;
	s2 =	sadd.s32 s2, s4;
	[dreg:$0x0] =	wrdreg $0x0  }
0xa8: {  	s4 =	sshll.u32 s28, $0x1;
	[dreg:$0x2] =	wrdreg s2  }
0xa9: {  	[dreg:$0x3] =	wrdreg s4  }
0xaa: {  	[dreg:$0x4] =	wrdreg $0xC0  }
0xab: {  	_ =	task [dreg:s6], $0x5FFFF  }
0xac: {  	[dreg:$0x1] =	wrdreg $0xFFFFFFFF  }
0xad: {  	[dreg:$0x0] =	wrdreg $0x60  }
0xae: {  	[dreg:$0x2] =	wrdreg s24  }
0xaf: {  	[dreg:$0x3] =	wrdreg $0x9  }
0xb0: {  	_ =	task.clear_ibuf [dreg:s6], $0x4FFFF;
	_ =	strace $0x9000004C  }
0xb1: {  	s29 =	simm.s32 $0x9;
	_ =	strace $0x8000004E  }
0xb2: {  	_ =	swait.ge [sflag:s29], $0x1  }
0xb3: {  	[sflag:s29] =	ssyncadd.s32 $0xFFFFFFFF  }
0xb4: {  	_ =	strace $0x9000004E  }
0xb5: {  	_ =	sfence  }
0xb6: {  	s30 =	sld [smem:$0x0];
	_ =	sdelay $0x2  }
0xb7: {  	s31 =	sshll.u32 s1, $0xD;
	s1 =	sshrl.u32 s1, $0x2  }
0xb8: {  	s3 =	sand.u32 $0x4000, s31;
	s1 =	sadd.s32 s1, s30  }
0xb9: {  	s0 =	sor.u32 s3, s0;
	s1 =	sshll.u32 s1, $0x11  }
0xba: {  	s0 =	sor.u32 s1, s0  }
0xbb: {  	s0 =	sadd.s32 $0x8F2B, s0  }
0xbc: {  	[sflag:s0] =	ssyncadd.remote.s32 $0x1  }
0xbd: {  	_ =	sfence.sel $0xFFFF  }
0xbe: {  	[dreg:$0x0] =	wrdreg $0xFFFFFFFF;
	(pc) =	sbr.abs _section_cstart, $3  }
0xbf: {  	[dreg:$0x1] =	wrdreg $0xFFFFFFFF  }
0xc0: {  	_ =	task.clear_ibuf [dreg:s6], $0x2FFFF;
	_ =	strace $0x9FFFFFFF  }
0xc1: {  	(tm) =	ssettm $0x7FFFFFFF  }
tec
execute0_lowered:
.L_overlay_start_1:
0x0: {  	(tag) =	ssettag $0x1  }
0x1: {  	s5 =	rddreg [dreg:$0x0]  }
0x2: {  	s0 =	rddreg [dreg:$0x1]  }
0x3: {  	s1 =	stileid.u32;
	s3 =	srdreg.scid;
	s2 =	simm.s32 $0x0  }
0x4: {  	s11 =	simm.s32 $0x3;
	s12 =	simm.s32 $0x3C00;
	s13 =	simm.s32 $0x80  }
0x5: {  	s14 =	simm.s32 $0x7800;
	s15 =	simm.s32 $0xB800;
	s4 =	smul.u32 $0x28, s1  }
0x6: {  	s16 =	simm.s32 $0x0;
	s6 =	sand.u32 $0x1, s3;
	s7 =	smul.u32 $0x78, s1  }
0x7: {  	[smem:$0x7FF] =	sst s2;
	s3 =	sadd.s32 $0x35A00, s5;
	p0 =	seq.s32 s6, $0x0  }
0x8: {  	_ =	strace $0x8000004D;
	s6 =	ssub.s32 $0x2, s6;
	s4 =	sadd.s32 $0x780, s4  }
0x9: {  	s9 =	sshrl.u32 s6, $0x1;
	s7 =	smov.u32 @p0 s4;
	s4 =	sadd.s32 $0x85A00, s5  }
0xa: {  	s9 =	ssub.s32 s6, s9;
	s8 =	sshll.u32 s7, $0x4;
	s7 =	sshll.u32 s7, $0xB  }
0xb: {  	s8 =	sadd.s32 s8, s5;
	s10 =	sadd.s32 s7, s5;
	s5 =	simm.s32 $0x14  }
0xc: {  	s5 =	simm.s32 @!p0 $0x3C;
	s6 =	sadd.s32 $0x20E00, s8;
	s7 =	sadd.s32 $0x2B400, s8  }
0xd: {  	s8 =	smax.u32 s9, $0x1;
	s9 =	sadd.s32 $0xD5A00, s10;
	s10 =	sadd.s32 $0xFADA00, s10  }
.LBB2_1:
0xe: {  	[tilespmem:s2], [sflag:$0x3] =	stream.linear.gather [hbm4b:s6+s2], $0x3C00, $0x38;
	[tilespmem:$0x17800] =	vst v63  }
0xf: {  	_ =	swait.ge [sflag:s11], $0x3C00  }
0x10: {  	[sflag:s11] =	ssyncset.done $0x0  }
0x11: {  	[sflag:s11] =	ssyncadd.s32 $0xFFFFC400  }
0x12: {  	[tilespmem:s12], [sflag:$0x3] =	stream.linear.gather [hbm4b:s7+s2], $0x3C00, $0x38;
	[tilespmem:$0x17800] =	vst v63  }
0x13: {  	_ =	swait.ge [sflag:s11], $0x3C00  }
0x14: {  	[sflag:s11] =	ssyncset.done $0x0  }
0x15: {  	p0 =	sgt.u32 s5, $0x0;
	[sflag:s11] =	ssyncadd.s32 $0xFFFFC400  }
0x16: {  	[tilespmem:s14], [sflag:$0x1] =	stream.indirect.gather [hbm4b:s3+s13], $0x80, s2, s13, $0xb8;
	[tilespmem:$0x17800] =	vst v63  }
0x17: {  	p0 =	por p0, p0  }
0x18: {  	[tilespmem:s15], [sflag:$0x1] =	stream.indirect.gather [hbm4b:s3+s13], $0x80, s13, s13, $0xb8;
	[tilespmem:$0x17800] =	vst v63  }
0x19: {  	s17 =	simm.s32 @p0 $0x3C00;
	s18 =	simm.s32 @p0 $0x80;
	s20 =	simm.s32 @p0 $0xF800  }
0x1a: {  	[tilespmem:s20], [sflag:$0x2] =	stream.indirect.gather @p0 [hbm4b:s4+s18], $0x80, s17, s18, $0xb8;
	[tilespmem:$0x17800] =	vst v63  }
0x1b: {  	s19 =	simm.s32 @p0 $0x13800;
	s21 =	simm.s32 @p0 $0x1;
	s17 =	simm.s32 @p0 $0x3C80  }
0x1c: {  	[tilespmem:s19], [sflag:$0x2] =	stream.indirect.gather @p0 [hbm4b:s4+s18], $0x80, s17, s18, $0xb8;
	[tilespmem:$0x17800] =	vst v63  }
0x1d: {  	_ =	swait.ge @p0 [sflag:s21], $0x8000  }
0x1e: {  	p1 =	sle.u32 @p0 s5, $0x1;
	s22 =	simm.s32 @p0 $0x0;
	[sflag:s21] =	ssyncset.done @p0 $0x0  }
0x1f: {  	s17 =	simm.s32 @p0 $0x4;
	s18 =	simm.s32 @p0 $0x7800;
	[sflag:s21] =	ssyncadd.s32 @p0 $0xFFFF8000  }
0x20: {  	[hbm4b:s9+s22] =	stream.linear.scatter @p0 [tilespmem:s18], [sflag:$0x4], $0x8000, $0x38;
	[tilespmem:$0x17800] =	vst v63  }
0x21: {  	p1 =	por p1, !p0;
	_ =	swait.ge @p0 [sflag:s17], $0x8000  }
0x22: {  	s19 =	simm.s32 @!p1 $0x80;
	[sflag:s17] =	ssyncset.done @p0 $0x0  }
0x23: {  	s18 =	simm.s32 @!p1 $0x7800;
	[sflag:s17] =	ssyncadd.s32 @p0 $0xFFFF8000;
	s17 =	simm.s32 @!p1 $0x100  }
0x24: {  	[tilespmem:s18], [sflag:$0x1] =	stream.indirect.gather @!p1 [hbm4b:s3+s19], $0x80, s17, s19, $0xb8;
	[tilespmem:$0x17800] =	vst v63  }
0x25: {  	s23 =	simm.s32 @p0 $0x2;
	s17 =	simm.s32 @!p1 $0x180;
	s18 =	simm.s32 @!p1 $0xB800  }
0x26: {  	[tilespmem:s18], [sflag:$0x1] =	stream.indirect.gather @!p1 [hbm4b:s3+s19], $0x80, s17, s19, $0xb8;
	[tilespmem:$0x17800] =	vst v63  }
0x27: {  	p2 =	sgt.u32 s5, $0x1;
	_ =	swait.ge @p0 [sflag:s23], $0x8000  }
0x28: {  	s24 =	simm.s32 @p0 $0x1;
	s21 =	simm.s32 $0x800;
	[sflag:s23] =	ssyncset.done @p0 $0x0  }
0x29: {  	s19 =	simm.s32 $0x400;
	[sflag:s23] =	ssyncadd.s32 @p0 $0xFFFF8000;
	s23 =	simm.s32 @p0 $0x3  }
0x2a: {  	[hbm4b:s10+s22] =	stream.linear.scatter @p0 [tilespmem:s20], [sflag:$0x3], $0x8000, $0x38;
	[tilespmem:$0x17800] =	vst v63  }
0x2b: {  	s17 =	sadd.s32 $0x1000, s10;
	s18 =	sadd.s32 $0x1000, s9;
	_ =	swait.ge @p0 [sflag:s23], $0x8000  }
0x2c: {  	s20 =	simm.s32 $0x2;
	s22 =	simm.s32 @!p0 $0x1;
	[sflag:s23] =	ssyncset.done @p0 $0x0  }
.LBB2_2:
0x2d: {  	s25 =	sshra.s32 @p2 s19, $0x2;
	[sflag:s23] =	ssyncadd.s32 @p0 $0xFFFF8000;
	s22 =	smov.u32 @p0 s24  }
0x2e: {  	s23 =	smov.u32 s21;
	s24 =	smov.u32 s17;
	p0 =	por p2, p2  }
0x2f: {  	s26 =	sadd.s32 @p0 $0x3C00, s25;
	s28 =	simm.s32 @p0 $0x80;
	s29 =	simm.s32 @p0 $0xF800  }
0x30: {  	[tilespmem:s29], [sflag:$0x2] =	stream.indirect.gather @p0 [hbm4b:s4+s28], $0x80, s26, s28, $0xb8;
	[tilespmem:$0x17800] =	vst v63  }
0x31: {  	s25 =	sadd.s32 @p0 $0x3C80, s25;
	s30 =	simm.s32 @p0 $0x1;
	s26 =	simm.s32 @p0 $0x13800  }
0x32: {  	[tilespmem:s26], [sflag:$0x2] =	stream.indirect.gather @p0 [hbm4b:s4+s28], $0x80, s25, s28, $0xb8;
	[tilespmem:$0x17800] =	vst v63  }
0x33: {  	s21 =	sadd.s32 $0x400, s21;
	_ =	swait.ge @p0 [sflag:s30], $0x8000  }
0x34: {  	p2 =	sge.u32 @p0 s20, s5;
	s25 =	simm.s32 @p0 $0x4;
	[sflag:s30] =	ssyncset.done @p0 $0x0  }
0x35: {  	s26 =	simm.s32 @p0 $0x0;
	s28 =	simm.s32 @p0 $0x7800;
	[sflag:s30] =	ssyncadd.s32 @p0 $0xFFFF8000  }
0x36: {  	[hbm4b:s18+s26] =	stream.linear.scatter @p0 [tilespmem:s28], [sflag:$0x4], $0x8000, $0x38;
	[tilespmem:$0x17800] =	vst v63  }
0x37: {  	p1 =	sne.s32 s21, $0xF000;
	p2 =	por p2, !p0;
	_ =	swait.ge @p0 [sflag:s25], $0x8000  }
0x38: {  	s19 =	sshra.s32 @!p2 s19, $0x2;
	s28 =	simm.s32 @!p2 $0x7800;
	[sflag:s25] =	ssyncset.done @p0 $0x0  }
0x39: {  	s30 =	simm.s32 @!p2 $0x80;
	[sflag:s25] =	ssyncadd.s32 @p0 $0xFFFF8000;
	s25 =	sadd.s32 @!p2 $0x100, s19  }
0x3a: {  	[tilespmem:s28], [sflag:$0x1] =	stream.indirect.gather @!p2 [hbm4b:s3+s30], $0x80, s25, s30, $0xb8;
	[tilespmem:$0x17800] =	vst v63  }
0x3b: {  	s19 =	sadd.s32 @!p2 $0x180, s19;
	s25 =	simm.s32 @!p2 $0xB800;
	s28 =	simm.s32 @p0 $0x2  }
0x3c: {  	[tilespmem:s25], [sflag:$0x1] =	stream.indirect.gather @!p2 [hbm4b:s3+s30], $0x80, s19, s30, $0xb8;
	[tilespmem:$0x17800] =	vst v63  }
0x3d: {  	s17 =	sadd.s32 $0x1000, s17;
	s19 =	smov.u32 s23;
	_ =	swait.ge @p0 [sflag:s28], $0x8000  }
0x3e: {  	s20 =	sadd.s32 $0x1, s20;
	s18 =	sadd.s32 $0x1000, s18;
	[sflag:s28] =	ssyncset.done @p0 $0x0  }
.Ltmp0:
0x3f: {  	s23 =	simm.s32 @p0 $0x3;
	[sflag:s28] =	ssyncadd.s32 @p0 $0xFFFF8000;
	(pc) =	sbr.rel @p1 .LBB2_2-.Ltmp0, $4  }
0x40: {  	[hbm4b:s24+s26] =	stream.linear.scatter @p0 [tilespmem:s29], [sflag:$0x3], $0x8000, $0x38;
	[tilespmem:$0x17800] =	vst v63  }
0x41: {  	s24 =	sadd.s32 $0xFFFFFFFF, s20  }
0x42: {  	s25 =	sadd.s32 @!p0 $0x1, s22;
	_ =	swait.ge @p0 [sflag:s23], $0x8000;
	p2 =	slt.u32 s24, s5  }
0x43: {  	s24 =	sadd.s32 @p0 $0x1, s22;
	s22 =	smov.u32 s25;
	[sflag:s23] =	ssyncset.done @p0 $0x0  }
0x44: {  	s21 =	sshra.s32 @p2 s19, $0x2;
	[sflag:s23] =	ssyncadd.s32 @p0 $0xFFFF8000;
	p0 =	por p2, p2  }
0x45: {  	s22 =	sadd.s32 @p0 $0x3C00, s21;
	s23 =	simm.s32 @p0 $0x80;
	s24 =	simm.s32 @p0 $0xF800  }
0x46: {  	[tilespmem:s24], [sflag:$0x2] =	stream.indirect.gather @p0 [hbm4b:s4+s23], $0x80, s22, s23, $0xb8;
	[tilespmem:$0x17800] =	vst v63  }
0x47: {  	s21 =	sadd.s32 @p0 $0x3C80, s21;
	s25 =	simm.s32 @p0 $0x1;
	s22 =	simm.s32 @p0 $0x13800  }
0x48: {  	[tilespmem:s22], [sflag:$0x2] =	stream.indirect.gather @p0 [hbm4b:s4+s23], $0x80, s21, s23, $0xb8;
	[tilespmem:$0x17800] =	vst v63  }
0x49: {  	_ =	swait.ge @p0 [sflag:s25], $0x8000  }
0x4a: {  	p1 =	sge.u32 @p0 s20, s5;
	s20 =	simm.s32 @p0 $0x0;
	[sflag:s25] =	ssyncset.done @p0 $0x0  }
0x4b: {  	s21 =	simm.s32 @p0 $0x4;
	s22 =	simm.s32 @p0 $0x7800;
	[sflag:s25] =	ssyncadd.s32 @p0 $0xFFFF8000  }
0x4c: {  	[hbm4b:s18+s20] =	stream.linear.scatter @p0 [tilespmem:s22], [sflag:$0x4], $0x8000, $0x38;
	[tilespmem:$0x17800] =	vst v63  }
0x4d: {  	p1 =	por p1, !p0;
	_ =	swait.ge @p0 [sflag:s21], $0x8000  }
0x4e: {  	s18 =	sshra.s32 @!p1 s19, $0x2;
	s19 =	simm.s32 @!p1 $0x7800;
	[sflag:s21] =	ssyncset.done @p0 $0x0  }
0x4f: {  	s22 =	simm.s32 @!p1 $0x80;
	[sflag:s21] =	ssyncadd.s32 @p0 $0xFFFF8000;
	s21 =	sadd.s32 @!p1 $0x100, s18  }
0x50: {  	[tilespmem:s19], [sflag:$0x1] =	stream.indirect.gather @!p1 [hbm4b:s3+s22], $0x80, s21, s22, $0xb8;
	[tilespmem:$0x17800] =	vst v63  }
0x51: {  	s18 =	sadd.s32 @!p1 $0x180, s18;
	s19 =	simm.s32 @!p1 $0xB800;
	s21 =	simm.s32 @p0 $0x2  }
0x52: {  	[tilespmem:s19], [sflag:$0x1] =	stream.indirect.gather @!p1 [hbm4b:s3+s22], $0x80, s18, s22, $0xb8;
	[tilespmem:$0x17800] =	vst v63  }
0x53: {  	s16 =	sadd.s32 $0x1, s16;
	_ =	swait.ge @p0 [sflag:s21], $0x8000  }
0x54: {  	p1 =	sne.s32 s16, s8;
	[sflag:s21] =	ssyncset.done @p0 $0x0  }
.Ltmp1:
0x55: {  	s18 =	simm.s32 @p0 $0x3;
	[sflag:s21] =	ssyncadd.s32 @p0 $0xFFFF8000;
	(pc) =	sbr.rel @p1 .LBB2_1-.Ltmp1, $4  }
0x56: {  	[hbm4b:s17+s20] =	stream.linear.scatter @p0 [tilespmem:s24], [sflag:$0x3], $0x8000, $0x38;
	[tilespmem:$0x17800] =	vst v63  }
0x57: {  	_ =	swait.ge @p0 [sflag:s18], $0x8000  }
0x58: {  	[sflag:s18] =	ssyncset.done @p0 $0x0  }
0x59: {  	[sflag:s18] =	ssyncadd.s32 @p0 $0xFFFF8000  }
0x5a: {  	_ =	sfence.sel $0x180000  }
0x5b: {  	[bflag:$0x0] =	sbarrier.arrive $0xFFFF  }
0x5c: {  	p0 =	sne.s32 s1, $0x0;
	_ =	strace $0x9000004D  }
0x5d: {  	s0 =	sadd.s32 @!p0 $0x100000, s0;
	[bflag:$0x2] =	sbarrier.arrive $0xFFFF  }
0x5e: {  	[sflag:s0] =	ssyncadd.tile.s32 @!p0 $0x1;
	_ =	shalt  }
.Lfunc_end2:
_tile_overlayer_lowered:
.L_overlay_start_2:
0x5f: {  	(tag) =	ssettag $0x2  }
0x60: {  	s0 =	rddreg [dreg:$0x0];
	s2 =	stileid.u32  }
0x61: {  	s1 =	rddreg [dreg:$0x1];
	p0 =	sne.s32 s2, $0x0  }
0x62: {  	s3 =	rddreg [dreg:$0x2];
	[bflag:$0x3] =	sbarrier.arrive $0xFFFF;
	s2 =	simm.s32 @!p0 $0x1C03  }
0x63: {  	[timem:s3], [sflag:s2] =	dma.local @!p0 [hbm:s0], s1  }
0x64: {  	s0 =	simm.s32 @!p0 $0x3  }
0x65: {  	_ =	swait.ge @!p0 [sflag:s0], s1  }
0x66: {  	s1 =	ssub.s32 @!p0 $0x0, s1;
	[sflag:s0] =	ssyncset.done @!p0 $0x0  }
0x67: {  	[sflag:s0] =	ssyncadd.s32 @!p0 s1  }
0x68: {  	[bflag:$0x3] =	sbarrier.arrive $0xFFFF  }
0x69: {  	_ =	shalt  }

// kernel: kernel.26.cloned.1.call-start
scs
__scs_entry_jumppad:
0x0: {  	(pc) =	sbr.rel $0x88, $3  }
0x1: {  	(tag) =	ssettag $0x0;
	lr =	simm.s32 $0x1  }
0x2: {  	[smem:$0x3F8B] =	sst lr;
	_ =	strace $0xD0000000  }
0x3: {  	_ = 	snop  }
0x4: {  	_ = 	snop  }
0x5: {  	_ = 	snop  }
0x6: {  	_ = 	snop  }
0x7: {  	_ = 	snop  }
__scs_overlays_trampoline_lowered:
0x8: {  	[smem:$0x3F9A] =	sst s0  }
0x9: {  	[smem:$0x3F9B] =	sst s1  }
0xa: {  	[smem:$0x3F9C] =	sst s2  }
0xb: {  	[smem:$0x3F9D] =	sst s3  }
0xc: {  	[smem:$0x3F9E] =	sst s4  }
0xd: {  	[smem:$0x3F9F] =	sst s5  }
0xe: {  	[smem:$0x3FA0] =	sst s6  }
0xf: {  	[smem:$0x3FA1] =	sst s7  }
0x10: {  	[smem:$0x3FA2] =	sst s8  }
0x11: {  	[smem:$0x3FA3] =	sst s9;
	s0 =	simm.s32 @!p0 $0x0  }
0x12: {  	s1 =	sld [smem:$0x3F89];
	s0 =	simm.s32 @p0 $0x1  }
0x13: {  	[smem:$0x3FA4] =	sst s0;
	s0 =	simm.s32 @!p1 $0x0  }
0x14: {  	s2 =	sld [smem:$0x3F88];
	s0 =	simm.s32 @p1 $0x1  }
0x15: {  	[smem:$0x3FA5] =	sst s0;
	s0 =	simm.s32 @!p2 $0x0  }
0x16: {  	s3 =	sld [smem:$0x3FDB];
	s0 =	simm.s32 @p2 $0x1  }
0x17: {  	s4 =	simm.s32 $0x1BF5;
	[smem:$0x3FA7] =	sst s0  }
0x18: {  	s0 =	sld [smem:$0x3F8A];
	_ =	swait.ge [sflag:s4], $0x0  }
0x19: {  	s7 =	sld [smem:$0x3F8B]  }
0x1a: {  	s8 =	sadd.s32 $0xFFFFE003, lr  }
0x1b: {  	s9 =	sadd.s32 $0xFFFFFEF7, lr;
	s5 =	simm.s32 $0xFFFFFFFF;
	p2 =	slt.u32 s8, $0xFFFFF086  }
0x1c: {  	p1 =	slt.u32 s9, $0xF7A;
	s5 =	simm.s32 @!p2 $0x0  }
0x1d: {  	s5 =	simm.s32 @p1 $0x1;
	p0 =	seq.s32 s7, s2  }
0x1e: {  	s7 =	smul.u32 @!p0 $0xF7A, s2;
	p2 =	seq.s32 @!p0 s5, $0x0  }
0x1f: {  	s9 =	smul.u32 $0xF7A, s1;
	s8 =	simm.s32 @!p0 $0x1BF5;
	p2 =	por !p2, p0  }
0x20: {  	[sflag:s8] =	ssyncset.s32 @!p0 $0xFFFFF086;
	s6 =	sadd.s32 @!p0 s3, s7;
	s7 =	simm.s32 @!p0 $0x108  }
0x21: {  	s3 =	sadd.s32 s3, s9;
	s6 =	sadd.s32 @!p0 $0x88, s6;
	s7 =	simm.s32 @p2 $0x1082  }
0x22: {  	[simem:s7], [sflag:s8] =	dma.local @!p0 [hbm:s6], $0xF7A  }
0x23: {  	s9 =	sor.u32 $0xD0000000, s2;
	s6 =	simm.s32 $0x108;
	_ =	swait.ge @!p0 [sflag:s8], $0x0  }
0x24: {  	s3 =	sadd.s32 $0x88, s3;
	s6 =	simm.s32 @!p1 $0x1082;
	[sflag:s4] =	ssyncset.s32 $0xFFFFF086  }
0x25: {  	[simem:s6], [sflag:s4] =	dma.local [hbm:s3], $0xF7A  }
0x26: {  	[smem:$0x3F8B] =	sst s1;
	(tag) =	ssettag s2;
	_ =	strace s9  }
0x27: {  	s1 =	sld [smem:$0x3F9B]  }
0x28: {  	s2 =	sld [smem:$0x3F9C]  }
0x29: {  	s4 =	sld [smem:$0x3F9E]  }
0x2a: {  	p0 =	seq.s32 s5, $0x0;
	s5 =	sld [smem:$0x3F9F]  }
0x2b: {  	s6 =	sld [smem:$0x3FA0]  }
0x2c: {  	s7 =	sld [smem:$0x3FA1]  }
0x2d: {  	s3 =	simm.s32 $0x108;
	s8 =	sld [smem:$0x3FA2]  }
0x2e: {  	s3 =	simm.s32 @!p0 $0x1082;
	s9 =	sld [smem:$0x3FA3]  }
0x2f: {  	lr =	sadd.s32 s0, s3;
	s0 =	sld [smem:$0x3F9A]  }
0x30: {  	s3 =	sld [smem:$0x3F9D]  }
0x31: {  	[smem:$0x3FA6] =	sst s10  }
0x32: {  	s10 =	sld [smem:$0x3FA4];
	_ =	sdelay $0x3  }
0x33: {  	p0 =	seq.s32 s10, $0x1;
	s10 =	sld [smem:$0x3FA6];
	_ =	sdelay $0x3  }
0x34: {  	[smem:$0x3FA6] =	sst s10  }
0x35: {  	s10 =	sld [smem:$0x3FA5];
	_ =	sdelay $0x3  }
0x36: {  	p1 =	seq.s32 s10, $0x1;
	s10 =	sld [smem:$0x3FA6];
	_ =	sdelay $0x3  }
0x37: {  	[smem:$0x3FA6] =	sst s10  }
0x38: {  	s10 =	sld [smem:$0x3FA7]  }
0x39: {  	_ = 	snop;
	(pc) =	sbr.ind lr, $3  }
0x3a: {  	_ = 	snop  }
0x3b: {  	_ = 	snop  }
0x3c: {  	p2 =	seq.s32 s10, $0x1;
	s10 =	sld [smem:$0x3FA6]  }
0x3d: {  	_ =	shalt  }
0x3e: {  	_ =	shalt  }
0x3f: {  	_ =	shalt  }
0x40: {  	_ =	shalt  }
0x41: {  	_ =	shalt  }
0x42: {  	_ =	shalt  }
0x43: {  	_ =	shalt  }
0x44: {  	_ =	shalt  }
0x45: {  	_ =	shalt  }
0x46: {  	_ =	shalt  }
0x47: {  	_ =	shalt  }
0x48: {  	_ =	shalt  }
0x49: {  	_ =	shalt  }
0x4a: {  	_ =	shalt  }
0x4b: {  	_ =	shalt  }
0x4c: {  	_ =	shalt  }
0x4d: {  	_ =	shalt  }
0x4e: {  	_ =	shalt  }
0x4f: {  	_ =	shalt  }
0x50: {  	_ =	shalt  }
0x51: {  	_ =	shalt  }
0x52: {  	_ =	shalt  }
0x53: {  	_ =	shalt  }
0x54: {  	_ =	shalt  }
0x55: {  	_ =	shalt  }
0x56: {  	_ =	shalt  }
0x57: {  	_ =	shalt  }
0x58: {  	_ =	shalt  }
0x59: {  	_ =	shalt  }
0x5a: {  	_ =	shalt  }
0x5b: {  	_ =	shalt  }
0x5c: {  	_ =	shalt  }
0x5d: {  	_ =	shalt  }
0x5e: {  	_ =	shalt  }
0x5f: {  	_ =	shalt  }
0x60: {  	_ =	shalt  }
0x61: {  	_ =	shalt  }
0x62: {  	_ =	shalt  }
0x63: {  	_ =	shalt  }
0x64: {  	_ =	shalt  }
0x65: {  	_ =	shalt  }
0x66: {  	_ =	shalt  }
0x67: {  	_ =	shalt  }
0x68: {  	_ =	shalt  }
0x69: {  	_ =	shalt  }
0x6a: {  	_ =	shalt  }
0x6b: {  	_ =	shalt  }
0x6c: {  	_ =	shalt  }
0x6d: {  	_ =	shalt  }
0x6e: {  	_ =	shalt  }
0x6f: {  	_ =	shalt  }
0x70: {  	_ =	shalt  }
0x71: {  	_ =	shalt  }
0x72: {  	_ =	shalt  }
0x73: {  	_ =	shalt  }
0x74: {  	_ =	shalt  }
0x75: {  	_ =	shalt  }
0x76: {  	_ =	shalt  }
0x77: {  	_ =	shalt  }
0x78: {  	_ =	shalt  }
0x79: {  	_ =	shalt  }
0x7a: {  	_ =	shalt  }
0x7b: {  	_ =	shalt  }
0x7c: {  	_ =	shalt  }
0x7d: {  	_ =	shalt  }
0x7e: {  	_ =	shalt  }
0x7f: {  	_ =	shalt  }
0x80: {  	_ =	shalt  }
0x81: {  	_ =	shalt  }
0x82: {  	_ =	shalt  }
0x83: {  	_ =	shalt  }
0x84: {  	_ =	shalt  }
0x85: {  	_ =	shalt  }
0x86: {  	_ =	shalt  }
0x87: {  	_ =	shalt  }
.Lfunc_end0:
.L_simem_size_0:
called_computation.3_lowered:
.L_overlay_start_0:
0x88: {  	s2 =	sld [smem:$0x3FD9]  }
0x89: {  	s3 =	sld [smem:$0x3FFE];
	_ =	sdelay $0x1  }
0x8a: {  	s1 =	srdreg.scid  }
0x8b: {  	s0 =	sand.u32 $0x1, s1  }
0x8c: {  	s16 =	sshll.u32 s0, $0xA;
	s2 =	sadd.s32 s3, s2  }
0x8d: {  	s2 =	sadd.s32 s2, s16  }
0x8e: {  	[smem:$0x3FB2] =	sst s2  }
0x8f: {  	_ = 	snop  }
0x90: {  	(tm) =	ssettm $0x1  }
0x91: {  	s17 =	sld [smem:$0x3FFB];
	_ =	sdelay $0x3  }
0x92: {  	_ =	strace s17  }
0x93: {  	s2 =	sld [smem:$0x3FFC];
	_ =	sdelay $0x3  }
0x94: {  	_ =	strace s2  }
0x95: {  	s2 =	sld [smem:$0x3FFD];
	_ =	sdelay $0x3  }
0x96: {  	_ =	strace s2  }
0x97: {  	_ =	strace $0x8FFFFFFF  }
0x98: {  	s18 =	sld [smem:$0x3FDB];
	_ =	sdelay $0x1  }
0x99: {  	s19 =	simm.s32 $_scs_section_size  }
0x9a: {  	s4 =	simm.s32 $_size__tile_overlayer_lowered;
	s5 =	simm.s32 $_tile_overlayer_lowered  }
0x9b: {  	s22 =	simm.s32 $0x1BFF;
	s21 =	sshll.u32 s5, $0x1;
	s2 =	sadd.s32 s19, s18  }
0x9c: {  	s6 =	simm.s32 $0x0;
	s20 =	sshll.u32 s4, $0x1;
	s4 =	sadd.s32 s21, s2  }
0x9d: {  	[timem:s6], [sflag:s22] =	dma.local [hbm:s4], s20  }
0x9e: {  	_ =	swait.ge [sflag:s22], s20  }
0x9f: {  	s3 =	ssub.s32 $0x0, s20;
	[sflag:s22] =	ssyncset.done $0x0  }
0xa0: {  	[sflag:s22] =	ssyncadd.s32 s3;
	_ =	sdelay $0x1  }
0xa1: {  	s23 =	simm.s32 $0x1B8B  }
0xa2: {  	_ =	swait.ge [sflag:s23], $0x1  }
0xa3: {  	[sflag:s23] =	ssyncset.done $0x0  }
0xa4: {  	s25 =	simm.s32 $0x1B8E;
	s24 =	sld [smem:$0x3FFE];
	[sflag:s23] =	ssyncadd.s32 $0xFFFFFFFF  }
0xa5: {  	s26 =	simm.s32 $execute0_lowered;
	[smem:$0x3FD2] =	sst s25  }
0xa6: {  	s4 =	sshll.u32 s26, $0x1;
	_ =	strace $0x8000004F;
	[dreg:$0x1] =	wrdreg $0xFFFFFFFF  }
0xa7: {  	s28 =	simm.s32 $_size_execute0_lowered;
	s2 =	sadd.s32 s2, s4;
	[dreg:$0x0] =	wrdreg $0x0  }
0xa8: {  	s4 =	sshll.u32 s28, $0x1;
	[dreg:$0x2] =	wrdreg s2  }
0xa9: {  	[dreg:$0x3] =	wrdreg s4  }
0xaa: {  	[dreg:$0x4] =	wrdreg $0xC0  }
0xab: {  	_ =	task [dreg:s6], $0x5FFFF  }
0xac: {  	[dreg:$0x1] =	wrdreg $0xFFFFFFFF  }
0xad: {  	[dreg:$0x0] =	wrdreg $0x60  }
0xae: {  	[dreg:$0x2] =	wrdreg s24  }
0xaf: {  	[dreg:$0x3] =	wrdreg $0xA8000  }
0xb0: {  	[dreg:$0x4] =	wrdreg $0x9  }
0xb1: {  	_ =	task.clear_ibuf [dreg:s6], $0x5FFFF;
	_ =	strace $0x9000004F  }
0xb2: {  	s29 =	simm.s32 $0x9;
	_ =	strace $0x80000051  }
0xb3: {  	_ =	swait.ge [sflag:s29], $0x1  }
0xb4: {  	[sflag:s29] =	ssyncadd.s32 $0xFFFFFFFF  }
0xb5: {  	_ =	strace $0x90000051  }
0xb6: {  	_ =	sfence  }
0xb7: {  	s30 =	sld [smem:$0x0];
	_ =	sdelay $0x2  }
0xb8: {  	s31 =	sshll.u32 s1, $0xD;
	s1 =	sshrl.u32 s1, $0x2  }
0xb9: {  	s3 =	sand.u32 $0x4000, s31;
	s1 =	sadd.s32 s1, s30  }
0xba: {  	s0 =	sor.u32 s3, s0;
	s1 =	sshll.u32 s1, $0x11  }
0xbb: {  	s0 =	sor.u32 s1, s0  }
0xbc: {  	s0 =	sadd.s32 $0x8F2B, s0  }
0xbd: {  	[sflag:s0] =	ssyncadd.remote.s32 $0x1  }
0xbe: {  	_ =	sfence.sel $0xFFFF  }
0xbf: {  	[dreg:$0x0] =	wrdreg $0xFFFFFFFF;
	(pc) =	sbr.abs _section_cstart, $3  }
0xc0: {  	[dreg:$0x1] =	wrdreg $0xFFFFFFFF  }
0xc1: {  	_ =	task.clear_ibuf [dreg:s6], $0x2FFFF;
	_ =	strace $0x9FFFFFFF  }
0xc2: {  	(tm) =	ssettm $0x7FFFFFFF  }
0xc3: {  	_ =	shalt  }
tec
execute0_lowered:
.L_overlay_start_1:
0x0: {  	(tag) =	ssettag $0x1  }
0x1: {  	s3 =	rddreg [dreg:$0x0]  }
0x2: {  	s0 =	srdreg.scid;
	s1 =	rddreg [dreg:$0x1]  }
0x3: {  	s19 =	stileid.u32;
	s2 =	simm.s32 $0x0;
	s15 =	simm.s32 $0x6800  }
0x4: {  	s16 =	simm.s32 $0x1;
	s17 =	simm.s32 $0x80;
	s18 =	simm.s32 $0x2  }
0x5: {  	s20 =	simm.s32 $0x2780;
	s4 =	sand.u32 $0x1, s0;
	s0 =	rddreg [dreg:$0x2]  }
0x6: {  	s22 =	simm.s32 $0x0;
	[smem:$0x7FF] =	sst s2;
	s6 =	smul.u32 $0x2800, s19  }
0x7: {  	s11 =	sadd.s32 $0x14ADA00, s3;
	s10 =	smul.u32 $0x50000, s19;
	s13 =	sshll.u32 s19, $0x6  }
0x8: {  	s28 =	smul.u32 $0x140000, s19;
	p0 =	sne.s32 s19, $0x0;
	s5 =	sshll.u32 s4, $0x4  }
0x9: {  	_ =	strace $0x80000050;
	s8 =	smul.u32 $0x28000, s4;
	s9 =	ssub.s32 $0x2, s4  }
0xa: {  	s14 =	smul.u32 $0x1400000, s4;
	s4 =	sor.u32 $0x1C03, s13;
	s21 =	sshrl.u32 @!p0 s1, $0x3  }
0xb: {  	s7 =	sor.u32 s19, s5;
	s6 =	sadd.s32 s6, s3;
	s24 =	sshrl.u32 s9, $0x1  }
0xc: {  	s25 =	sshrl.u32 s10, $0x2;
	s19 =	simm.s32 $0x2700;
	s5 =	smul.u32 $0x500, s7  }
0xd: {  	s8 =	sadd.s32 s8, s3;
	s9 =	ssub.s32 s9, s24;
	s26 =	smul.u32 $0x28000, s7  }
0xe: {  	s12 =	sadd.s32 s25, s1;
	s29 =	smul.u32 $0x140000, s7;
	s30 =	sadd.s32 s28, s14  }
0xf: {  	s14 =	simm.s32 $0x2800;
	s7 =	sadd.s32 $0xD5A00, s8;
	s8 =	smax.u32 s9, $0x1  }
0x10: {  	s13 =	sor.u32 $0x8000, s30;
	s9 =	sor.u32 $0x4000, s30;
	s12 =	sshrl.u32 s12, $0x3  }
0x11: {  	s5 =	sadd.s32 s5, s3;
	s3 =	sadd.s32 $0x5DA00, s6;
	s10 =	sshrl.u32 s29, $0x3  }
0x12: {  	s6 =	sadd.s32 s11, s26;
	s13 =	sshrl.u32 s13, $0x3;
	s10 =	sadd.s32 s11, s10  }
0x13: {  	s31 =	sshrl.u32 s9, $0x3;
	s5 =	sadd.s32 $0xCE00, s5;
	s9 =	sadd.s32 $0x27800, s10  }
0x14: {  	s10 =	sadd.s32 s13, s11;
	s11 =	sadd.s32 s31, s11;
	s13 =	simm.s32 $0x3  }
.LBB2_1:
0x15: {  	[spmem:s12], [sflag:s4] =	dma.local [hbm:s3], $0x2800  }
0x16: {  	_ =	swait.ge [sflag:s13], $0x2800  }
0x17: {  	[sflag:s13] =	ssyncset.done $0x0  }
0x18: {  	[sflag:s13] =	ssyncadd.s32 $0xFFFFD800  }
0x19: {  	[bflag:$0x0] =	sbarrier.arrive $0xFFFF  }
0x1a: {  	[tilespmem:s2], [sflag:$0x3] =	stream.linear.gather [hbm4b:s5+s2], $0x2800, $0x38;
	[tilespmem:$0x1E800] =	vst v63  }
0x1b: {  	_ =	swait.ge [sflag:s13], $0x2800  }
0x1c: {  	[sflag:s13] =	ssyncset.done $0x0  }
0x1d: {  	[sflag:s13] =	ssyncadd.s32 $0xFFFFD800  }
0x1e: {  	[tilespmem:s14], [sflag:$0x1] =	stream.linear.gather [hbm4b:s6+s2], $0x4000, $0x38;
	[tilespmem:$0x1E800] =	vst v63  }
0x1f: {  	s23 =	sadd.s32 $0x0, s11  }
0x20: {  	[tilespmem:s15], [sflag:$0x2] =	stream.linear.gather [hbm4b:s23+s2], $0x4000, $0x38;
	[tilespmem:$0x1E800] =	vst v63  }
0x21: {  	_ =	swait.ge [sflag:s16], $0x4000  }
0x22: {  	[sflag:s16] =	ssyncset.done $0x0  }
0x23: {  	[sflag:s16] =	ssyncadd.s32 $0xFFFFC000  }
0x24: {  	[spmem:s1] =	stream.indirect.scatter.add.f32 [tilespmem:s14], [sflag:$0x3], $0x80, s2, s17, $0xb8;
	[tilespmem:$0x1E800] =	vst v63  }
0x25: {  	_ =	swait.ge [sflag:s13], $0x4000  }
0x26: {  	[sflag:s13] =	ssyncset.done $0x0  }
0x27: {  	s30 =	sadd.s32 $0x0, s10;
	[sflag:s13] =	ssyncadd.s32 $0xFFFFC000  }
0x28: {  	[tilespmem:s14], [sflag:$0x1] =	stream.linear.gather [hbm4b:s30+s2], $0x4000, $0x38;
	[tilespmem:$0x1E800] =	vst v63  }
0x29: {  	_ =	swait.ge [sflag:s18], $0x4000  }
0x2a: {  	[sflag:s18] =	ssyncset.done $0x0  }
0x2b: {  	s31 =	simm.s32 $0x80;
	[sflag:s18] =	ssyncadd.s32 $0xFFFFC000  }
0x2c: {  	[spmem:s1] =	stream.indirect.scatter.add.f32 [tilespmem:s15], [sflag:$0x3], $0x80, s31, s17, $0xb8;
	[tilespmem:$0x1E800] =	vst v63  }
0x2d: {  	s24 =	simm.s32 $0x1000;
	_ =	swait.ge [sflag:s13], $0x4000  }
0x2e: {  	s25 =	simm.s32 $0x2000;
	s23 =	simm.s32 $0x100;
	[sflag:s13] =	ssyncset.done $0x0  }
.LBB2_2:
0x2f: {  	s26 =	sadd.s32 s24, s11  }
0x30: {  	[sflag:s13] =	ssyncadd.s32 $0xFFFFC000;
	s28 =	smov.u32 s25;
	s29 =	sadd.s32 $0x1000, s25  }
0x31: {  	[tilespmem:s15], [sflag:$0x2] =	stream.linear.gather [hbm4b:s26+s2], $0x4000, $0x38;
	[tilespmem:$0x1E800] =	vst v63  }
0x32: {  	p1 =	sne.s32 s25, $0x26000;
	_ =	swait.ge [sflag:s16], $0x4000  }
0x33: {  	[sflag:s16] =	ssyncset.done $0x0  }
0x34: {  	[sflag:s16] =	ssyncadd.s32 $0xFFFFC000  }
0x35: {  	[spmem:s1] =	stream.indirect.scatter.add.f32 [tilespmem:s14], [sflag:$0x3], $0x80, s23, s17, $0xb8;
	[tilespmem:$0x1E800] =	vst v63  }
0x36: {  	_ =	swait.ge [sflag:s13], $0x4000  }
0x37: {  	[sflag:s13] =	ssyncset.done $0x0  }
0x38: {  	s25 =	sadd.s32 s24, s10;
	s24 =	smov.u32 s28;
	[sflag:s13] =	ssyncadd.s32 $0xFFFFC000  }
0x39: {  	[tilespmem:s14], [sflag:$0x1] =	stream.linear.gather [hbm4b:s25+s2], $0x4000, $0x38;
	[tilespmem:$0x1E800] =	vst v63  }
0x3a: {  	_ =	swait.ge [sflag:s18], $0x4000  }
.Ltmp0:
0x3b: {  	[sflag:s18] =	ssyncset.done $0x0;
	(pc) =	sbr.rel @p1 .LBB2_2-.Ltmp0, $4  }
0x3c: {  	s25 =	sadd.s32 $0x80, s23;
	[sflag:s18] =	ssyncadd.s32 $0xFFFFC000  }
0x3d: {  	[spmem:s1] =	stream.indirect.scatter.add.f32 [tilespmem:s15], [sflag:$0x3], $0x80, s25, s17, $0xb8;
	[tilespmem:$0x1E800] =	vst v63  }
0x3e: {  	_ =	swait.ge [sflag:s13], $0x4000  }
0x3f: {  	s23 =	sadd.s32 $0x100, s23;
	s25 =	smov.u32 s29;
	[sflag:s13] =	ssyncset.done $0x0  }
0x40: {  	s25 =	sadd.s32 s24, s11;
	[sflag:s13] =	ssyncadd.s32 $0xFFFFC000  }
0x41: {  	[tilespmem:s15], [sflag:$0x2] =	stream.linear.gather [hbm4b:s25+s2], $0x4000, $0x38;
	[tilespmem:$0x1E800] =	vst v63  }
0x42: {  	_ =	swait.ge [sflag:s16], $0x4000  }
0x43: {  	[sflag:s16] =	ssyncset.done $0x0  }
0x44: {  	[sflag:s16] =	ssyncadd.s32 $0xFFFFC000  }
0x45: {  	[spmem:s1] =	stream.indirect.scatter.add.f32 [tilespmem:s14], [sflag:$0x3], $0x80, s23, s17, $0xb8;
	[tilespmem:$0x1E800] =	vst v63  }
0x46: {  	_ =	swait.ge [sflag:s13], $0x4000  }
0x47: {  	[sflag:s13] =	ssyncset.done $0x0  }
0x48: {  	s30 =	sadd.s32 s24, s10;
	[sflag:s13] =	ssyncadd.s32 $0xFFFFC000  }
0x49: {  	[tilespmem:s14], [sflag:$0x1] =	stream.linear.gather [hbm4b:s30+s2], $0x4000, $0x38;
	[tilespmem:$0x1E800] =	vst v63  }
0x4a: {  	_ =	swait.ge [sflag:s18], $0x4000  }
0x4b: {  	[sflag:s18] =	ssyncset.done $0x0  }
0x4c: {  	s31 =	sadd.s32 $0x80, s23;
	[sflag:s18] =	ssyncadd.s32 $0xFFFFC000  }
0x4d: {  	[spmem:s1] =	stream.indirect.scatter.add.f32 [tilespmem:s15], [sflag:$0x3], $0x80, s31, s17, $0xb8;
	[tilespmem:$0x1E800] =	vst v63  }
0x4e: {  	_ =	swait.ge [sflag:s13], $0x4000  }
0x4f: {  	[sflag:s13] =	ssyncset.done $0x0  }
0x50: {  	[sflag:s13] =	ssyncadd.s32 $0xFFFFC000  }
0x51: {  	[tilespmem:s15], [sflag:$0x2] =	stream.linear.gather [hbm4b:s9+s2], $0x4000, $0x38;
	[tilespmem:$0x1E800] =	vst v63  }
0x52: {  	_ =	swait.ge [sflag:s16], $0x4000  }
0x53: {  	[sflag:s16] =	ssyncset.done $0x0  }
0x54: {  	[sflag:s16] =	ssyncadd.s32 $0xFFFFC000  }
0x55: {  	[spmem:s1] =	stream.indirect.scatter.add.f32 [tilespmem:s14], [sflag:$0x3], $0x80, s19, s17, $0xb8;
	[tilespmem:$0x1E800] =	vst v63  }
0x56: {  	_ =	swait.ge [sflag:s13], $0x4000  }
0x57: {  	[sflag:s13] =	ssyncset.done $0x0  }
0x58: {  	[sflag:s13] =	ssyncadd.s32 $0xFFFFC000  }
0x59: {  	_ =	swait.ge [sflag:s18], $0x4000  }
0x5a: {  	[sflag:s18] =	ssyncset.done $0x0  }
0x5b: {  	[sflag:s18] =	ssyncadd.s32 $0xFFFFC000  }
0x5c: {  	[spmem:s1] =	stream.indirect.scatter.add.f32 [tilespmem:s15], [sflag:$0x3], $0x80, s20, s17, $0xb8;
	[tilespmem:$0x1E800] =	vst v63  }
0x5d: {  	_ =	swait.ge [sflag:s13], $0x4000  }
0x5e: {  	s22 =	sadd.s32 $0x1, s22;
	[sflag:s13] =	ssyncset.done $0x0  }
0x5f: {  	p1 =	sne.s32 s22, s8;
	[sflag:s13] =	ssyncadd.s32 $0xFFFFC000  }
.Ltmp1:
0x60: {  	s23 =	simm.s32 @!p0 $0x3;
	[bflag:$0x0] =	sbarrier.arrive $0xFFFF;
	(pc) =	sbr.rel @p1 .LBB2_1-.Ltmp1, $4  }
0x61: {  	[hbm:s7], [sflag:s4] =	dma.local @!p0 [spmem:s21], $0x28000  }
0x62: {  	_ =	swait.ge @!p0 [sflag:s23], $0x28000  }
0x63: {  	[sflag:s23] =	ssyncset.done @!p0 $0x0  }
0x64: {  	[sflag:s23] =	ssyncadd.s32 @!p0 $0xFFFD8000  }
0x65: {  	_ =	sfence.sel $0x180000  }
0x66: {  	[bflag:$0x0] =	sbarrier.arrive $0xFFFF  }
0x67: {  	_ =	strace $0x90000050  }
0x68: {  	s0 =	sadd.s32 @!p0 $0x100000, s0;
	[bflag:$0x2] =	sbarrier.arrive $0xFFFF  }
0x69: {  	[sflag:s0] =	ssyncadd.tile.s32 @!p0 $0x1;
	_ =	shalt  }
.Lfunc_end2:
_tile_overlayer_lowered:
.L_overlay_start_2:
0x6a: {  	(tag) =	ssettag $0x2  }
0x6b: {  	s0 =	rddreg [dreg:$0x0];
	s2 =	stileid.u32  }
0x6c: {  	s1 =	rddreg [dreg:$0x1];
	p0 =	sne.s32 s2, $0x0  }
0x6d: {  	s3 =	rddreg [dreg:$0x2];
	[bflag:$0x3] =	sbarrier.arrive $0xFFFF;
	s2 =	simm.s32 @!p0 $0x1C03  }
0x6e: {  	[timem:s3], [sflag:s2] =	dma.local @!p0 [hbm:s0], s1  }
0x6f: {  	s0 =	simm.s32 @!p0 $0x3  }
0x70: {  	_ =	swait.ge @!p0 [sflag:s0], s1  }
0x71: {  	s1 =	ssub.s32 @!p0 $0x0, s1;
	[sflag:s0] =	ssyncset.done @!p0 $0x0  }
0x72: {  	[sflag:s0] =	ssyncadd.s32 @!p0 s1  }
0x73: {  	[bflag:$0x3] =	sbarrier.arrive $0xFFFF  }
0x74: {  	_ =	shalt  }

// kernel: kernel.29.cloned.1.call-start
scs
__scs_entry_jumppad:
0x0: {  	(pc) =	sbr.rel $0x88, $3  }
0x1: {  	(tag) =	ssettag $0x0;
	lr =	simm.s32 $0x1  }
0x2: {  	[smem:$0x3F8B] =	sst lr;
	_ =	strace $0xD0000000  }
0x3: {  	_ = 	snop  }
0x4: {  	_ = 	snop  }
0x5: {  	_ = 	snop  }
0x6: {  	_ = 	snop  }
0x7: {  	_ = 	snop  }
__scs_overlays_trampoline_lowered:
0x8: {  	[smem:$0x3F9A] =	sst s0  }
0x9: {  	[smem:$0x3F9B] =	sst s1  }
0xa: {  	[smem:$0x3F9C] =	sst s2  }
0xb: {  	[smem:$0x3F9D] =	sst s3  }
0xc: {  	[smem:$0x3F9E] =	sst s4  }
0xd: {  	[smem:$0x3F9F] =	sst s5  }
0xe: {  	[smem:$0x3FA0] =	sst s6  }
0xf: {  	[smem:$0x3FA1] =	sst s7  }
0x10: {  	[smem:$0x3FA2] =	sst s8  }
0x11: {  	[smem:$0x3FA3] =	sst s9;
	s0 =	simm.s32 @!p0 $0x0  }
0x12: {  	s1 =	sld [smem:$0x3F89];
	s0 =	simm.s32 @p0 $0x1  }
0x13: {  	[smem:$0x3FA4] =	sst s0;
	s0 =	simm.s32 @!p1 $0x0  }
0x14: {  	s2 =	sld [smem:$0x3F88];
	s0 =	simm.s32 @p1 $0x1  }
0x15: {  	[smem:$0x3FA5] =	sst s0;
	s0 =	simm.s32 @!p2 $0x0  }
0x16: {  	s3 =	sld [smem:$0x3FDB];
	s0 =	simm.s32 @p2 $0x1  }
0x17: {  	s4 =	simm.s32 $0x1BF5;
	[smem:$0x3FA7] =	sst s0  }
0x18: {  	s0 =	sld [smem:$0x3F8A];
	_ =	swait.ge [sflag:s4], $0x0  }
0x19: {  	s7 =	sld [smem:$0x3F8B]  }
0x1a: {  	s8 =	sadd.s32 $0xFFFFE003, lr  }
0x1b: {  	s9 =	sadd.s32 $0xFFFFFEF7, lr;
	s5 =	simm.s32 $0xFFFFFFFF;
	p2 =	slt.u32 s8, $0xFFFFF086  }
0x1c: {  	p1 =	slt.u32 s9, $0xF7A;
	s5 =	simm.s32 @!p2 $0x0  }
0x1d: {  	s5 =	simm.s32 @p1 $0x1;
	p0 =	seq.s32 s7, s2  }
0x1e: {  	s7 =	smul.u32 @!p0 $0xF7A, s2;
	p2 =	seq.s32 @!p0 s5, $0x0  }
0x1f: {  	s9 =	smul.u32 $0xF7A, s1;
	s8 =	simm.s32 @!p0 $0x1BF5;
	p2 =	por !p2, p0  }
0x20: {  	[sflag:s8] =	ssyncset.s32 @!p0 $0xFFFFF086;
	s6 =	sadd.s32 @!p0 s3, s7;
	s7 =	simm.s32 @!p0 $0x108  }
0x21: {  	s3 =	sadd.s32 s3, s9;
	s6 =	sadd.s32 @!p0 $0x88, s6;
	s7 =	simm.s32 @p2 $0x1082  }
0x22: {  	[simem:s7], [sflag:s8] =	dma.local @!p0 [hbm:s6], $0xF7A  }
0x23: {  	s9 =	sor.u32 $0xD0000000, s2;
	s6 =	simm.s32 $0x108;
	_ =	swait.ge @!p0 [sflag:s8], $0x0  }
0x24: {  	s3 =	sadd.s32 $0x88, s3;
	s6 =	simm.s32 @!p1 $0x1082;
	[sflag:s4] =	ssyncset.s32 $0xFFFFF086  }
0x25: {  	[simem:s6], [sflag:s4] =	dma.local [hbm:s3], $0xF7A  }
0x26: {  	[smem:$0x3F8B] =	sst s1;
	(tag) =	ssettag s2;
	_ =	strace s9  }
0x27: {  	s1 =	sld [smem:$0x3F9B]  }
0x28: {  	s2 =	sld [smem:$0x3F9C]  }
0x29: {  	s4 =	sld [smem:$0x3F9E]  }
0x2a: {  	p0 =	seq.s32 s5, $0x0;
	s5 =	sld [smem:$0x3F9F]  }
0x2b: {  	s6 =	sld [smem:$0x3FA0]  }
0x2c: {  	s7 =	sld [smem:$0x3FA1]  }
0x2d: {  	s3 =	simm.s32 $0x108;
	s8 =	sld [smem:$0x3FA2]  }
0x2e: {  	s3 =	simm.s32 @!p0 $0x1082;
	s9 =	sld [smem:$0x3FA3]  }
0x2f: {  	lr =	sadd.s32 s0, s3;
	s0 =	sld [smem:$0x3F9A]  }
0x30: {  	s3 =	sld [smem:$0x3F9D]  }
0x31: {  	[smem:$0x3FA6] =	sst s10  }
0x32: {  	s10 =	sld [smem:$0x3FA4];
	_ =	sdelay $0x3  }
0x33: {  	p0 =	seq.s32 s10, $0x1;
	s10 =	sld [smem:$0x3FA6];
	_ =	sdelay $0x3  }
0x34: {  	[smem:$0x3FA6] =	sst s10  }
0x35: {  	s10 =	sld [smem:$0x3FA5];
	_ =	sdelay $0x3  }
0x36: {  	p1 =	seq.s32 s10, $0x1;
	s10 =	sld [smem:$0x3FA6];
	_ =	sdelay $0x3  }
0x37: {  	[smem:$0x3FA6] =	sst s10  }
0x38: {  	s10 =	sld [smem:$0x3FA7]  }
0x39: {  	_ = 	snop;
	(pc) =	sbr.ind lr, $3  }
0x3a: {  	_ = 	snop  }
0x3b: {  	_ = 	snop  }
0x3c: {  	p2 =	seq.s32 s10, $0x1;
	s10 =	sld [smem:$0x3FA6]  }
0x3d: {  	_ =	shalt  }
0x3e: {  	_ =	shalt  }
0x3f: {  	_ =	shalt  }
0x40: {  	_ =	shalt  }
0x41: {  	_ =	shalt  }
0x42: {  	_ =	shalt  }
0x43: {  	_ =	shalt  }
0x44: {  	_ =	shalt  }
0x45: {  	_ =	shalt  }
0x46: {  	_ =	shalt  }
0x47: {  	_ =	shalt  }
0x48: {  	_ =	shalt  }
0x49: {  	_ =	shalt  }
0x4a: {  	_ =	shalt  }
0x4b: {  	_ =	shalt  }
0x4c: {  	_ =	shalt  }
0x4d: {  	_ =	shalt  }
0x4e: {  	_ =	shalt  }
0x4f: {  	_ =	shalt  }
0x50: {  	_ =	shalt  }
0x51: {  	_ =	shalt  }
0x52: {  	_ =	shalt  }
0x53: {  	_ =	shalt  }
0x54: {  	_ =	shalt  }
0x55: {  	_ =	shalt  }
0x56: {  	_ =	shalt  }
0x57: {  	_ =	shalt  }
0x58: {  	_ =	shalt  }
0x59: {  	_ =	shalt  }
0x5a: {  	_ =	shalt  }
0x5b: {  	_ =	shalt  }
0x5c: {  	_ =	shalt  }
0x5d: {  	_ =	shalt  }
0x5e: {  	_ =	shalt  }
0x5f: {  	_ =	shalt  }
0x60: {  	_ =	shalt  }
0x61: {  	_ =	shalt  }
0x62: {  	_ =	shalt  }
0x63: {  	_ =	shalt  }
0x64: {  	_ =	shalt  }
0x65: {  	_ =	shalt  }
0x66: {  	_ =	shalt  }
0x67: {  	_ =	shalt  }
0x68: {  	_ =	shalt  }
0x69: {  	_ =	shalt  }
0x6a: {  	_ =	shalt  }
0x6b: {  	_ =	shalt  }
0x6c: {  	_ =	shalt  }
0x6d: {  	_ =	shalt  }
0x6e: {  	_ =	shalt  }
0x6f: {  	_ =	shalt  }
0x70: {  	_ =	shalt  }
0x71: {  	_ =	shalt  }
0x72: {  	_ =	shalt  }
0x73: {  	_ =	shalt  }
0x74: {  	_ =	shalt  }
0x75: {  	_ =	shalt  }
0x76: {  	_ =	shalt  }
0x77: {  	_ =	shalt  }
0x78: {  	_ =	shalt  }
0x79: {  	_ =	shalt  }
0x7a: {  	_ =	shalt  }
0x7b: {  	_ =	shalt  }
0x7c: {  	_ =	shalt  }
0x7d: {  	_ =	shalt  }
0x7e: {  	_ =	shalt  }
0x7f: {  	_ =	shalt  }
0x80: {  	_ =	shalt  }
0x81: {  	_ =	shalt  }
0x82: {  	_ =	shalt  }
0x83: {  	_ =	shalt  }
0x84: {  	_ =	shalt  }
0x85: {  	_ =	shalt  }
0x86: {  	_ =	shalt  }
0x87: {  	_ =	shalt  }
.Lfunc_end0:
.L_simem_size_0:
called_computation.4_lowered:
.L_overlay_start_0:
0x88: {  	s2 =	sld [smem:$0x3FD9]  }
0x89: {  	s3 =	sld [smem:$0x3FFE];
	_ =	sdelay $0x1  }
0x8a: {  	s1 =	srdreg.scid  }
0x8b: {  	s0 =	sand.u32 $0x1, s1  }
0x8c: {  	s16 =	sshll.u32 s0, $0xA;
	s2 =	sadd.s32 s3, s2  }
0x8d: {  	s2 =	sadd.s32 s2, s16  }
0x8e: {  	[smem:$0x3FB2] =	sst s2  }
0x8f: {  	_ = 	snop  }
0x90: {  	(tm) =	ssettm $0x1  }
0x91: {  	s17 =	sld [smem:$0x3FFB];
	_ =	sdelay $0x3  }
0x92: {  	_ =	strace s17  }
0x93: {  	s2 =	sld [smem:$0x3FFC];
	_ =	sdelay $0x3  }
0x94: {  	_ =	strace s2  }
0x95: {  	s2 =	sld [smem:$0x3FFD];
	_ =	sdelay $0x3  }
0x96: {  	_ =	strace s2  }
0x97: {  	_ =	strace $0x8FFFFFFF  }
0x98: {  	s18 =	sld [smem:$0x3FDB];
	_ =	sdelay $0x1  }
0x99: {  	s19 =	simm.s32 $_scs_section_size  }
0x9a: {  	s4 =	simm.s32 $_size__tile_overlayer_lowered;
	s5 =	simm.s32 $_tile_overlayer_lowered  }
0x9b: {  	s22 =	simm.s32 $0x1BFF;
	s21 =	sshll.u32 s5, $0x1;
	s2 =	sadd.s32 s19, s18  }
0x9c: {  	s6 =	simm.s32 $0x0;
	s20 =	sshll.u32 s4, $0x1;
	s4 =	sadd.s32 s21, s2  }
0x9d: {  	[timem:s6], [sflag:s22] =	dma.local [hbm:s4], s20  }
0x9e: {  	_ =	swait.ge [sflag:s22], s20  }
0x9f: {  	s3 =	ssub.s32 $0x0, s20;
	[sflag:s22] =	ssyncset.done $0x0  }
0xa0: {  	[sflag:s22] =	ssyncadd.s32 s3;
	_ =	sdelay $0x1  }
0xa1: {  	s23 =	simm.s32 $0x1B8B  }
0xa2: {  	_ =	swait.ge [sflag:s23], $0x1  }
0xa3: {  	[sflag:s23] =	ssyncset.done $0x0  }
0xa4: {  	s25 =	simm.s32 $0x1B8E;
	s24 =	sld [smem:$0x3FFE];
	[sflag:s23] =	ssyncadd.s32 $0xFFFFFFFF  }
0xa5: {  	s26 =	simm.s32 $execute0_lowered;
	[smem:$0x3FD2] =	sst s25  }
0xa6: {  	s4 =	sshll.u32 s26, $0x1;
	_ =	strace $0x80000052;
	[dreg:$0x1] =	wrdreg $0xFFFFFFFF  }
0xa7: {  	s28 =	simm.s32 $_size_execute0_lowered;
	s2 =	sadd.s32 s2, s4;
	[dreg:$0x0] =	wrdreg $0x0  }
0xa8: {  	s4 =	sshll.u32 s28, $0x1;
	[dreg:$0x2] =	wrdreg s2  }
0xa9: {  	[dreg:$0x3] =	wrdreg s4  }
0xaa: {  	[dreg:$0x4] =	wrdreg $0xC0  }
0xab: {  	_ =	task [dreg:s6], $0x5FFFF  }
0xac: {  	[dreg:$0x1] =	wrdreg $0xFFFFFFFF  }
0xad: {  	[dreg:$0x0] =	wrdreg $0x60  }
0xae: {  	[dreg:$0x2] =	wrdreg s24  }
0xaf: {  	[dreg:$0x3] =	wrdreg $0x9  }
0xb0: {  	_ =	task.clear_ibuf [dreg:s6], $0x4FFFF;
	_ =	strace $0x90000052  }
0xb1: {  	s29 =	simm.s32 $0x9;
	_ =	strace $0x80000054  }
0xb2: {  	_ =	swait.ge [sflag:s29], $0x1  }
0xb3: {  	[sflag:s29] =	ssyncadd.s32 $0xFFFFFFFF  }
0xb4: {  	_ =	strace $0x90000054  }
0xb5: {  	_ =	sfence  }
0xb6: {  	s30 =	sld [smem:$0x0];
	_ =	sdelay $0x2  }
0xb7: {  	s31 =	sshll.u32 s1, $0xD;
	s1 =	sshrl.u32 s1, $0x2  }
0xb8: {  	s3 =	sand.u32 $0x4000, s31;
	s1 =	sadd.s32 s1, s30  }
0xb9: {  	s0 =	sor.u32 s3, s0;
	s1 =	sshll.u32 s1, $0x11  }
0xba: {  	s0 =	sor.u32 s1, s0  }
0xbb: {  	s0 =	sadd.s32 $0x8F2B, s0  }
0xbc: {  	[sflag:s0] =	ssyncadd.remote.s32 $0x1  }
0xbd: {  	_ =	sfence.sel $0xFFFF  }
0xbe: {  	[dreg:$0x0] =	wrdreg $0xFFFFFFFF;
	(pc) =	sbr.abs _section_cstart, $3  }
0xbf: {  	[dreg:$0x1] =	wrdreg $0xFFFFFFFF  }
0xc0: {  	_ =	task.clear_ibuf [dreg:s6], $0x2FFFF;
	_ =	strace $0x9FFFFFFF  }
0xc1: {  	(tm) =	ssettm $0x7FFFFFFF  }
tec
execute0_lowered:
.L_overlay_start_1:
0x0: {  	(tag) =	ssettag $0x1  }
0x1: {  	s5 =	rddreg [dreg:$0x0]  }
0x2: {  	s0 =	rddreg [dreg:$0x1]  }
0x3: {  	s1 =	stileid.u32;
	s3 =	srdreg.scid;
	s2 =	simm.s32 $0x0  }
0x4: {  	s11 =	simm.s32 $0x3;
	s12 =	simm.s32 $0x3C00;
	s13 =	simm.s32 $0x80  }
0x5: {  	s14 =	simm.s32 $0x7800;
	s15 =	simm.s32 $0xB800;
	s4 =	smul.u32 $0x28, s1  }
0x6: {  	s16 =	simm.s32 $0x0;
	s6 =	sand.u32 $0x1, s3;
	s7 =	smul.u32 $0x78, s1  }
0x7: {  	[smem:$0x7FF] =	sst s2;
	s3 =	sadd.s32 $0x35A00, s5;
	p0 =	seq.s32 s6, $0x0  }
0x8: {  	_ =	strace $0x80000053;
	s6 =	ssub.s32 $0x2, s6;
	s4 =	sadd.s32 $0x780, s4  }
0x9: {  	s9 =	sshrl.u32 s6, $0x1;
	s7 =	smov.u32 @p0 s4;
	s4 =	sadd.s32 $0x85A00, s5  }
0xa: {  	s9 =	ssub.s32 s6, s9;
	s8 =	sshll.u32 s7, $0x4;
	s7 =	sshll.u32 s7, $0xB  }
0xb: {  	s8 =	sadd.s32 s8, s5;
	s10 =	sadd.s32 s7, s5;
	s5 =	simm.s32 $0x14  }
0xc: {  	s5 =	simm.s32 @!p0 $0x3C;
	s6 =	sadd.s32 $0x20E00, s8;
	s7 =	sadd.s32 $0x2B400, s8  }
0xd: {  	s8 =	smax.u32 s9, $0x1;
	s9 =	sadd.s32 $0xADA00, s10;
	s10 =	sadd.s32 $0x5ADA00, s10  }
.LBB2_1:
0xe: {  	[tilespmem:s2], [sflag:$0x3] =	stream.linear.gather [hbm4b:s6+s2], $0x3C00, $0x38;
	[tilespmem:$0x17800] =	vst v63  }
0xf: {  	_ =	swait.ge [sflag:s11], $0x3C00  }
0x10: {  	[sflag:s11] =	ssyncset.done $0x0  }
0x11: {  	[sflag:s11] =	ssyncadd.s32 $0xFFFFC400  }
0x12: {  	[tilespmem:s12], [sflag:$0x3] =	stream.linear.gather [hbm4b:s7+s2], $0x3C00, $0x38;
	[tilespmem:$0x17800] =	vst v63  }
0x13: {  	_ =	swait.ge [sflag:s11], $0x3C00  }
0x14: {  	[sflag:s11] =	ssyncset.done $0x0  }
0x15: {  	p0 =	sgt.u32 s5, $0x0;
	[sflag:s11] =	ssyncadd.s32 $0xFFFFC400  }
0x16: {  	[tilespmem:s14], [sflag:$0x1] =	stream.indirect.gather [hbm4b:s3+s13], $0x80, s2, s13, $0xb8;
	[tilespmem:$0x17800] =	vst v63  }
0x17: {  	p0 =	por p0, p0  }
0x18: {  	[tilespmem:s15], [sflag:$0x1] =	stream.indirect.gather [hbm4b:s3+s13], $0x80, s13, s13, $0xb8;
	[tilespmem:$0x17800] =	vst v63  }
0x19: {  	s17 =	simm.s32 @p0 $0x3C00;
	s18 =	simm.s32 @p0 $0x80;
	s20 =	simm.s32 @p0 $0xF800  }
0x1a: {  	[tilespmem:s20], [sflag:$0x2] =	stream.indirect.gather @p0 [hbm4b:s4+s18], $0x80, s17, s18, $0xb8;
	[tilespmem:$0x17800] =	vst v63  }
0x1b: {  	s19 =	simm.s32 @p0 $0x13800;
	s21 =	simm.s32 @p0 $0x1;
	s17 =	simm.s32 @p0 $0x3C80  }
0x1c: {  	[tilespmem:s19], [sflag:$0x2] =	stream.indirect.gather @p0 [hbm4b:s4+s18], $0x80, s17, s18, $0xb8;
	[tilespmem:$0x17800] =	vst v63  }
0x1d: {  	_ =	swait.ge @p0 [sflag:s21], $0x8000  }
0x1e: {  	p1 =	sle.u32 @p0 s5, $0x1;
	s22 =	simm.s32 @p0 $0x0;
	[sflag:s21] =	ssyncset.done @p0 $0x0  }
0x1f: {  	s17 =	simm.s32 @p0 $0x4;
	s18 =	simm.s32 @p0 $0x7800;
	[sflag:s21] =	ssyncadd.s32 @p0 $0xFFFF8000  }
0x20: {  	[hbm4b:s9+s22] =	stream.linear.scatter @p0 [tilespmem:s18], [sflag:$0x4], $0x8000, $0x38;
	[tilespmem:$0x17800] =	vst v63  }
0x21: {  	p1 =	por p1, !p0;
	_ =	swait.ge @p0 [sflag:s17], $0x8000  }
0x22: {  	s19 =	simm.s32 @!p1 $0x80;
	[sflag:s17] =	ssyncset.done @p0 $0x0  }
0x23: {  	s18 =	simm.s32 @!p1 $0x7800;
	[sflag:s17] =	ssyncadd.s32 @p0 $0xFFFF8000;
	s17 =	simm.s32 @!p1 $0x100  }
0x24: {  	[tilespmem:s18], [sflag:$0x1] =	stream.indirect.gather @!p1 [hbm4b:s3+s19], $0x80, s17, s19, $0xb8;
	[tilespmem:$0x17800] =	vst v63  }
0x25: {  	s23 =	simm.s32 @p0 $0x2;
	s17 =	simm.s32 @!p1 $0x180;
	s18 =	simm.s32 @!p1 $0xB800  }
0x26: {  	[tilespmem:s18], [sflag:$0x1] =	stream.indirect.gather @!p1 [hbm4b:s3+s19], $0x80, s17, s19, $0xb8;
	[tilespmem:$0x17800] =	vst v63  }
0x27: {  	p2 =	sgt.u32 s5, $0x1;
	_ =	swait.ge @p0 [sflag:s23], $0x8000  }
0x28: {  	s24 =	simm.s32 @p0 $0x1;
	s21 =	simm.s32 $0x800;
	[sflag:s23] =	ssyncset.done @p0 $0x0  }
0x29: {  	s19 =	simm.s32 $0x400;
	[sflag:s23] =	ssyncadd.s32 @p0 $0xFFFF8000;
	s23 =	simm.s32 @p0 $0x3  }
0x2a: {  	[hbm4b:s10+s22] =	stream.linear.scatter @p0 [tilespmem:s20], [sflag:$0x3], $0x8000, $0x38;
	[tilespmem:$0x17800] =	vst v63  }
0x2b: {  	s17 =	sadd.s32 $0x1000, s10;
	s18 =	sadd.s32 $0x1000, s9;
	_ =	swait.ge @p0 [sflag:s23], $0x8000  }
0x2c: {  	s20 =	simm.s32 $0x2;
	s22 =	simm.s32 @!p0 $0x1;
	[sflag:s23] =	ssyncset.done @p0 $0x0  }
.LBB2_2:
0x2d: {  	s25 =	sshra.s32 @p2 s19, $0x2;
	[sflag:s23] =	ssyncadd.s32 @p0 $0xFFFF8000;
	s22 =	smov.u32 @p0 s24  }
0x2e: {  	s23 =	smov.u32 s21;
	s24 =	smov.u32 s17;
	p0 =	por p2, p2  }
0x2f: {  	s26 =	sadd.s32 @p0 $0x3C00, s25;
	s28 =	simm.s32 @p0 $0x80;
	s29 =	simm.s32 @p0 $0xF800  }
0x30: {  	[tilespmem:s29], [sflag:$0x2] =	stream.indirect.gather @p0 [hbm4b:s4+s28], $0x80, s26, s28, $0xb8;
	[tilespmem:$0x17800] =	vst v63  }
0x31: {  	s25 =	sadd.s32 @p0 $0x3C80, s25;
	s30 =	simm.s32 @p0 $0x1;
	s26 =	simm.s32 @p0 $0x13800  }
0x32: {  	[tilespmem:s26], [sflag:$0x2] =	stream.indirect.gather @p0 [hbm4b:s4+s28], $0x80, s25, s28, $0xb8;
	[tilespmem:$0x17800] =	vst v63  }
0x33: {  	s21 =	sadd.s32 $0x400, s21;
	_ =	swait.ge @p0 [sflag:s30], $0x8000  }
0x34: {  	p2 =	sge.u32 @p0 s20, s5;
	s25 =	simm.s32 @p0 $0x4;
	[sflag:s30] =	ssyncset.done @p0 $0x0  }
0x35: {  	s26 =	simm.s32 @p0 $0x0;
	s28 =	simm.s32 @p0 $0x7800;
	[sflag:s30] =	ssyncadd.s32 @p0 $0xFFFF8000  }
0x36: {  	[hbm4b:s18+s26] =	stream.linear.scatter @p0 [tilespmem:s28], [sflag:$0x4], $0x8000, $0x38;
	[tilespmem:$0x17800] =	vst v63  }
0x37: {  	p1 =	sne.s32 s21, $0xF000;
	p2 =	por p2, !p0;
	_ =	swait.ge @p0 [sflag:s25], $0x8000  }
0x38: {  	s19 =	sshra.s32 @!p2 s19, $0x2;
	s28 =	simm.s32 @!p2 $0x7800;
	[sflag:s25] =	ssyncset.done @p0 $0x0  }
0x39: {  	s30 =	simm.s32 @!p2 $0x80;
	[sflag:s25] =	ssyncadd.s32 @p0 $0xFFFF8000;
	s25 =	sadd.s32 @!p2 $0x100, s19  }
0x3a: {  	[tilespmem:s28], [sflag:$0x1] =	stream.indirect.gather @!p2 [hbm4b:s3+s30], $0x80, s25, s30, $0xb8;
	[tilespmem:$0x17800] =	vst v63  }
0x3b: {  	s19 =	sadd.s32 @!p2 $0x180, s19;
	s25 =	simm.s32 @!p2 $0xB800;
	s28 =	simm.s32 @p0 $0x2  }
0x3c: {  	[tilespmem:s25], [sflag:$0x1] =	stream.indirect.gather @!p2 [hbm4b:s3+s30], $0x80, s19, s30, $0xb8;
	[tilespmem:$0x17800] =	vst v63  }
0x3d: {  	s17 =	sadd.s32 $0x1000, s17;
	s19 =	smov.u32 s23;
	_ =	swait.ge @p0 [sflag:s28], $0x8000  }
0x3e: {  	s20 =	sadd.s32 $0x1, s20;
	s18 =	sadd.s32 $0x1000, s18;
	[sflag:s28] =	ssyncset.done @p0 $0x0  }
.Ltmp0:
0x3f: {  	s23 =	simm.s32 @p0 $0x3;
	[sflag:s28] =	ssyncadd.s32 @p0 $0xFFFF8000;
	(pc) =	sbr.rel @p1 .LBB2_2-.Ltmp0, $4  }
0x40: {  	[hbm4b:s24+s26] =	stream.linear.scatter @p0 [tilespmem:s29], [sflag:$0x3], $0x8000, $0x38;
	[tilespmem:$0x17800] =	vst v63  }
0x41: {  	s24 =	sadd.s32 $0xFFFFFFFF, s20  }
0x42: {  	s25 =	sadd.s32 @!p0 $0x1, s22;
	_ =	swait.ge @p0 [sflag:s23], $0x8000;
	p2 =	slt.u32 s24, s5  }
0x43: {  	s24 =	sadd.s32 @p0 $0x1, s22;
	s22 =	smov.u32 s25;
	[sflag:s23] =	ssyncset.done @p0 $0x0  }
0x44: {  	s21 =	sshra.s32 @p2 s19, $0x2;
	[sflag:s23] =	ssyncadd.s32 @p0 $0xFFFF8000;
	p0 =	por p2, p2  }
0x45: {  	s22 =	sadd.s32 @p0 $0x3C00, s21;
	s23 =	simm.s32 @p0 $0x80;
	s24 =	simm.s32 @p0 $0xF800  }
0x46: {  	[tilespmem:s24], [sflag:$0x2] =	stream.indirect.gather @p0 [hbm4b:s4+s23], $0x80, s22, s23, $0xb8;
	[tilespmem:$0x17800] =	vst v63  }
0x47: {  	s21 =	sadd.s32 @p0 $0x3C80, s21;
	s25 =	simm.s32 @p0 $0x1;
	s22 =	simm.s32 @p0 $0x13800  }
0x48: {  	[tilespmem:s22], [sflag:$0x2] =	stream.indirect.gather @p0 [hbm4b:s4+s23], $0x80, s21, s23, $0xb8;
	[tilespmem:$0x17800] =	vst v63  }
0x49: {  	_ =	swait.ge @p0 [sflag:s25], $0x8000  }
0x4a: {  	p1 =	sge.u32 @p0 s20, s5;
	s20 =	simm.s32 @p0 $0x0;
	[sflag:s25] =	ssyncset.done @p0 $0x0  }
0x4b: {  	s21 =	simm.s32 @p0 $0x4;
	s22 =	simm.s32 @p0 $0x7800;
	[sflag:s25] =	ssyncadd.s32 @p0 $0xFFFF8000  }
0x4c: {  	[hbm4b:s18+s20] =	stream.linear.scatter @p0 [tilespmem:s22], [sflag:$0x4], $0x8000, $0x38;
	[tilespmem:$0x17800] =	vst v63  }
0x4d: {  	p1 =	por p1, !p0;
	_ =	swait.ge @p0 [sflag:s21], $0x8000  }
0x4e: {  	s18 =	sshra.s32 @!p1 s19, $0x2;
	s19 =	simm.s32 @!p1 $0x7800;
	[sflag:s21] =	ssyncset.done @p0 $0x0  }
0x4f: {  	s22 =	simm.s32 @!p1 $0x80;
	[sflag:s21] =	ssyncadd.s32 @p0 $0xFFFF8000;
	s21 =	sadd.s32 @!p1 $0x100, s18  }
0x50: {  	[tilespmem:s19], [sflag:$0x1] =	stream.indirect.gather @!p1 [hbm4b:s3+s22], $0x80, s21, s22, $0xb8;
	[tilespmem:$0x17800] =	vst v63  }
0x51: {  	s18 =	sadd.s32 @!p1 $0x180, s18;
	s19 =	simm.s32 @!p1 $0xB800;
	s21 =	simm.s32 @p0 $0x2  }
0x52: {  	[tilespmem:s19], [sflag:$0x1] =	stream.indirect.gather @!p1 [hbm4b:s3+s22], $0x80, s18, s22, $0xb8;
	[tilespmem:$0x17800] =	vst v63  }
0x53: {  	s16 =	sadd.s32 $0x1, s16;
	_ =	swait.ge @p0 [sflag:s21], $0x8000  }
0x54: {  	p1 =	sne.s32 s16, s8;
	[sflag:s21] =	ssyncset.done @p0 $0x0  }
.Ltmp1:
0x55: {  	s18 =	simm.s32 @p0 $0x3;
	[sflag:s21] =	ssyncadd.s32 @p0 $0xFFFF8000;
	(pc) =	sbr.rel @p1 .LBB2_1-.Ltmp1, $4  }
0x56: {  	[hbm4b:s17+s20] =	stream.linear.scatter @p0 [tilespmem:s24], [sflag:$0x3], $0x8000, $0x38;
	[tilespmem:$0x17800] =	vst v63  }
0x57: {  	_ =	swait.ge @p0 [sflag:s18], $0x8000  }
0x58: {  	[sflag:s18] =	ssyncset.done @p0 $0x0  }
0x59: {  	[sflag:s18] =	ssyncadd.s32 @p0 $0xFFFF8000  }
0x5a: {  	_ =	sfence.sel $0x180000  }
0x5b: {  	[bflag:$0x0] =	sbarrier.arrive $0xFFFF  }
0x5c: {  	p0 =	sne.s32 s1, $0x0;
	_ =	strace $0x90000053  }
0x5d: {  	s0 =	sadd.s32 @!p0 $0x100000, s0;
	[bflag:$0x2] =	sbarrier.arrive $0xFFFF  }
0x5e: {  	[sflag:s0] =	ssyncadd.tile.s32 @!p0 $0x1;
	_ =	shalt  }
.Lfunc_end2:
_tile_overlayer_lowered:
.L_overlay_start_2:
0x5f: {  	(tag) =	ssettag $0x2  }
0x60: {  	s0 =	rddreg [dreg:$0x0];
	s2 =	stileid.u32  }
0x61: {  	s1 =	rddreg [dreg:$0x1];
	p0 =	sne.s32 s2, $0x0  }
0x62: {  	s3 =	rddreg [dreg:$0x2];
	[bflag:$0x3] =	sbarrier.arrive $0xFFFF;
	s2 =	simm.s32 @!p0 $0x1C03  }
0x63: {  	[timem:s3], [sflag:s2] =	dma.local @!p0 [hbm:s0], s1  }
0x64: {  	s0 =	simm.s32 @!p0 $0x3  }
0x65: {  	_ =	swait.ge @!p0 [sflag:s0], s1  }
0x66: {  	s1 =	ssub.s32 @!p0 $0x0, s1;
	[sflag:s0] =	ssyncset.done @!p0 $0x0  }
0x67: {  	[sflag:s0] =	ssyncadd.s32 @!p0 s1  }
0x68: {  	[bflag:$0x3] =	sbarrier.arrive $0xFFFF  }
0x69: {  	_ =	shalt  }

// kernel: kernel.32.cloned.1.call-start
scs
__scs_entry_jumppad:
0x0: {  	(pc) =	sbr.rel $0x88, $3  }
0x1: {  	(tag) =	ssettag $0x0;
	lr =	simm.s32 $0x1  }
0x2: {  	[smem:$0x3F8B] =	sst lr;
	_ =	strace $0xD0000000  }
0x3: {  	_ = 	snop  }
0x4: {  	_ = 	snop  }
0x5: {  	_ = 	snop  }
0x6: {  	_ = 	snop  }
0x7: {  	_ = 	snop  }
__scs_overlays_trampoline_lowered:
0x8: {  	[smem:$0x3F9A] =	sst s0  }
0x9: {  	[smem:$0x3F9B] =	sst s1  }
0xa: {  	[smem:$0x3F9C] =	sst s2  }
0xb: {  	[smem:$0x3F9D] =	sst s3  }
0xc: {  	[smem:$0x3F9E] =	sst s4  }
0xd: {  	[smem:$0x3F9F] =	sst s5  }
0xe: {  	[smem:$0x3FA0] =	sst s6  }
0xf: {  	[smem:$0x3FA1] =	sst s7  }
0x10: {  	[smem:$0x3FA2] =	sst s8  }
0x11: {  	[smem:$0x3FA3] =	sst s9;
	s0 =	simm.s32 @!p0 $0x0  }
0x12: {  	s1 =	sld [smem:$0x3F89];
	s0 =	simm.s32 @p0 $0x1  }
0x13: {  	[smem:$0x3FA4] =	sst s0;
	s0 =	simm.s32 @!p1 $0x0  }
0x14: {  	s2 =	sld [smem:$0x3F88];
	s0 =	simm.s32 @p1 $0x1  }
0x15: {  	[smem:$0x3FA5] =	sst s0;
	s0 =	simm.s32 @!p2 $0x0  }
0x16: {  	s3 =	sld [smem:$0x3FDB];
	s0 =	simm.s32 @p2 $0x1  }
0x17: {  	s4 =	simm.s32 $0x1BF5;
	[smem:$0x3FA7] =	sst s0  }
0x18: {  	s0 =	sld [smem:$0x3F8A];
	_ =	swait.ge [sflag:s4], $0x0  }
0x19: {  	s7 =	sld [smem:$0x3F8B]  }
0x1a: {  	s8 =	sadd.s32 $0xFFFFE003, lr  }
0x1b: {  	s9 =	sadd.s32 $0xFFFFFEF7, lr;
	s5 =	simm.s32 $0xFFFFFFFF;
	p2 =	slt.u32 s8, $0xFFFFF086  }
0x1c: {  	p1 =	slt.u32 s9, $0xF7A;
	s5 =	simm.s32 @!p2 $0x0  }
0x1d: {  	s5 =	simm.s32 @p1 $0x1;
	p0 =	seq.s32 s7, s2  }
0x1e: {  	s7 =	smul.u32 @!p0 $0xF7A, s2;
	p2 =	seq.s32 @!p0 s5, $0x0  }
0x1f: {  	s9 =	smul.u32 $0xF7A, s1;
	s8 =	simm.s32 @!p0 $0x1BF5;
	p2 =	por !p2, p0  }
0x20: {  	[sflag:s8] =	ssyncset.s32 @!p0 $0xFFFFF086;
	s6 =	sadd.s32 @!p0 s3, s7;
	s7 =	simm.s32 @!p0 $0x108  }
0x21: {  	s3 =	sadd.s32 s3, s9;
	s6 =	sadd.s32 @!p0 $0x88, s6;
	s7 =	simm.s32 @p2 $0x1082  }
0x22: {  	[simem:s7], [sflag:s8] =	dma.local @!p0 [hbm:s6], $0xF7A  }
0x23: {  	s9 =	sor.u32 $0xD0000000, s2;
	s6 =	simm.s32 $0x108;
	_ =	swait.ge @!p0 [sflag:s8], $0x0  }
0x24: {  	s3 =	sadd.s32 $0x88, s3;
	s6 =	simm.s32 @!p1 $0x1082;
	[sflag:s4] =	ssyncset.s32 $0xFFFFF086  }
0x25: {  	[simem:s6], [sflag:s4] =	dma.local [hbm:s3], $0xF7A  }
0x26: {  	[smem:$0x3F8B] =	sst s1;
	(tag) =	ssettag s2;
	_ =	strace s9  }
0x27: {  	s1 =	sld [smem:$0x3F9B]  }
0x28: {  	s2 =	sld [smem:$0x3F9C]  }
0x29: {  	s4 =	sld [smem:$0x3F9E]  }
0x2a: {  	p0 =	seq.s32 s5, $0x0;
	s5 =	sld [smem:$0x3F9F]  }
0x2b: {  	s6 =	sld [smem:$0x3FA0]  }
0x2c: {  	s7 =	sld [smem:$0x3FA1]  }
0x2d: {  	s3 =	simm.s32 $0x108;
	s8 =	sld [smem:$0x3FA2]  }
0x2e: {  	s3 =	simm.s32 @!p0 $0x1082;
	s9 =	sld [smem:$0x3FA3]  }
0x2f: {  	lr =	sadd.s32 s0, s3;
	s0 =	sld [smem:$0x3F9A]  }
0x30: {  	s3 =	sld [smem:$0x3F9D]  }
0x31: {  	[smem:$0x3FA6] =	sst s10  }
0x32: {  	s10 =	sld [smem:$0x3FA4];
	_ =	sdelay $0x3  }
0x33: {  	p0 =	seq.s32 s10, $0x1;
	s10 =	sld [smem:$0x3FA6];
	_ =	sdelay $0x3  }
0x34: {  	[smem:$0x3FA6] =	sst s10  }
0x35: {  	s10 =	sld [smem:$0x3FA5];
	_ =	sdelay $0x3  }
0x36: {  	p1 =	seq.s32 s10, $0x1;
	s10 =	sld [smem:$0x3FA6];
	_ =	sdelay $0x3  }
0x37: {  	[smem:$0x3FA6] =	sst s10  }
0x38: {  	s10 =	sld [smem:$0x3FA7]  }
0x39: {  	_ = 	snop;
	(pc) =	sbr.ind lr, $3  }
0x3a: {  	_ = 	snop  }
0x3b: {  	_ = 	snop  }
0x3c: {  	p2 =	seq.s32 s10, $0x1;
	s10 =	sld [smem:$0x3FA6]  }
0x3d: {  	_ =	shalt  }
0x3e: {  	_ =	shalt  }
0x3f: {  	_ =	shalt  }
0x40: {  	_ =	shalt  }
0x41: {  	_ =	shalt  }
0x42: {  	_ =	shalt  }
0x43: {  	_ =	shalt  }
0x44: {  	_ =	shalt  }
0x45: {  	_ =	shalt  }
0x46: {  	_ =	shalt  }
0x47: {  	_ =	shalt  }
0x48: {  	_ =	shalt  }
0x49: {  	_ =	shalt  }
0x4a: {  	_ =	shalt  }
0x4b: {  	_ =	shalt  }
0x4c: {  	_ =	shalt  }
0x4d: {  	_ =	shalt  }
0x4e: {  	_ =	shalt  }
0x4f: {  	_ =	shalt  }
0x50: {  	_ =	shalt  }
0x51: {  	_ =	shalt  }
0x52: {  	_ =	shalt  }
0x53: {  	_ =	shalt  }
0x54: {  	_ =	shalt  }
0x55: {  	_ =	shalt  }
0x56: {  	_ =	shalt  }
0x57: {  	_ =	shalt  }
0x58: {  	_ =	shalt  }
0x59: {  	_ =	shalt  }
0x5a: {  	_ =	shalt  }
0x5b: {  	_ =	shalt  }
0x5c: {  	_ =	shalt  }
0x5d: {  	_ =	shalt  }
0x5e: {  	_ =	shalt  }
0x5f: {  	_ =	shalt  }
0x60: {  	_ =	shalt  }
0x61: {  	_ =	shalt  }
0x62: {  	_ =	shalt  }
0x63: {  	_ =	shalt  }
0x64: {  	_ =	shalt  }
0x65: {  	_ =	shalt  }
0x66: {  	_ =	shalt  }
0x67: {  	_ =	shalt  }
0x68: {  	_ =	shalt  }
0x69: {  	_ =	shalt  }
0x6a: {  	_ =	shalt  }
0x6b: {  	_ =	shalt  }
0x6c: {  	_ =	shalt  }
0x6d: {  	_ =	shalt  }
0x6e: {  	_ =	shalt  }
0x6f: {  	_ =	shalt  }
0x70: {  	_ =	shalt  }
0x71: {  	_ =	shalt  }
0x72: {  	_ =	shalt  }
0x73: {  	_ =	shalt  }
0x74: {  	_ =	shalt  }
0x75: {  	_ =	shalt  }
0x76: {  	_ =	shalt  }
0x77: {  	_ =	shalt  }
0x78: {  	_ =	shalt  }
0x79: {  	_ =	shalt  }
0x7a: {  	_ =	shalt  }
0x7b: {  	_ =	shalt  }
0x7c: {  	_ =	shalt  }
0x7d: {  	_ =	shalt  }
0x7e: {  	_ =	shalt  }
0x7f: {  	_ =	shalt  }
0x80: {  	_ =	shalt  }
0x81: {  	_ =	shalt  }
0x82: {  	_ =	shalt  }
0x83: {  	_ =	shalt  }
0x84: {  	_ =	shalt  }
0x85: {  	_ =	shalt  }
0x86: {  	_ =	shalt  }
0x87: {  	_ =	shalt  }
.Lfunc_end0:
.L_simem_size_0:
called_computation.5_lowered:
.L_overlay_start_0:
0x88: {  	s2 =	sld [smem:$0x3FD9]  }
0x89: {  	s3 =	sld [smem:$0x3FFE];
	_ =	sdelay $0x1  }
0x8a: {  	s1 =	srdreg.scid  }
0x8b: {  	s0 =	sand.u32 $0x1, s1  }
0x8c: {  	s16 =	sshll.u32 s0, $0xA;
	s2 =	sadd.s32 s3, s2  }
0x8d: {  	s2 =	sadd.s32 s2, s16  }
0x8e: {  	[smem:$0x3FB2] =	sst s2  }
0x8f: {  	_ = 	snop  }
0x90: {  	(tm) =	ssettm $0x1  }
0x91: {  	s17 =	sld [smem:$0x3FFB];
	_ =	sdelay $0x3  }
0x92: {  	_ =	strace s17  }
0x93: {  	s2 =	sld [smem:$0x3FFC];
	_ =	sdelay $0x3  }
0x94: {  	_ =	strace s2  }
0x95: {  	s2 =	sld [smem:$0x3FFD];
	_ =	sdelay $0x3  }
0x96: {  	_ =	strace s2  }
0x97: {  	_ =	strace $0x8FFFFFFF  }
0x98: {  	s18 =	sld [smem:$0x3FDB];
	_ =	sdelay $0x1  }
0x99: {  	s19 =	simm.s32 $_scs_section_size  }
0x9a: {  	s4 =	simm.s32 $_size__tile_overlayer_lowered;
	s5 =	simm.s32 $_tile_overlayer_lowered  }
0x9b: {  	s22 =	simm.s32 $0x1BFF;
	s21 =	sshll.u32 s5, $0x1;
	s2 =	sadd.s32 s19, s18  }
0x9c: {  	s6 =	simm.s32 $0x0;
	s20 =	sshll.u32 s4, $0x1;
	s4 =	sadd.s32 s21, s2  }
0x9d: {  	[timem:s6], [sflag:s22] =	dma.local [hbm:s4], s20  }
0x9e: {  	_ =	swait.ge [sflag:s22], s20  }
0x9f: {  	s3 =	ssub.s32 $0x0, s20;
	[sflag:s22] =	ssyncset.done $0x0  }
0xa0: {  	[sflag:s22] =	ssyncadd.s32 s3;
	_ =	sdelay $0x1  }
0xa1: {  	s23 =	simm.s32 $0x1B8B  }
0xa2: {  	_ =	swait.ge [sflag:s23], $0x1  }
0xa3: {  	[sflag:s23] =	ssyncset.done $0x0  }
0xa4: {  	s25 =	simm.s32 $0x1B8E;
	s24 =	sld [smem:$0x3FFE];
	[sflag:s23] =	ssyncadd.s32 $0xFFFFFFFF  }
0xa5: {  	s26 =	simm.s32 $execute0_lowered;
	[smem:$0x3FD2] =	sst s25  }
0xa6: {  	s4 =	sshll.u32 s26, $0x1;
	_ =	strace $0x80000055;
	[dreg:$0x1] =	wrdreg $0xFFFFFFFF  }
0xa7: {  	s28 =	simm.s32 $_size_execute0_lowered;
	s2 =	sadd.s32 s2, s4;
	[dreg:$0x0] =	wrdreg $0x0  }
0xa8: {  	s4 =	sshll.u32 s28, $0x1;
	[dreg:$0x2] =	wrdreg s2  }
0xa9: {  	[dreg:$0x3] =	wrdreg s4  }
0xaa: {  	[dreg:$0x4] =	wrdreg $0xC0  }
0xab: {  	_ =	task [dreg:s6], $0x5FFFF  }
0xac: {  	[dreg:$0x1] =	wrdreg $0xFFFFFFFF  }
0xad: {  	[dreg:$0x0] =	wrdreg $0x60  }
0xae: {  	[dreg:$0x2] =	wrdreg s24  }
0xaf: {  	[dreg:$0x3] =	wrdreg $0xA8000  }
0xb0: {  	[dreg:$0x4] =	wrdreg $0x9  }
0xb1: {  	_ =	task.clear_ibuf [dreg:s6], $0x5FFFF;
	_ =	strace $0x90000055  }
0xb2: {  	s29 =	simm.s32 $0x9;
	_ =	strace $0x80000057  }
0xb3: {  	_ =	swait.ge [sflag:s29], $0x1  }
0xb4: {  	[sflag:s29] =	ssyncadd.s32 $0xFFFFFFFF  }
0xb5: {  	_ =	strace $0x90000057  }
0xb6: {  	_ =	sfence  }
0xb7: {  	s30 =	sld [smem:$0x0];
	_ =	sdelay $0x2  }
0xb8: {  	s31 =	sshll.u32 s1, $0xD;
	s1 =	sshrl.u32 s1, $0x2  }
0xb9: {  	s3 =	sand.u32 $0x4000, s31;
	s1 =	sadd.s32 s1, s30  }
0xba: {  	s0 =	sor.u32 s3, s0;
	s1 =	sshll.u32 s1, $0x11  }
0xbb: {  	s0 =	sor.u32 s1, s0  }
0xbc: {  	s0 =	sadd.s32 $0x8F2B, s0  }
0xbd: {  	[sflag:s0] =	ssyncadd.remote.s32 $0x1  }
0xbe: {  	_ =	sfence.sel $0xFFFF  }
0xbf: {  	[dreg:$0x0] =	wrdreg $0xFFFFFFFF;
	(pc) =	sbr.abs _section_cstart, $3  }
0xc0: {  	[dreg:$0x1] =	wrdreg $0xFFFFFFFF  }
0xc1: {  	_ =	task.clear_ibuf [dreg:s6], $0x2FFFF;
	_ =	strace $0x9FFFFFFF  }
0xc2: {  	(tm) =	ssettm $0x7FFFFFFF  }
0xc3: {  	_ =	shalt  }
tec
execute0_lowered:
.L_overlay_start_1:
0x0: {  	(tag) =	ssettag $0x1  }
0x1: {  	s3 =	rddreg [dreg:$0x0]  }
0x2: {  	s0 =	srdreg.scid;
	s1 =	rddreg [dreg:$0x1]  }
0x3: {  	s19 =	stileid.u32;
	s2 =	simm.s32 $0x0;
	s15 =	simm.s32 $0x6800  }
0x4: {  	s16 =	simm.s32 $0x1;
	s17 =	simm.s32 $0x80;
	s18 =	simm.s32 $0x2  }
0x5: {  	s20 =	simm.s32 $0x2780;
	s4 =	sand.u32 $0x1, s0;
	s0 =	rddreg [dreg:$0x2]  }
0x6: {  	s22 =	simm.s32 $0x0;
	[smem:$0x7FF] =	sst s2;
	s6 =	smul.u32 $0x2800, s19  }
0x7: {  	s11 =	sadd.s32 $0xAADA00, s3;
	s10 =	smul.u32 $0x50000, s19;
	s13 =	sshll.u32 s19, $0x6  }
0x8: {  	s28 =	smul.u32 $0x140000, s19;
	p0 =	sne.s32 s19, $0x0;
	s5 =	sshll.u32 s4, $0x4  }
0x9: {  	_ =	strace $0x80000056;
	s8 =	smul.u32 $0x28000, s4;
	s9 =	ssub.s32 $0x2, s4  }
0xa: {  	s14 =	smul.u32 $0x1400000, s4;
	s4 =	sor.u32 $0x1C03, s13;
	s21 =	sshrl.u32 @!p0 s1, $0x3  }
0xb: {  	s7 =	sor.u32 s19, s5;
	s6 =	sadd.s32 s6, s3;
	s24 =	sshrl.u32 s9, $0x1  }
0xc: {  	s25 =	sshrl.u32 s10, $0x2;
	s19 =	simm.s32 $0x2700;
	s5 =	smul.u32 $0x500, s7  }
0xd: {  	s8 =	sadd.s32 s8, s3;
	s9 =	ssub.s32 s9, s24;
	s26 =	smul.u32 $0x28000, s7  }
0xe: {  	s12 =	sadd.s32 s25, s1;
	s29 =	smul.u32 $0x140000, s7;
	s30 =	sadd.s32 s28, s14  }
0xf: {  	s14 =	simm.s32 $0x2800;
	s7 =	sadd.s32 $0x85A00, s8;
	s8 =	smax.u32 s9, $0x1  }
0x10: {  	s13 =	sor.u32 $0x8000, s30;
	s9 =	sor.u32 $0x4000, s30;
	s12 =	sshrl.u32 s12, $0x3  }
0x11: {  	s5 =	sadd.s32 s5, s3;
	s3 =	sadd.s32 $0x5DA00, s6;
	s10 =	sshrl.u32 s29, $0x3  }
0x12: {  	s6 =	sadd.s32 s11, s26;
	s13 =	sshrl.u32 s13, $0x3;
	s10 =	sadd.s32 s11, s10  }
0x13: {  	s31 =	sshrl.u32 s9, $0x3;
	s5 =	sadd.s32 $0x16E00, s5;
	s9 =	sadd.s32 $0x27800, s10  }
0x14: {  	s10 =	sadd.s32 s13, s11;
	s11 =	sadd.s32 s31, s11;
	s13 =	simm.s32 $0x3  }
.LBB2_1:
0x15: {  	[spmem:s12], [sflag:s4] =	dma.local [hbm:s3], $0x2800  }
0x16: {  	_ =	swait.ge [sflag:s13], $0x2800  }
0x17: {  	[sflag:s13] =	ssyncset.done $0x0  }
0x18: {  	[sflag:s13] =	ssyncadd.s32 $0xFFFFD800  }
0x19: {  	[bflag:$0x0] =	sbarrier.arrive $0xFFFF  }
0x1a: {  	[tilespmem:s2], [sflag:$0x3] =	stream.linear.gather [hbm4b:s5+s2], $0x2800, $0x38;
	[tilespmem:$0x1E800] =	vst v63  }
0x1b: {  	_ =	swait.ge [sflag:s13], $0x2800  }
0x1c: {  	[sflag:s13] =	ssyncset.done $0x0  }
0x1d: {  	[sflag:s13] =	ssyncadd.s32 $0xFFFFD800  }
0x1e: {  	[tilespmem:s14], [sflag:$0x1] =	stream.linear.gather [hbm4b:s6+s2], $0x4000, $0x38;
	[tilespmem:$0x1E800] =	vst v63  }
0x1f: {  	s23 =	sadd.s32 $0x0, s11  }
0x20: {  	[tilespmem:s15], [sflag:$0x2] =	stream.linear.gather [hbm4b:s23+s2], $0x4000, $0x38;
	[tilespmem:$0x1E800] =	vst v63  }
0x21: {  	_ =	swait.ge [sflag:s16], $0x4000  }
0x22: {  	[sflag:s16] =	ssyncset.done $0x0  }
0x23: {  	[sflag:s16] =	ssyncadd.s32 $0xFFFFC000  }
0x24: {  	[spmem:s1] =	stream.indirect.scatter.add.f32 [tilespmem:s14], [sflag:$0x3], $0x80, s2, s17, $0xb8;
	[tilespmem:$0x1E800] =	vst v63  }
0x25: {  	_ =	swait.ge [sflag:s13], $0x4000  }
0x26: {  	[sflag:s13] =	ssyncset.done $0x0  }
0x27: {  	s30 =	sadd.s32 $0x0, s10;
	[sflag:s13] =	ssyncadd.s32 $0xFFFFC000  }
0x28: {  	[tilespmem:s14], [sflag:$0x1] =	stream.linear.gather [hbm4b:s30+s2], $0x4000, $0x38;
	[tilespmem:$0x1E800] =	vst v63  }
0x29: {  	_ =	swait.ge [sflag:s18], $0x4000  }
0x2a: {  	[sflag:s18] =	ssyncset.done $0x0  }
0x2b: {  	s31 =	simm.s32 $0x80;
	[sflag:s18] =	ssyncadd.s32 $0xFFFFC000  }
0x2c: {  	[spmem:s1] =	stream.indirect.scatter.add.f32 [tilespmem:s15], [sflag:$0x3], $0x80, s31, s17, $0xb8;
	[tilespmem:$0x1E800] =	vst v63  }
0x2d: {  	s24 =	simm.s32 $0x1000;
	_ =	swait.ge [sflag:s13], $0x4000  }
0x2e: {  	s25 =	simm.s32 $0x2000;
	s23 =	simm.s32 $0x100;
	[sflag:s13] =	ssyncset.done $0x0  }
.LBB2_2:
0x2f: {  	s26 =	sadd.s32 s24, s11  }
0x30: {  	[sflag:s13] =	ssyncadd.s32 $0xFFFFC000;
	s28 =	smov.u32 s25;
	s29 =	sadd.s32 $0x1000, s25  }
0x31: {  	[tilespmem:s15], [sflag:$0x2] =	stream.linear.gather [hbm4b:s26+s2], $0x4000, $0x38;
	[tilespmem:$0x1E800] =	vst v63  }
0x32: {  	p1 =	sne.s32 s25, $0x26000;
	_ =	swait.ge [sflag:s16], $0x4000  }
0x33: {  	[sflag:s16] =	ssyncset.done $0x0  }
0x34: {  	[sflag:s16] =	ssyncadd.s32 $0xFFFFC000  }
0x35: {  	[spmem:s1] =	stream.indirect.scatter.add.f32 [tilespmem:s14], [sflag:$0x3], $0x80, s23, s17, $0xb8;
	[tilespmem:$0x1E800] =	vst v63  }
0x36: {  	_ =	swait.ge [sflag:s13], $0x4000  }
0x37: {  	[sflag:s13] =	ssyncset.done $0x0  }
0x38: {  	s25 =	sadd.s32 s24, s10;
	s24 =	smov.u32 s28;
	[sflag:s13] =	ssyncadd.s32 $0xFFFFC000  }
0x39: {  	[tilespmem:s14], [sflag:$0x1] =	stream.linear.gather [hbm4b:s25+s2], $0x4000, $0x38;
	[tilespmem:$0x1E800] =	vst v63  }
0x3a: {  	_ =	swait.ge [sflag:s18], $0x4000  }
.Ltmp0:
0x3b: {  	[sflag:s18] =	ssyncset.done $0x0;
	(pc) =	sbr.rel @p1 .LBB2_2-.Ltmp0, $4  }
0x3c: {  	s25 =	sadd.s32 $0x80, s23;
	[sflag:s18] =	ssyncadd.s32 $0xFFFFC000  }
0x3d: {  	[spmem:s1] =	stream.indirect.scatter.add.f32 [tilespmem:s15], [sflag:$0x3], $0x80, s25, s17, $0xb8;
	[tilespmem:$0x1E800] =	vst v63  }
0x3e: {  	_ =	swait.ge [sflag:s13], $0x4000  }
0x3f: {  	s23 =	sadd.s32 $0x100, s23;
	s25 =	smov.u32 s29;
	[sflag:s13] =	ssyncset.done $0x0  }
0x40: {  	s25 =	sadd.s32 s24, s11;
	[sflag:s13] =	ssyncadd.s32 $0xFFFFC000  }
0x41: {  	[tilespmem:s15], [sflag:$0x2] =	stream.linear.gather [hbm4b:s25+s2], $0x4000, $0x38;
	[tilespmem:$0x1E800] =	vst v63  }
0x42: {  	_ =	swait.ge [sflag:s16], $0x4000  }
0x43: {  	[sflag:s16] =	ssyncset.done $0x0  }
0x44: {  	[sflag:s16] =	ssyncadd.s32 $0xFFFFC000  }
0x45: {  	[spmem:s1] =	stream.indirect.scatter.add.f32 [tilespmem:s14], [sflag:$0x3], $0x80, s23, s17, $0xb8;
	[tilespmem:$0x1E800] =	vst v63  }
0x46: {  	_ =	swait.ge [sflag:s13], $0x4000  }
0x47: {  	[sflag:s13] =	ssyncset.done $0x0  }
0x48: {  	s30 =	sadd.s32 s24, s10;
	[sflag:s13] =	ssyncadd.s32 $0xFFFFC000  }
0x49: {  	[tilespmem:s14], [sflag:$0x1] =	stream.linear.gather [hbm4b:s30+s2], $0x4000, $0x38;
	[tilespmem:$0x1E800] =	vst v63  }
0x4a: {  	_ =	swait.ge [sflag:s18], $0x4000  }
0x4b: {  	[sflag:s18] =	ssyncset.done $0x0  }
0x4c: {  	s31 =	sadd.s32 $0x80, s23;
	[sflag:s18] =	ssyncadd.s32 $0xFFFFC000  }
0x4d: {  	[spmem:s1] =	stream.indirect.scatter.add.f32 [tilespmem:s15], [sflag:$0x3], $0x80, s31, s17, $0xb8;
	[tilespmem:$0x1E800] =	vst v63  }
0x4e: {  	_ =	swait.ge [sflag:s13], $0x4000  }
0x4f: {  	[sflag:s13] =	ssyncset.done $0x0  }
0x50: {  	[sflag:s13] =	ssyncadd.s32 $0xFFFFC000  }
0x51: {  	[tilespmem:s15], [sflag:$0x2] =	stream.linear.gather [hbm4b:s9+s2], $0x4000, $0x38;
	[tilespmem:$0x1E800] =	vst v63  }
0x52: {  	_ =	swait.ge [sflag:s16], $0x4000  }
0x53: {  	[sflag:s16] =	ssyncset.done $0x0  }
0x54: {  	[sflag:s16] =	ssyncadd.s32 $0xFFFFC000  }
0x55: {  	[spmem:s1] =	stream.indirect.scatter.add.f32 [tilespmem:s14], [sflag:$0x3], $0x80, s19, s17, $0xb8;
	[tilespmem:$0x1E800] =	vst v63  }
0x56: {  	_ =	swait.ge [sflag:s13], $0x4000  }
0x57: {  	[sflag:s13] =	ssyncset.done $0x0  }
0x58: {  	[sflag:s13] =	ssyncadd.s32 $0xFFFFC000  }
0x59: {  	_ =	swait.ge [sflag:s18], $0x4000  }
0x5a: {  	[sflag:s18] =	ssyncset.done $0x0  }
0x5b: {  	[sflag:s18] =	ssyncadd.s32 $0xFFFFC000  }
0x5c: {  	[spmem:s1] =	stream.indirect.scatter.add.f32 [tilespmem:s15], [sflag:$0x3], $0x80, s20, s17, $0xb8;
	[tilespmem:$0x1E800] =	vst v63  }
0x5d: {  	_ =	swait.ge [sflag:s13], $0x4000  }
0x5e: {  	s22 =	sadd.s32 $0x1, s22;
	[sflag:s13] =	ssyncset.done $0x0  }
0x5f: {  	p1 =	sne.s32 s22, s8;
	[sflag:s13] =	ssyncadd.s32 $0xFFFFC000  }
.Ltmp1:
0x60: {  	s23 =	simm.s32 @!p0 $0x3;
	[bflag:$0x0] =	sbarrier.arrive $0xFFFF;
	(pc) =	sbr.rel @p1 .LBB2_1-.Ltmp1, $4  }
0x61: {  	[hbm:s7], [sflag:s4] =	dma.local @!p0 [spmem:s21], $0x28000  }
0x62: {  	_ =	swait.ge @!p0 [sflag:s23], $0x28000  }
0x63: {  	[sflag:s23] =	ssyncset.done @!p0 $0x0  }
0x64: {  	[sflag:s23] =	ssyncadd.s32 @!p0 $0xFFFD8000  }
0x65: {  	_ =	sfence.sel $0x180000  }
0x66: {  	[bflag:$0x0] =	sbarrier.arrive $0xFFFF  }
0x67: {  	_ =	strace $0x90000056  }
0x68: {  	s0 =	sadd.s32 @!p0 $0x100000, s0;
	[bflag:$0x2] =	sbarrier.arrive $0xFFFF  }
0x69: {  	[sflag:s0] =	ssyncadd.tile.s32 @!p0 $0x1;
	_ =	shalt  }
.Lfunc_end2:
_tile_overlayer_lowered:
.L_overlay_start_2:
0x6a: {  	(tag) =	ssettag $0x2  }
0x6b: {  	s0 =	rddreg [dreg:$0x0];
	s2 =	stileid.u32  }
0x6c: {  	s1 =	rddreg [dreg:$0x1];
	p0 =	sne.s32 s2, $0x0  }
0x6d: {  	s3 =	rddreg [dreg:$0x2];
	[bflag:$0x3] =	sbarrier.arrive $0xFFFF;
	s2 =	simm.s32 @!p0 $0x1C03  }
0x6e: {  	[timem:s3], [sflag:s2] =	dma.local @!p0 [hbm:s0], s1  }
0x6f: {  	s0 =	simm.s32 @!p0 $0x3  }
0x70: {  	_ =	swait.ge @!p0 [sflag:s0], s1  }
0x71: {  	s1 =	ssub.s32 @!p0 $0x0, s1;
	[sflag:s0] =	ssyncset.done @!p0 $0x0  }
0x72: {  	[sflag:s0] =	ssyncadd.s32 @!p0 s1  }
0x73: {  	[bflag:$0x3] =	sbarrier.arrive $0xFFFF  }
0x74: {  	_ =	shalt  }

</sc_bundles>
